<compile_context>
chip_gen: v7x
topology: tpu7x:2x2x1
jax: 0.10.2.dev20260603
libtpu: 0.0.44.dev20260713+nightly
codegen_flags: <defaults>
</compile_context>

<pallas_src>
import functools

import jax
import jax.numpy as jnp
from jax import lax
from jax.experimental import pallas as pl
from jax.experimental.pallas import tpu as pltpu
from jax.experimental.pallas import tpu_sc as plsc

N = 10000
E = 320000
H = 128
D_EDGE = 16
L = 3

NC = 2
NS = 16
NW = NC * NS
GROUP = 64
GPW = 160
EW = GROUP * GPW
EPAD = EW * NW
NPAD = 10112
RPW = NPAD // NS
CG = 40

BN = 2000
BE = 4096



def _sc_body(h_hbm, emb_hbm, src_hbm, dst_hbm, zero_hbm, out_hbm,
             srcbuf, dstbuf, gbuf0, mbuf0, gbuf1, mbuf1, acc,
             semg0, semm0, semg1, semm1):
    c = lax.axis_index("c")
    s = lax.axis_index("s")
    wid = c * NS + s

    pltpu.sync_copy(zero_hbm, acc.at[pl.ds(s * RPW, RPW)])

    plsc.subcore_barrier()

    def start(cc, j, gbuf, mbuf, semg, semm):
        ebase = wid * EW + cc * CG * GROUP + j * GROUP
        dm = pltpu.async_copy(emb_hbm.at[pl.ds(ebase, GROUP)], mbuf, semm)
        dg = pltpu.async_copy(h_hbm.at[srcbuf.at[j]], gbuf, semg)
        return dm, dg

    def work(j, gbuf, mbuf):
        def _row(i, cr):
            for k in range(H // 16):
                sl = pl.ds(k * 16, 16)
                mbuf[i, sl] = jnp.maximum(mbuf[i, sl] + gbuf[i, sl], 0.0)
            return cr

        lax.fori_loop(0, GROUP, _row, 0)

        pltpu.sync_copy(mbuf, acc.at[dstbuf.at[j]], add=True)

    def chunk_step(cc, carry0):
        pltpu.sync_copy(src_hbm.at[pl.ds(wid * GPW + cc * CG, CG)], srcbuf)
        pltpu.sync_copy(dst_hbm.at[pl.ds(wid * GPW + cc * CG, CG)], dstbuf)

        def pair_step(p, carry):
            ja = 2 * p
            jb = 2 * p + 1
            dma, dga = start(cc, ja, gbuf0, mbuf0, semg0, semm0)
            dmb, dgb = start(cc, jb, gbuf1, mbuf1, semg1, semm1)
            dma.wait()
            dga.wait()
            work(ja, gbuf0, mbuf0)
            dmb.wait()
            dgb.wait()
            work(jb, gbuf1, mbuf1)
            return carry

        lax.fori_loop(0, CG // 2, pair_step, 0)
        return carry0

    lax.fori_loop(0, GPW // CG, chunk_step, 0)
    plsc.subcore_barrier()
    pltpu.sync_copy(acc.at[pl.ds(s * RPW, RPW)],
                    out_hbm.at[c, pl.ds(s * RPW, RPW)])


_sc_gather_scatter = functools.partial(
    pl.kernel,
    out_type=jax.ShapeDtypeStruct((NC, NPAD, H), jnp.float32),
    mesh=plsc.VectorSubcoreMesh(
        core_axis_name="c", subcore_axis_name="s",
        num_cores=NC, num_subcores=NS),
    scratch_types=[
        pltpu.VMEM((CG, GROUP), jnp.int32),
        pltpu.VMEM((CG, GROUP), jnp.int32),
        pltpu.VMEM((GROUP, H), jnp.float32),
        pltpu.VMEM((GROUP, H), jnp.float32),
        pltpu.VMEM((GROUP, H), jnp.float32),
        pltpu.VMEM((GROUP, H), jnp.float32),
        pltpu.VMEM_SHARED((NPAD, H), jnp.float32),
        pltpu.SemaphoreType.DMA,
        pltpu.SemaphoreType.DMA,
        pltpu.SemaphoreType.DMA,
        pltpu.SemaphoreType.DMA,
    ],
)(_sc_body)



def _enc_body(x_ref, w_ref, b_ref, o_ref):
    o_ref[...] = (
        jnp.dot(x_ref[...], w_ref[...], preferred_element_type=jnp.float32)
        + b_ref[...])


_encoder = pl.pallas_call(
    _enc_body,
    grid=(N // BN,),
    in_specs=[
        pl.BlockSpec((BN, 128), lambda i: (i, 0)),
        pl.BlockSpec((128, H), lambda i: (0, 0)),
        pl.BlockSpec((1, H), lambda i: (0, 0)),
    ],
    out_specs=pl.BlockSpec((BN, H), lambda i: (i, 0)),
    out_shape=jax.ShapeDtypeStruct((N, H), jnp.float32),
)


def _edge_body(a_ref, w_ref, b_ref, o_ref):
    o_ref[...] = (
        jnp.dot(a_ref[...], w_ref[...], preferred_element_type=jnp.float32)
        + b_ref[...])


_edge_embed = pl.pallas_call(
    _edge_body,
    grid=(EPAD // BE,),
    in_specs=[
        pl.BlockSpec((BE, D_EDGE), lambda i: (i, 0)),
        pl.BlockSpec((D_EDGE, H), lambda i: (0, 0)),
        pl.BlockSpec((1, H), lambda i: (0, 0)),
    ],
    out_specs=pl.BlockSpec((BE, H), lambda i: (i, 0)),
    out_shape=jax.ShapeDtypeStruct((EPAD, H), jnp.float32),
)


def _node_body(eps_ref, h_ref, a_ref, w1_ref, b1_ref, w2_ref, b2_ref, o_ref):
    z = h_ref[...] * eps_ref[0, 0] + a_ref[0] + a_ref[1]
    z = jnp.maximum(
        jnp.dot(z, w1_ref[...], preferred_element_type=jnp.float32)
        + b1_ref[...], 0.0)
    z = (jnp.dot(z, w2_ref[...], preferred_element_type=jnp.float32)
         + b2_ref[...])
    o_ref[...] = jnp.maximum(z, 0.0)


_node_update = pl.pallas_call(
    _node_body,
    grid=(N // BN,),
    in_specs=[
        pl.BlockSpec(memory_space=pltpu.SMEM),
        pl.BlockSpec((BN, H), lambda i: (i, 0)),
        pl.BlockSpec((NC, BN, H), lambda i: (0, i, 0)),
        pl.BlockSpec((H, H), lambda i: (0, 0)),
        pl.BlockSpec((1, H), lambda i: (0, 0)),
        pl.BlockSpec((H, H), lambda i: (0, 0)),
        pl.BlockSpec((1, H), lambda i: (0, 0)),
    ],
    out_specs=pl.BlockSpec((BN, H), lambda i: (i, 0)),
    out_shape=jax.ShapeDtypeStruct((N, H), jnp.float32),
)


def _head_body(h_ref, w0_ref, b0_ref, w1_ref, b1_ref, w2_ref, b2_ref, o_ref):
    o = jnp.maximum(
        jnp.dot(h_ref[...], w0_ref[...], preferred_element_type=jnp.float32)
        + b0_ref[...], 0.0)
    o = jnp.maximum(
        jnp.dot(o, w1_ref[...], preferred_element_type=jnp.float32)
        + b1_ref[...], 0.0)
    o_ref[...] = (
        jnp.dot(o, w2_ref[...], preferred_element_type=jnp.float32)
        + b2_ref[...])


_head = pl.pallas_call(
    _head_body,
    grid=(N // BN,),
    in_specs=[
        pl.BlockSpec((BN, H), lambda i: (i, 0)),
        pl.BlockSpec((H, H), lambda i: (0, 0)),
        pl.BlockSpec((1, H), lambda i: (0, 0)),
        pl.BlockSpec((H, H), lambda i: (0, 0)),
        pl.BlockSpec((1, H), lambda i: (0, 0)),
        pl.BlockSpec((H, H), lambda i: (0, 0)),
        pl.BlockSpec((1, H), lambda i: (0, 0)),
    ],
    out_specs=pl.BlockSpec((BN, H), lambda i: (i, 0)),
    out_shape=jax.ShapeDtypeStruct((N, H), jnp.float32),
)



def kernel(x, edge_index, edge_attr, y, params):
    p = params
    pad = EPAD - E
    src2d = jnp.concatenate(
        [edge_index[0], jnp.zeros((pad,), jnp.int32)]).reshape(EPAD // GROUP, GROUP)
    dst2d = jnp.concatenate(
        [edge_index[1], jnp.full((pad,), N, jnp.int32)]).reshape(EPAD // GROUP, GROUP)
    ea_pad = jnp.concatenate(
        [edge_attr, jnp.zeros((pad, D_EDGE), jnp.float32)], axis=0)
    zero_rows = jnp.zeros((RPW, H), jnp.float32)

    h = _encoder(x, p['enc_Wn'], p['enc_bn'].reshape(1, H))
    for l in range(L):
        wc = p['enc_We'] @ p[f'l{l}_elin_W']
        bc = p['enc_be'] @ p[f'l{l}_elin_W'] + p[f'l{l}_elin_b']
        emb = _edge_embed(ea_pad, wc, bc.reshape(1, H))
        agg2 = _sc_gather_scatter(h, emb, src2d, dst2d, zero_rows)
        g = p[f'l{l}_bn_g']
        w2 = p[f'l{l}_W2'] * g[None, :]
        b2 = p[f'l{l}_b2'] * g + p[f'l{l}_bn_b']
        epsm = (1.0 + p[f'l{l}_eps']).reshape(1, 1)
        h = _node_update(epsm, h, agg2, p[f'l{l}_W1'],
                         p[f'l{l}_b1'].reshape(1, H), w2, b2.reshape(1, H))

    w2p = jnp.pad(p['head_W2'], ((0, 0), (0, 127)))
    b2p = jnp.pad(p['head_b2'], (0, 127)).reshape(1, 128)
    o = _head(h, p['head_W0'], p['head_b0'].reshape(1, H),
              p['head_W1'], p['head_b1'].reshape(1, H), w2p, b2p)
    pred = o[:, :1]

    true_class = jnp.full((N,), -1, jnp.int32)
    true_label = jnp.where(y != -1.0, y, -1.0)
    return (pred, true_class, true_label)

# --- scband reference (transcript-rebuilt; emitter-appended) ---
"""Pipeline reference for scband-graph-head-72327249264834 (READ-ONLY COPY).

The authoritative reference and input builder live on the scoring server;
editing this copy changes nothing except your own understanding.
"""

import jax, jax.numpy as jnp
import numpy as np

N = 10000
E = 320000
D_FEAT = 128
D_EDGE = 16
H = 128
L = 3


def _init_params(key):
    params = {}
    k = key

    def nxt():
        nonlocal k
        k, sub = jax.random.split(k)
        return sub

    params['enc_Wn'] = jax.random.normal(nxt(), (D_FEAT, H), dtype=jnp.float32) * 0.05
    params['enc_bn'] = jnp.zeros((H,), dtype=jnp.float32)
    params['enc_We'] = jax.random.normal(nxt(), (D_EDGE, H), dtype=jnp.float32) * 0.05
    params['enc_be'] = jnp.zeros((H,), dtype=jnp.float32)
    for l in range(L):
        params[f'l{l}_elin_W'] = jax.random.normal(nxt(), (H, H), dtype=jnp.float32) * 0.05
        params[f'l{l}_elin_b'] = jnp.zeros((H,), dtype=jnp.float32)
        params[f'l{l}_eps'] = jnp.zeros((), dtype=jnp.float32)
        params[f'l{l}_W1'] = jax.random.normal(nxt(), (H, H), dtype=jnp.float32) * 0.05
        params[f'l{l}_b1'] = jnp.zeros((H,), dtype=jnp.float32)
        params[f'l{l}_W2'] = jax.random.normal(nxt(), (H, H), dtype=jnp.float32) * 0.05
        params[f'l{l}_b2'] = jnp.zeros((H,), dtype=jnp.float32)
        params[f'l{l}_bn_g'] = jnp.ones((H,), dtype=jnp.float32)
        params[f'l{l}_bn_b'] = jnp.zeros((H,), dtype=jnp.float32)
    params['head_W0'] = jax.random.normal(nxt(), (H, H), dtype=jnp.float32) * 0.05
    params['head_b0'] = jnp.zeros((H,), dtype=jnp.float32)
    params['head_W1'] = jax.random.normal(nxt(), (H, H), dtype=jnp.float32) * 0.05
    params['head_b1'] = jnp.zeros((H,), dtype=jnp.float32)
    params['head_W2'] = jax.random.normal(nxt(), (H, 1), dtype=jnp.float32) * 0.05
    params['head_b2'] = jnp.zeros((1,), dtype=jnp.float32)
    return params


def setup_inputs(seed: int = 0) -> dict:
    key = jax.random.key(seed)
    k0, k1, k2, k3, kp = jax.random.split(key, 5)
    x = jax.random.normal(k0, (N, D_FEAT), dtype=jnp.float32)
    edge_index = jax.random.randint(k1, (2, E), 0, N, dtype=jnp.int32)
    edge_attr = jax.random.normal(k2, (E, D_EDGE), dtype=jnp.float32)
    y = jax.random.normal(k3, (N,), dtype=jnp.float32)
    params = _init_params(kp)
    return {'x': x, 'edge_index': edge_index, 'edge_attr': edge_attr, 'y': y, 'params': params}


def reference(x, edge_index, edge_attr, y, params):
    # FeatureEncoder: linear encode node feats and edge feats to hidden dim
    h = x @ params['enc_Wn'] + params['enc_bn']
    e = edge_attr @ params['enc_We'] + params['enc_be']
    src = edge_index[0]
    dst = edge_index[1]
    for l in range(L):
        # GINEConv: msg = relu(x_src + Lin(edge_attr)); aggr = scatter-add over dst
        e_emb = e @ params[f'l{l}_elin_W'] + params[f'l{l}_elin_b']
        msg = jax.nn.relu(h[src] + e_emb)
        agg = jax.ops.segment_sum(msg, dst, num_segments=N)
        z = (1.0 + params[f'l{l}_eps']) * h + agg
        # 2-layer MLP inside GINE
        z = jax.nn.relu(z @ params[f'l{l}_W1'] + params[f'l{l}_b1'])
        z = z @ params[f'l{l}_W2'] + params[f'l{l}_b2']
        # BatchNorm1d (inference: running_mean=0, running_var=1)
        z = z * params[f'l{l}_bn_g'] + params[f'l{l}_bn_b']
        # activation (dropout is identity in eval)
        h = jax.nn.relu(z)
    # Head MLP (3 layers) for node-level regression
    o = jax.nn.relu(h @ params['head_W0'] + params['head_b0'])
    o = jax.nn.relu(o @ params['head_W1'] + params['head_b1'])
    pred = o @ params['head_W2'] + params['head_b2']
    valid_mask = y != -1.0
    true_label = jnp.where(valid_mask, y, -1.0)
    true_class = jnp.full(y.shape, -1, dtype=jnp.int32)
    return (pred, true_class, true_label)

if __name__ == "__main__":
    import jax
    _d = setup_inputs()
    print(jax.jit(kernel)(*tuple(_d.values())))

</pallas_src>

<mosaic_0001>
#map = affine_map<(d0, d1) -> (0, 0)>
#map1 = affine_map<(d0, d1) -> (0, 0, 0)>
module attributes {stable_mosaic.version = 14 : i64} {
  func.func @_sc_body(%arg0: i32, %arg1: i32, %arg2: memref<10000x128xf32, #tpu.memory_space<hbm>>, %arg3: memref<327680x128xf32, #tpu.memory_space<hbm>>, %arg4: memref<5120x64xi32, #tpu.memory_space<hbm>>, %arg5: memref<5120x64xi32, #tpu.memory_space<hbm>>, %arg6: memref<632x128xf32, #tpu.memory_space<hbm>>, %arg7: memref<2x10112x128xf32, #tpu.memory_space<hbm>>, %arg8: memref<40x64xi32, #tpu.memory_space<vmem>>, %arg9: memref<40x64xi32, #tpu.memory_space<vmem>>, %arg10: memref<64x128xf32, #tpu.memory_space<vmem>>, %arg11: memref<64x128xf32, #tpu.memory_space<vmem>>, %arg12: memref<64x128xf32, #tpu.memory_space<vmem>>, %arg13: memref<64x128xf32, #tpu.memory_space<vmem>>, %arg14: memref<10112x128xf32, #tpu.memory_space<vmem_shared>>, %arg15: memref<!tpu.dma_semaphore, #tpu.memory_space<semaphore_mem>>, %arg16: memref<!tpu.dma_semaphore, #tpu.memory_space<semaphore_mem>>, %arg17: memref<!tpu.dma_semaphore, #tpu.memory_space<semaphore_mem>>, %arg18: memref<!tpu.dma_semaphore, #tpu.memory_space<semaphore_mem>>) attributes {dimension_semantics = [#tpu.dimension_semantics<core_parallel>, #tpu.dimension_semantics<subcore_parallel>], iteration_bounds = array<i64: 2, 16>, scalar_prefetch = 0 : i64, scratch_operands = 11 : i64, tpu.core_type = #tpu.core_type<sc_vector_subcore>, window_params = [{transform_indices = #map}, {transform_indices = #map}, {transform_indices = #map}, {transform_indices = #map}, {transform_indices = #map}, {transform_indices = #map1}]} {
    %mul3A = arith.constant 16 : i32
    %mul3A_0 = arith.muli %arg0, %mul3A : i32
    %add3A = arith.addi %mul3A_0, %arg1 : i32
    %mul3A_1 = arith.constant 632 : i32
    %mul3A_2 = arith.muli %arg1, %mul3A_1 : i32
    "tpu.region"() ({
      %run_scoped3A = tpu.sem_alloc : memref<!tpu.dma_semaphore, #tpu.memory_space<semaphore_mem>>
      %dma_start3A = arith.constant 0 : i32
      %dma_start3A_13 = tpu.memref_slice %arg14[%mul3A_2, %dma_start3A] : memref<10112x128xf32, #tpu.memory_space<vmem_shared>> -> memref<632x128xf32, #tpu.memory_space<vmem_shared>>
      tpu.enqueue_dma source(%arg6 : memref<632x128xf32, #tpu.memory_space<hbm>>) target(%dma_start3A_13 : memref<632x128xf32, #tpu.memory_space<vmem_shared>>) target_semaphore(%run_scoped3A : memref<!tpu.dma_semaphore, #tpu.memory_space<semaphore_mem>>)
      %dma_wait3A = arith.constant 0 : i32
      %dma_wait3A_14 = tpu.memref_slice %arg14[%mul3A_2, %dma_wait3A] : memref<10112x128xf32, #tpu.memory_space<vmem_shared>> -> memref<632x128xf32, #tpu.memory_space<vmem_shared>>
      tpu.wait_dma2 semaphore(%run_scoped3A : memref<!tpu.dma_semaphore, #tpu.memory_space<semaphore_mem>>) src(%arg6 : memref<632x128xf32, #tpu.memory_space<hbm>>) dst(%dma_wait3A_14 : memref<632x128xf32, #tpu.memory_space<vmem_shared>>)
      tpu.yield
    }) : () -> ()
    %barrier3A = arith.constant 0 : index
    tpu.barrier barrier_id(%barrier3A)
    %scan3A = arith.constant 0 : i32
    %scan3A_3 = arith.constant 0 : i32
    %scan3A_4 = arith.constant 4 : i32
    %scan3A_5 = arith.addi %scan3A_3, %scan3A_4 : i32
    %scan3A_6 = arith.constant 1 : i32
    scf.for %scan3A_13 = %scan3A_3 to %scan3A_5 step %scan3A_6  : i32 {
      %mul3A_14 = arith.constant 160 : i32
      %mul3A_15 = arith.muli %add3A, %mul3A_14 : i32
      %mul3A_16 = arith.constant 40 : i32
      %mul3A_17 = arith.muli %scan3A_13, %mul3A_16 : i32
      %add3A_18 = arith.addi %mul3A_15, %mul3A_17 : i32
      "tpu.region"() ({
        %run_scoped3A = tpu.sem_alloc : memref<!tpu.dma_semaphore, #tpu.memory_space<semaphore_mem>>
        %dma_start3A = arith.constant 0 : i32
        %dma_start3A_30 = tpu.memref_slice %arg4[%add3A_18, %dma_start3A] : memref<5120x64xi32, #tpu.memory_space<hbm>> -> memref<40x64xi32, #tpu.memory_space<hbm>>
        %dma_start3A_31 = arith.constant 0 : i32
        %dma_start3A_32 = tpu.memref_slice %arg4[%add3A_18, %dma_start3A_31] : memref<5120x64xi32, #tpu.memory_space<hbm>> -> memref<40x64xi32, #tpu.memory_space<hbm>>
        tpu.enqueue_dma source(%dma_start3A_32 : memref<40x64xi32, #tpu.memory_space<hbm>>) target(%arg8 : memref<40x64xi32, #tpu.memory_space<vmem>>) target_semaphore(%run_scoped3A : memref<!tpu.dma_semaphore, #tpu.memory_space<semaphore_mem>>)
        %dma_wait3A = arith.constant 0 : i32
        %dma_wait3A_33 = tpu.memref_slice %arg4[%add3A_18, %dma_wait3A] : memref<5120x64xi32, #tpu.memory_space<hbm>> -> memref<40x64xi32, #tpu.memory_space<hbm>>
        %dma_wait3A_34 = arith.constant 0 : i32
        %dma_wait3A_35 = tpu.memref_slice %arg4[%add3A_18, %dma_wait3A_34] : memref<5120x64xi32, #tpu.memory_space<hbm>> -> memref<40x64xi32, #tpu.memory_space<hbm>>
        tpu.wait_dma2 semaphore(%run_scoped3A : memref<!tpu.dma_semaphore, #tpu.memory_space<semaphore_mem>>) src(%dma_wait3A_35 : memref<40x64xi32, #tpu.memory_space<hbm>>) dst(%arg8 : memref<40x64xi32, #tpu.memory_space<vmem>>)
        tpu.yield
      }) : () -> ()
      %mul3A_19 = arith.constant 160 : i32
      %mul3A_20 = arith.muli %add3A, %mul3A_19 : i32
      %mul3A_21 = arith.constant 40 : i32
      %mul3A_22 = arith.muli %scan3A_13, %mul3A_21 : i32
      %add3A_23 = arith.addi %mul3A_20, %mul3A_22 : i32
      "tpu.region"() ({
        %run_scoped3A = tpu.sem_alloc : memref<!tpu.dma_semaphore, #tpu.memory_space<semaphore_mem>>
        %dma_start3A = arith.constant 0 : i32
        %dma_start3A_30 = tpu.memref_slice %arg5[%add3A_23, %dma_start3A] : memref<5120x64xi32, #tpu.memory_space<hbm>> -> memref<40x64xi32, #tpu.memory_space<hbm>>
        %dma_start3A_31 = arith.constant 0 : i32
        %dma_start3A_32 = tpu.memref_slice %arg5[%add3A_23, %dma_start3A_31] : memref<5120x64xi32, #tpu.memory_space<hbm>> -> memref<40x64xi32, #tpu.memory_space<hbm>>
        tpu.enqueue_dma source(%dma_start3A_32 : memref<40x64xi32, #tpu.memory_space<hbm>>) target(%arg9 : memref<40x64xi32, #tpu.memory_space<vmem>>) target_semaphore(%run_scoped3A : memref<!tpu.dma_semaphore, #tpu.memory_space<semaphore_mem>>)
        %dma_wait3A = arith.constant 0 : i32
        %dma_wait3A_33 = tpu.memref_slice %arg5[%add3A_23, %dma_wait3A] : memref<5120x64xi32, #tpu.memory_space<hbm>> -> memref<40x64xi32, #tpu.memory_space<hbm>>
        %dma_wait3A_34 = arith.constant 0 : i32
        %dma_wait3A_35 = tpu.memref_slice %arg5[%add3A_23, %dma_wait3A_34] : memref<5120x64xi32, #tpu.memory_space<hbm>> -> memref<40x64xi32, #tpu.memory_space<hbm>>
        tpu.wait_dma2 semaphore(%run_scoped3A : memref<!tpu.dma_semaphore, #tpu.memory_space<semaphore_mem>>) src(%dma_wait3A_35 : memref<40x64xi32, #tpu.memory_space<hbm>>) dst(%arg9 : memref<40x64xi32, #tpu.memory_space<vmem>>)
        tpu.yield
      }) : () -> ()
      %scan3A_24 = arith.constant 0 : i32
      %scan3A_25 = arith.constant 0 : i32
      %scan3A_26 = arith.constant 20 : i32
      %scan3A_27 = arith.addi %scan3A_25, %scan3A_26 : i32
      %scan3A_28 = arith.constant 1 : i32
      scf.for %scan3A_30 = %scan3A_25 to %scan3A_27 step %scan3A_28  : i32 {
        %mul3A_31 = arith.constant 2 : i32
        %mul3A_32 = arith.muli %mul3A_31, %scan3A_30 : i32
        %mul3A_33 = arith.constant 2 : i32
        %mul3A_34 = arith.muli %mul3A_33, %scan3A_30 : i32
        %add3A_35 = arith.constant 1 : i32
        %add3A_36 = arith.addi %mul3A_34, %add3A_35 : i32
        %mul3A_37 = arith.constant 10240 : i32
        %mul3A_38 = arith.muli %add3A, %mul3A_37 : i32
        %mul3A_39 = arith.constant 40 : i32
        %mul3A_40 = arith.muli %scan3A_13, %mul3A_39 : i32
        %mul3A_41 = arith.constant 64 : i32
        %mul3A_42 = arith.muli %mul3A_40, %mul3A_41 : i32
        %add3A_43 = arith.addi %mul3A_38, %mul3A_42 : i32
        %mul3A_44 = arith.constant 64 : i32
        %mul3A_45 = arith.muli %mul3A_32, %mul3A_44 : i32
        %add3A_46 = arith.addi %add3A_43, %mul3A_45 : i32
        %dma_start3A = arith.constant 0 : i32
        %dma_start3A_47 = tpu.memref_slice %arg3[%add3A_46, %dma_start3A] : memref<327680x128xf32, #tpu.memory_space<hbm>> -> memref<64x128xf32, #tpu.memory_space<hbm>>
        %dma_start3A_48 = arith.constant 0 : i32
        %dma_start3A_49 = tpu.memref_slice %arg3[%add3A_46, %dma_start3A_48] : memref<327680x128xf32, #tpu.memory_space<hbm>> -> memref<64x128xf32, #tpu.memory_space<hbm>>
        tpu.enqueue_dma source(%dma_start3A_49 : memref<64x128xf32, #tpu.memory_space<hbm>>) target(%arg11 : memref<64x128xf32, #tpu.memory_space<vmem>>) target_semaphore(%arg16 : memref<!tpu.dma_semaphore, #tpu.memory_space<semaphore_mem>>)
        %dma_start3A_50 = arith.constant 0 : i32
        %dma_start3A_51 = tpu.memref_slice %arg8[%mul3A_32, %dma_start3A_50] : memref<40x64xi32, #tpu.memory_space<vmem>> -> memref<1x64xi32, #tpu.memory_space<vmem>>
        %dma_start3A_52 = tpu.memref_squeeze %dma_start3A_51 : memref<1x64xi32, #tpu.memory_space<vmem>> -> memref<64xi32, #tpu.memory_space<vmem>>
        %dma_start3A_53 = arith.constant 0 : i32
        %dma_start3A_54 = arith.constant 0 : i32
        %dma_start3A_55 = tpu.memref_slice %arg2[%dma_start3A_53, %dma_start3A_54] : memref<10000x128xf32, #tpu.memory_space<hbm>> -> memref<10000x128xf32, #tpu.memory_space<hbm>>
        tpu.enqueue_indirect_dma source(%dma_start3A_55 : memref<10000x128xf32, #tpu.memory_space<hbm>>) target(%arg10 : memref<64x128xf32, #tpu.memory_space<vmem>>) offsets(%dma_start3A_52 : memref<64xi32, #tpu.memory_space<vmem>>) semaphore(%arg15 : memref<!tpu.dma_semaphore, #tpu.memory_space<semaphore_mem>>)
        %mul3A_56 = arith.constant 10240 : i32
        %mul3A_57 = arith.muli %add3A, %mul3A_56 : i32
        %mul3A_58 = arith.constant 40 : i32
        %mul3A_59 = arith.muli %scan3A_13, %mul3A_58 : i32
        %mul3A_60 = arith.constant 64 : i32
        %mul3A_61 = arith.muli %mul3A_59, %mul3A_60 : i32
        %add3A_62 = arith.addi %mul3A_57, %mul3A_61 : i32
        %mul3A_63 = arith.constant 64 : i32
        %mul3A_64 = arith.muli %add3A_36, %mul3A_63 : i32
        %add3A_65 = arith.addi %add3A_62, %mul3A_64 : i32
        %dma_start3A_66 = arith.constant 0 : i32
        %dma_start3A_67 = tpu.memref_slice %arg3[%add3A_65, %dma_start3A_66] : memref<327680x128xf32, #tpu.memory_space<hbm>> -> memref<64x128xf32, #tpu.memory_space<hbm>>
        %dma_start3A_68 = arith.constant 0 : i32
        %dma_start3A_69 = tpu.memref_slice %arg3[%add3A_65, %dma_start3A_68] : memref<327680x128xf32, #tpu.memory_space<hbm>> -> memref<64x128xf32, #tpu.memory_space<hbm>>
        tpu.enqueue_dma source(%dma_start3A_69 : memref<64x128xf32, #tpu.memory_space<hbm>>) target(%arg13 : memref<64x128xf32, #tpu.memory_space<vmem>>) target_semaphore(%arg18 : memref<!tpu.dma_semaphore, #tpu.memory_space<semaphore_mem>>)
        %dma_start3A_70 = arith.constant 0 : i32
        %dma_start3A_71 = tpu.memref_slice %arg8[%add3A_36, %dma_start3A_70] : memref<40x64xi32, #tpu.memory_space<vmem>> -> memref<1x64xi32, #tpu.memory_space<vmem>>
        %dma_start3A_72 = tpu.memref_squeeze %dma_start3A_71 : memref<1x64xi32, #tpu.memory_space<vmem>> -> memref<64xi32, #tpu.memory_space<vmem>>
        %dma_start3A_73 = arith.constant 0 : i32
        %dma_start3A_74 = arith.constant 0 : i32
        %dma_start3A_75 = tpu.memref_slice %arg2[%dma_start3A_73, %dma_start3A_74] : memref<10000x128xf32, #tpu.memory_space<hbm>> -> memref<10000x128xf32, #tpu.memory_space<hbm>>
        tpu.enqueue_indirect_dma source(%dma_start3A_75 : memref<10000x128xf32, #tpu.memory_space<hbm>>) target(%arg12 : memref<64x128xf32, #tpu.memory_space<vmem>>) offsets(%dma_start3A_72 : memref<64xi32, #tpu.memory_space<vmem>>) semaphore(%arg17 : memref<!tpu.dma_semaphore, #tpu.memory_space<semaphore_mem>>)
        %dma_wait3A = arith.constant 0 : i32
        %dma_wait3A_76 = tpu.memref_slice %arg3[%add3A_46, %dma_wait3A] : memref<327680x128xf32, #tpu.memory_space<hbm>> -> memref<64x128xf32, #tpu.memory_space<hbm>>
        %dma_wait3A_77 = arith.constant 0 : i32
        %dma_wait3A_78 = tpu.memref_slice %arg3[%add3A_46, %dma_wait3A_77] : memref<327680x128xf32, #tpu.memory_space<hbm>> -> memref<64x128xf32, #tpu.memory_space<hbm>>
        tpu.wait_dma2 semaphore(%arg16 : memref<!tpu.dma_semaphore, #tpu.memory_space<semaphore_mem>>) src(%dma_wait3A_78 : memref<64x128xf32, #tpu.memory_space<hbm>>) dst(%arg11 : memref<64x128xf32, #tpu.memory_space<vmem>>)
        %dma_wait3A_79 = arith.constant 0 : i32
        %dma_wait3A_80 = tpu.memref_slice %arg8[%mul3A_32, %dma_wait3A_79] : memref<40x64xi32, #tpu.memory_space<vmem>> -> memref<1x64xi32, #tpu.memory_space<vmem>>
        %dma_wait3A_81 = tpu.memref_squeeze %dma_wait3A_80 : memref<1x64xi32, #tpu.memory_space<vmem>> -> memref<64xi32, #tpu.memory_space<vmem>>
        %dma_wait3A_82 = arith.constant 0 : i32
        %dma_wait3A_83 = arith.constant 0 : i32
        %dma_wait3A_84 = tpu.memref_slice %arg2[%dma_wait3A_82, %dma_wait3A_83] : memref<10000x128xf32, #tpu.memory_space<hbm>> -> memref<10000x128xf32, #tpu.memory_space<hbm>>
        tpu.wait_indirect_dma semaphore(%arg15 : memref<!tpu.dma_semaphore, #tpu.memory_space<semaphore_mem>>) src(%dma_wait3A_84 : memref<10000x128xf32, #tpu.memory_space<hbm>>) dst(%arg10 : memref<64x128xf32, #tpu.memory_space<vmem>>)
        %scan3A_85 = arith.constant 0 : i32
        %scan3A_86 = arith.constant 0 : i32
        %scan3A_87 = arith.constant 64 : i32
        %scan3A_88 = arith.addi %scan3A_86, %scan3A_87 : i32
        %scan3A_89 = arith.constant 1 : i32
        scf.for %scan3A_107 = %scan3A_86 to %scan3A_88 step %scan3A_89  : i32 {
          %get3A = arith.index_cast %scan3A_107 : i32 to index
          %get3A_108 = arith.constant 0 : index
          %get3A_109 = tpu.vector_load %arg11[%get3A, %get3A_108] {strides = array<i32>} : memref<64x128xf32, #tpu.memory_space<vmem>>, vector<1x16xf32>,
          %get3A_110 = vector.shape_cast %get3A_109 : vector<1x16xf32> to vector<16xf32>
          %get3A_111 = arith.index_cast %scan3A_107 : i32 to index
          %get3A_112 = arith.constant 0 : index
          %get3A_113 = tpu.vector_load %arg10[%get3A_111, %get3A_112] {strides = array<i32>} : memref<64x128xf32, #tpu.memory_space<vmem>>, vector<1x16xf32>,
          %get3A_114 = vector.shape_cast %get3A_113 : vector<1x16xf32> to vector<16xf32>
          %add3A_115 = arith.addf %get3A_110, %get3A_114 : vector<16xf32>
          %max3A = arith.constant 0.000000e+00 : f32
          %max3A_116 = vector.broadcast %max3A : f32 to vector<16xf32>
          %max3A_117 = arith.maximumf %add3A_115, %max3A_116 : vector<16xf32>
          %swap3A = arith.index_cast %scan3A_107 : i32 to index
          %swap3A_118 = arith.constant 0 : index
          %swap3A_119 = tpu.vector_load %arg11[%swap3A, %swap3A_118] {strides = array<i32>} : memref<64x128xf32, #tpu.memory_space<vmem>>, vector<1x16xf32>,
          %swap3A_120 = vector.shape_cast %swap3A_119 : vector<1x16xf32> to vector<16xf32>
          %swap3A_121 = vector.shape_cast %max3A_117 : vector<16xf32> to vector<1x16xf32>
          tpu.vector_store %arg11[%swap3A, %swap3A_118], %swap3A_121 {strides = array<i32>} : memref<64x128xf32, #tpu.memory_space<vmem>>, vector<1x16xf32>,
          %get3A_122 = arith.index_cast %scan3A_107 : i32 to index
          %get3A_123 = arith.constant 16 : index
          %get3A_124 = tpu.vector_load %arg11[%get3A_122, %get3A_123] {strides = array<i32>} : memref<64x128xf32, #tpu.memory_space<vmem>>, vector<1x16xf32>,
          %get3A_125 = vector.shape_cast %get3A_124 : vector<1x16xf32> to vector<16xf32>
          %get3A_126 = arith.index_cast %scan3A_107 : i32 to index
          %get3A_127 = arith.constant 16 : index
          %get3A_128 = tpu.vector_load %arg10[%get3A_126, %get3A_127] {strides = array<i32>} : memref<64x128xf32, #tpu.memory_space<vmem>>, vector<1x16xf32>,
          %get3A_129 = vector.shape_cast %get3A_128 : vector<1x16xf32> to vector<16xf32>
          %add3A_130 = arith.addf %get3A_125, %get3A_129 : vector<16xf32>
          %max3A_131 = arith.constant 0.000000e+00 : f32
          %max3A_132 = vector.broadcast %max3A_131 : f32 to vector<16xf32>
          %max3A_133 = arith.maximumf %add3A_130, %max3A_132 : vector<16xf32>
          %swap3A_134 = arith.index_cast %scan3A_107 : i32 to index
          %swap3A_135 = arith.constant 16 : index
          %swap3A_136 = tpu.vector_load %arg11[%swap3A_134, %swap3A_135] {strides = array<i32>} : memref<64x128xf32, #tpu.memory_space<vmem>>, vector<1x16xf32>,
          %swap3A_137 = vector.shape_cast %swap3A_136 : vector<1x16xf32> to vector<16xf32>
          %swap3A_138 = vector.shape_cast %max3A_133 : vector<16xf32> to vector<1x16xf32>
          tpu.vector_store %arg11[%swap3A_134, %swap3A_135], %swap3A_138 {strides = array<i32>} : memref<64x128xf32, #tpu.memory_space<vmem>>, vector<1x16xf32>,
          %get3A_139 = arith.index_cast %scan3A_107 : i32 to index
          %get3A_140 = arith.constant 32 : index
          %get3A_141 = tpu.vector_load %arg11[%get3A_139, %get3A_140] {strides = array<i32>} : memref<64x128xf32, #tpu.memory_space<vmem>>, vector<1x16xf32>,
          %get3A_142 = vector.shape_cast %get3A_141 : vector<1x16xf32> to vector<16xf32>
          %get3A_143 = arith.index_cast %scan3A_107 : i32 to index
          %get3A_144 = arith.constant 32 : index
          %get3A_145 = tpu.vector_load %arg10[%get3A_143, %get3A_144] {strides = array<i32>} : memref<64x128xf32, #tpu.memory_space<vmem>>, vector<1x16xf32>,
          %get3A_146 = vector.shape_cast %get3A_145 : vector<1x16xf32> to vector<16xf32>
          %add3A_147 = arith.addf %get3A_142, %get3A_146 : vector<16xf32>
          %max3A_148 = arith.constant 0.000000e+00 : f32
          %max3A_149 = vector.broadcast %max3A_148 : f32 to vector<16xf32>
          %max3A_150 = arith.maximumf %add3A_147, %max3A_149 : vector<16xf32>
          %swap3A_151 = arith.index_cast %scan3A_107 : i32 to index
          %swap3A_152 = arith.constant 32 : index
          %swap3A_153 = tpu.vector_load %arg11[%swap3A_151, %swap3A_152] {strides = array<i32>} : memref<64x128xf32, #tpu.memory_space<vmem>>, vector<1x16xf32>,
          %swap3A_154 = vector.shape_cast %swap3A_153 : vector<1x16xf32> to vector<16xf32>
          %swap3A_155 = vector.shape_cast %max3A_150 : vector<16xf32> to vector<1x16xf32>
          tpu.vector_store %arg11[%swap3A_151, %swap3A_152], %swap3A_155 {strides = array<i32>} : memref<64x128xf32, #tpu.memory_space<vmem>>, vector<1x16xf32>,
          %get3A_156 = arith.index_cast %scan3A_107 : i32 to index
          %get3A_157 = arith.constant 48 : index
          %get3A_158 = tpu.vector_load %arg11[%get3A_156, %get3A_157] {strides = array<i32>} : memref<64x128xf32, #tpu.memory_space<vmem>>, vector<1x16xf32>,
          %get3A_159 = vector.shape_cast %get3A_158 : vector<1x16xf32> to vector<16xf32>
          %get3A_160 = arith.index_cast %scan3A_107 : i32 to index
          %get3A_161 = arith.constant 48 : index
          %get3A_162 = tpu.vector_load %arg10[%get3A_160, %get3A_161] {strides = array<i32>} : memref<64x128xf32, #tpu.memory_space<vmem>>, vector<1x16xf32>,
          %get3A_163 = vector.shape_cast %get3A_162 : vector<1x16xf32> to vector<16xf32>
          %add3A_164 = arith.addf %get3A_159, %get3A_163 : vector<16xf32>
          %max3A_165 = arith.constant 0.000000e+00 : f32
          %max3A_166 = vector.broadcast %max3A_165 : f32 to vector<16xf32>
          %max3A_167 = arith.maximumf %add3A_164, %max3A_166 : vector<16xf32>
          %swap3A_168 = arith.index_cast %scan3A_107 : i32 to index
          %swap3A_169 = arith.constant 48 : index
          %swap3A_170 = tpu.vector_load %arg11[%swap3A_168, %swap3A_169] {strides = array<i32>} : memref<64x128xf32, #tpu.memory_space<vmem>>, vector<1x16xf32>,
          %swap3A_171 = vector.shape_cast %swap3A_170 : vector<1x16xf32> to vector<16xf32>
          %swap3A_172 = vector.shape_cast %max3A_167 : vector<16xf32> to vector<1x16xf32>
          tpu.vector_store %arg11[%swap3A_168, %swap3A_169], %swap3A_172 {strides = array<i32>} : memref<64x128xf32, #tpu.memory_space<vmem>>, vector<1x16xf32>,
          %get3A_173 = arith.index_cast %scan3A_107 : i32 to index
          %get3A_174 = arith.constant 64 : index
          %get3A_175 = tpu.vector_load %arg11[%get3A_173, %get3A_174] {strides = array<i32>} : memref<64x128xf32, #tpu.memory_space<vmem>>, vector<1x16xf32>,
          %get3A_176 = vector.shape_cast %get3A_175 : vector<1x16xf32> to vector<16xf32>
          %get3A_177 = arith.index_cast %scan3A_107 : i32 to index
          %get3A_178 = arith.constant 64 : index
          %get3A_179 = tpu.vector_load %arg10[%get3A_177, %get3A_178] {strides = array<i32>} : memref<64x128xf32, #tpu.memory_space<vmem>>, vector<1x16xf32>,
          %get3A_180 = vector.shape_cast %get3A_179 : vector<1x16xf32> to vector<16xf32>
          %add3A_181 = arith.addf %get3A_176, %get3A_180 : vector<16xf32>
          %max3A_182 = arith.constant 0.000000e+00 : f32
          %max3A_183 = vector.broadcast %max3A_182 : f32 to vector<16xf32>
          %max3A_184 = arith.maximumf %add3A_181, %max3A_183 : vector<16xf32>
          %swap3A_185 = arith.index_cast %scan3A_107 : i32 to index
          %swap3A_186 = arith.constant 64 : index
          %swap3A_187 = tpu.vector_load %arg11[%swap3A_185, %swap3A_186] {strides = array<i32>} : memref<64x128xf32, #tpu.memory_space<vmem>>, vector<1x16xf32>,
          %swap3A_188 = vector.shape_cast %swap3A_187 : vector<1x16xf32> to vector<16xf32>
          %swap3A_189 = vector.shape_cast %max3A_184 : vector<16xf32> to vector<1x16xf32>
          tpu.vector_store %arg11[%swap3A_185, %swap3A_186], %swap3A_189 {strides = array<i32>} : memref<64x128xf32, #tpu.memory_space<vmem>>, vector<1x16xf32>,
          %get3A_190 = arith.index_cast %scan3A_107 : i32 to index
          %get3A_191 = arith.constant 80 : index
          %get3A_192 = tpu.vector_load %arg11[%get3A_190, %get3A_191] {strides = array<i32>} : memref<64x128xf32, #tpu.memory_space<vmem>>, vector<1x16xf32>,
          %get3A_193 = vector.shape_cast %get3A_192 : vector<1x16xf32> to vector<16xf32>
          %get3A_194 = arith.index_cast %scan3A_107 : i32 to index
          %get3A_195 = arith.constant 80 : index
          %get3A_196 = tpu.vector_load %arg10[%get3A_194, %get3A_195] {strides = array<i32>} : memref<64x128xf32, #tpu.memory_space<vmem>>, vector<1x16xf32>,
          %get3A_197 = vector.shape_cast %get3A_196 : vector<1x16xf32> to vector<16xf32>
          %add3A_198 = arith.addf %get3A_193, %get3A_197 : vector<16xf32>
          %max3A_199 = arith.constant 0.000000e+00 : f32
          %max3A_200 = vector.broadcast %max3A_199 : f32 to vector<16xf32>
          %max3A_201 = arith.maximumf %add3A_198, %max3A_200 : vector<16xf32>
          %swap3A_202 = arith.index_cast %scan3A_107 : i32 to index
          %swap3A_203 = arith.constant 80 : index
          %swap3A_204 = tpu.vector_load %arg11[%swap3A_202, %swap3A_203] {strides = array<i32>} : memref<64x128xf32, #tpu.memory_space<vmem>>, vector<1x16xf32>,
          %swap3A_205 = vector.shape_cast %swap3A_204 : vector<1x16xf32> to vector<16xf32>
          %swap3A_206 = vector.shape_cast %max3A_201 : vector<16xf32> to vector<1x16xf32>
          tpu.vector_store %arg11[%swap3A_202, %swap3A_203], %swap3A_206 {strides = array<i32>} : memref<64x128xf32, #tpu.memory_space<vmem>>, vector<1x16xf32>,
          %get3A_207 = arith.index_cast %scan3A_107 : i32 to index
          %get3A_208 = arith.constant 96 : index
          %get3A_209 = tpu.vector_load %arg11[%get3A_207, %get3A_208] {strides = array<i32>} : memref<64x128xf32, #tpu.memory_space<vmem>>, vector<1x16xf32>,
          %get3A_210 = vector.shape_cast %get3A_209 : vector<1x16xf32> to vector<16xf32>
          %get3A_211 = arith.index_cast %scan3A_107 : i32 to index
          %get3A_212 = arith.constant 96 : index
          %get3A_213 = tpu.vector_load %arg10[%get3A_211, %get3A_212] {strides = array<i32>} : memref<64x128xf32, #tpu.memory_space<vmem>>, vector<1x16xf32>,
          %get3A_214 = vector.shape_cast %get3A_213 : vector<1x16xf32> to vector<16xf32>
          %add3A_215 = arith.addf %get3A_210, %get3A_214 : vector<16xf32>
          %max3A_216 = arith.constant 0.000000e+00 : f32
          %max3A_217 = vector.broadcast %max3A_216 : f32 to vector<16xf32>
          %max3A_218 = arith.maximumf %add3A_215, %max3A_217 : vector<16xf32>
          %swap3A_219 = arith.index_cast %scan3A_107 : i32 to index
          %swap3A_220 = arith.constant 96 : index
          %swap3A_221 = tpu.vector_load %arg11[%swap3A_219, %swap3A_220] {strides = array<i32>} : memref<64x128xf32, #tpu.memory_space<vmem>>, vector<1x16xf32>,
          %swap3A_222 = vector.shape_cast %swap3A_221 : vector<1x16xf32> to vector<16xf32>
          %swap3A_223 = vector.shape_cast %max3A_218 : vector<16xf32> to vector<1x16xf32>
          tpu.vector_store %arg11[%swap3A_219, %swap3A_220], %swap3A_223 {strides = array<i32>} : memref<64x128xf32, #tpu.memory_space<vmem>>, vector<1x16xf32>,
          %get3A_224 = arith.index_cast %scan3A_107 : i32 to index
          %get3A_225 = arith.constant 112 : index
          %get3A_226 = tpu.vector_load %arg11[%get3A_224, %get3A_225] {strides = array<i32>} : memref<64x128xf32, #tpu.memory_space<vmem>>, vector<1x16xf32>,
          %get3A_227 = vector.shape_cast %get3A_226 : vector<1x16xf32> to vector<16xf32>
          %get3A_228 = arith.index_cast %scan3A_107 : i32 to index
          %get3A_229 = arith.constant 112 : index
          %get3A_230 = tpu.vector_load %arg10[%get3A_228, %get3A_229] {strides = array<i32>} : memref<64x128xf32, #tpu.memory_space<vmem>>, vector<1x16xf32>,
          %get3A_231 = vector.shape_cast %get3A_230 : vector<1x16xf32> to vector<16xf32>
          %add3A_232 = arith.addf %get3A_227, %get3A_231 : vector<16xf32>
          %max3A_233 = arith.constant 0.000000e+00 : f32
          %max3A_234 = vector.broadcast %max3A_233 : f32 to vector<16xf32>
          %max3A_235 = arith.maximumf %add3A_232, %max3A_234 : vector<16xf32>
          %swap3A_236 = arith.index_cast %scan3A_107 : i32 to index
          %swap3A_237 = arith.constant 112 : index
          %swap3A_238 = tpu.vector_load %arg11[%swap3A_236, %swap3A_237] {strides = array<i32>} : memref<64x128xf32, #tpu.memory_space<vmem>>, vector<1x16xf32>,
          %swap3A_239 = vector.shape_cast %swap3A_238 : vector<1x16xf32> to vector<16xf32>
          %swap3A_240 = vector.shape_cast %max3A_235 : vector<16xf32> to vector<1x16xf32>
          tpu.vector_store %arg11[%swap3A_236, %swap3A_237], %swap3A_240 {strides = array<i32>} : memref<64x128xf32, #tpu.memory_space<vmem>>, vector<1x16xf32>,
        }
        %scan3A_90 = arith.constant 64 : i32
        "tpu.region"() ({
          %run_scoped3A = tpu.sem_alloc : memref<!tpu.dma_semaphore, #tpu.memory_space<semaphore_mem>>
          %dma_start3A_107 = arith.constant 0 : i32
          %dma_start3A_108 = tpu.memref_slice %arg9[%mul3A_32, %dma_start3A_107] : memref<40x64xi32, #tpu.memory_space<vmem>> -> memref<1x64xi32, #tpu.memory_space<vmem>>
          %dma_start3A_109 = tpu.memref_squeeze %dma_start3A_108 : memref<1x64xi32, #tpu.memory_space<vmem>> -> memref<64xi32, #tpu.memory_space<vmem>>
          %dma_start3A_110 = arith.constant 0 : i32
          %dma_start3A_111 = arith.constant 0 : i32
          %dma_start3A_112 = tpu.memref_slice %arg14[%dma_start3A_110, %dma_start3A_111] : memref<10112x128xf32, #tpu.memory_space<vmem_shared>> -> memref<10112x128xf32, #tpu.memory_space<vmem_shared>>
          tpu.enqueue_indirect_dma source(%arg11 : memref<64x128xf32, #tpu.memory_space<vmem>>) target(%dma_start3A_112 : memref<10112x128xf32, #tpu.memory_space<vmem_shared>>) offsets(%dma_start3A_109 : memref<64xi32, #tpu.memory_space<vmem>>) semaphore(%run_scoped3A : memref<!tpu.dma_semaphore, #tpu.memory_space<semaphore_mem>>) {add = true}
          %dma_wait3A_113 = arith.constant 0 : i32
          %dma_wait3A_114 = tpu.memref_slice %arg9[%mul3A_32, %dma_wait3A_113] : memref<40x64xi32, #tpu.memory_space<vmem>> -> memref<1x64xi32, #tpu.memory_space<vmem>>
          %dma_wait3A_115 = tpu.memref_squeeze %dma_wait3A_114 : memref<1x64xi32, #tpu.memory_space<vmem>> -> memref<64xi32, #tpu.memory_space<vmem>>
          %dma_wait3A_116 = arith.constant 0 : i32
          %dma_wait3A_117 = arith.constant 0 : i32
          %dma_wait3A_118 = tpu.memref_slice %arg14[%dma_wait3A_116, %dma_wait3A_117] : memref<10112x128xf32, #tpu.memory_space<vmem_shared>> -> memref<10112x128xf32, #tpu.memory_space<vmem_shared>>
          tpu.wait_indirect_dma semaphore(%run_scoped3A : memref<!tpu.dma_semaphore, #tpu.memory_space<semaphore_mem>>) src(%arg11 : memref<64x128xf32, #tpu.memory_space<vmem>>) dst(%dma_wait3A_118 : memref<10112x128xf32, #tpu.memory_space<vmem_shared>>)
          tpu.yield
        }) : () -> ()
        %dma_wait3A_91 = arith.constant 0 : i32
        %dma_wait3A_92 = tpu.memref_slice %arg3[%add3A_65, %dma_wait3A_91] : memref<327680x128xf32, #tpu.memory_space<hbm>> -> memref<64x128xf32, #tpu.memory_space<hbm>>
        %dma_wait3A_93 = arith.constant 0 : i32
        %dma_wait3A_94 = tpu.memref_slice %arg3[%add3A_65, %dma_wait3A_93] : memref<327680x128xf32, #tpu.memory_space<hbm>> -> memref<64x128xf32, #tpu.memory_space<hbm>>
        tpu.wait_dma2 semaphore(%arg18 : memref<!tpu.dma_semaphore, #tpu.memory_space<semaphore_mem>>) src(%dma_wait3A_94 : memref<64x128xf32, #tpu.memory_space<hbm>>) dst(%arg13 : memref<64x128xf32, #tpu.memory_space<vmem>>)
        %dma_wait3A_95 = arith.constant 0 : i32
        %dma_wait3A_96 = tpu.memref_slice %arg8[%add3A_36, %dma_wait3A_95] : memref<40x64xi32, #tpu.memory_space<vmem>> -> memref<1x64xi32, #tpu.memory_space<vmem>>
        %dma_wait3A_97 = tpu.memref_squeeze %dma_wait3A_96 : memref<1x64xi32, #tpu.memory_space<vmem>> -> memref<64xi32, #tpu.memory_space<vmem>>
        %dma_wait3A_98 = arith.constant 0 : i32
        %dma_wait3A_99 = arith.constant 0 : i32
        %dma_wait3A_100 = tpu.memref_slice %arg2[%dma_wait3A_98, %dma_wait3A_99] : memref<10000x128xf32, #tpu.memory_space<hbm>> -> memref<10000x128xf32, #tpu.memory_space<hbm>>
        tpu.wait_indirect_dma semaphore(%arg17 : memref<!tpu.dma_semaphore, #tpu.memory_space<semaphore_mem>>) src(%dma_wait3A_100 : memref<10000x128xf32, #tpu.memory_space<hbm>>) dst(%arg12 : memref<64x128xf32, #tpu.memory_space<vmem>>)
        %scan3A_101 = arith.constant 0 : i32
        %scan3A_102 = arith.constant 0 : i32
        %scan3A_103 = arith.constant 64 : i32
        %scan3A_104 = arith.addi %scan3A_102, %scan3A_103 : i32
        %scan3A_105 = arith.constant 1 : i32
        scf.for %scan3A_107 = %scan3A_102 to %scan3A_104 step %scan3A_105  : i32 {
          %get3A = arith.index_cast %scan3A_107 : i32 to index
          %get3A_108 = arith.constant 0 : index
          %get3A_109 = tpu.vector_load %arg13[%get3A, %get3A_108] {strides = array<i32>} : memref<64x128xf32, #tpu.memory_space<vmem>>, vector<1x16xf32>,
          %get3A_110 = vector.shape_cast %get3A_109 : vector<1x16xf32> to vector<16xf32>
          %get3A_111 = arith.index_cast %scan3A_107 : i32 to index
          %get3A_112 = arith.constant 0 : index
          %get3A_113 = tpu.vector_load %arg12[%get3A_111, %get3A_112] {strides = array<i32>} : memref<64x128xf32, #tpu.memory_space<vmem>>, vector<1x16xf32>,
          %get3A_114 = vector.shape_cast %get3A_113 : vector<1x16xf32> to vector<16xf32>
          %add3A_115 = arith.addf %get3A_110, %get3A_114 : vector<16xf32>
          %max3A = arith.constant 0.000000e+00 : f32
          %max3A_116 = vector.broadcast %max3A : f32 to vector<16xf32>
          %max3A_117 = arith.maximumf %add3A_115, %max3A_116 : vector<16xf32>
          %swap3A = arith.index_cast %scan3A_107 : i32 to index
          %swap3A_118 = arith.constant 0 : index
          %swap3A_119 = tpu.vector_load %arg13[%swap3A, %swap3A_118] {strides = array<i32>} : memref<64x128xf32, #tpu.memory_space<vmem>>, vector<1x16xf32>,
          %swap3A_120 = vector.shape_cast %swap3A_119 : vector<1x16xf32> to vector<16xf32>
          %swap3A_121 = vector.shape_cast %max3A_117 : vector<16xf32> to vector<1x16xf32>
          tpu.vector_store %arg13[%swap3A, %swap3A_118], %swap3A_121 {strides = array<i32>} : memref<64x128xf32, #tpu.memory_space<vmem>>, vector<1x16xf32>,
          %get3A_122 = arith.index_cast %scan3A_107 : i32 to index
          %get3A_123 = arith.constant 16 : index
          %get3A_124 = tpu.vector_load %arg13[%get3A_122, %get3A_123] {strides = array<i32>} : memref<64x128xf32, #tpu.memory_space<vmem>>, vector<1x16xf32>,
          %get3A_125 = vector.shape_cast %get3A_124 : vector<1x16xf32> to vector<16xf32>
          %get3A_126 = arith.index_cast %scan3A_107 : i32 to index
          %get3A_127 = arith.constant 16 : index
          %get3A_128 = tpu.vector_load %arg12[%get3A_126, %get3A_127] {strides = array<i32>} : memref<64x128xf32, #tpu.memory_space<vmem>>, vector<1x16xf32>,
          %get3A_129 = vector.shape_cast %get3A_128 : vector<1x16xf32> to vector<16xf32>
          %add3A_130 = arith.addf %get3A_125, %get3A_129 : vector<16xf32>
          %max3A_131 = arith.constant 0.000000e+00 : f32
          %max3A_132 = vector.broadcast %max3A_131 : f32 to vector<16xf32>
          %max3A_133 = arith.maximumf %add3A_130, %max3A_132 : vector<16xf32>
          %swap3A_134 = arith.index_cast %scan3A_107 : i32 to index
          %swap3A_135 = arith.constant 16 : index
          %swap3A_136 = tpu.vector_load %arg13[%swap3A_134, %swap3A_135] {strides = array<i32>} : memref<64x128xf32, #tpu.memory_space<vmem>>, vector<1x16xf32>,
          %swap3A_137 = vector.shape_cast %swap3A_136 : vector<1x16xf32> to vector<16xf32>
          %swap3A_138 = vector.shape_cast %max3A_133 : vector<16xf32> to vector<1x16xf32>
          tpu.vector_store %arg13[%swap3A_134, %swap3A_135], %swap3A_138 {strides = array<i32>} : memref<64x128xf32, #tpu.memory_space<vmem>>, vector<1x16xf32>,
          %get3A_139 = arith.index_cast %scan3A_107 : i32 to index
          %get3A_140 = arith.constant 32 : index
          %get3A_141 = tpu.vector_load %arg13[%get3A_139, %get3A_140] {strides = array<i32>} : memref<64x128xf32, #tpu.memory_space<vmem>>, vector<1x16xf32>,
          %get3A_142 = vector.shape_cast %get3A_141 : vector<1x16xf32> to vector<16xf32>
          %get3A_143 = arith.index_cast %scan3A_107 : i32 to index
          %get3A_144 = arith.constant 32 : index
          %get3A_145 = tpu.vector_load %arg12[%get3A_143, %get3A_144] {strides = array<i32>} : memref<64x128xf32, #tpu.memory_space<vmem>>, vector<1x16xf32>,
          %get3A_146 = vector.shape_cast %get3A_145 : vector<1x16xf32> to vector<16xf32>
          %add3A_147 = arith.addf %get3A_142, %get3A_146 : vector<16xf32>
          %max3A_148 = arith.constant 0.000000e+00 : f32
          %max3A_149 = vector.broadcast %max3A_148 : f32 to vector<16xf32>
          %max3A_150 = arith.maximumf %add3A_147, %max3A_149 : vector<16xf32>
          %swap3A_151 = arith.index_cast %scan3A_107 : i32 to index
          %swap3A_152 = arith.constant 32 : index
          %swap3A_153 = tpu.vector_load %arg13[%swap3A_151, %swap3A_152] {strides = array<i32>} : memref<64x128xf32, #tpu.memory_space<vmem>>, vector<1x16xf32>,
          %swap3A_154 = vector.shape_cast %swap3A_153 : vector<1x16xf32> to vector<16xf32>
          %swap3A_155 = vector.shape_cast %max3A_150 : vector<16xf32> to vector<1x16xf32>
          tpu.vector_store %arg13[%swap3A_151, %swap3A_152], %swap3A_155 {strides = array<i32>} : memref<64x128xf32, #tpu.memory_space<vmem>>, vector<1x16xf32>,
          %get3A_156 = arith.index_cast %scan3A_107 : i32 to index
          %get3A_157 = arith.constant 48 : index
          %get3A_158 = tpu.vector_load %arg13[%get3A_156, %get3A_157] {strides = array<i32>} : memref<64x128xf32, #tpu.memory_space<vmem>>, vector<1x16xf32>,
          %get3A_159 = vector.shape_cast %get3A_158 : vector<1x16xf32> to vector<16xf32>
          %get3A_160 = arith.index_cast %scan3A_107 : i32 to index
          %get3A_161 = arith.constant 48 : index
          %get3A_162 = tpu.vector_load %arg12[%get3A_160, %get3A_161] {strides = array<i32>} : memref<64x128xf32, #tpu.memory_space<vmem>>, vector<1x16xf32>,
          %get3A_163 = vector.shape_cast %get3A_162 : vector<1x16xf32> to vector<16xf32>
          %add3A_164 = arith.addf %get3A_159, %get3A_163 : vector<16xf32>
          %max3A_165 = arith.constant 0.000000e+00 : f32
          %max3A_166 = vector.broadcast %max3A_165 : f32 to vector<16xf32>
          %max3A_167 = arith.maximumf %add3A_164, %max3A_166 : vector<16xf32>
          %swap3A_168 = arith.index_cast %scan3A_107 : i32 to index
          %swap3A_169 = arith.constant 48 : index
          %swap3A_170 = tpu.vector_load %arg13[%swap3A_168, %swap3A_169] {strides = array<i32>} : memref<64x128xf32, #tpu.memory_space<vmem>>, vector<1x16xf32>,
          %swap3A_171 = vector.shape_cast %swap3A_170 : vector<1x16xf32> to vector<16xf32>
          %swap3A_172 = vector.shape_cast %max3A_167 : vector<16xf32> to vector<1x16xf32>
          tpu.vector_store %arg13[%swap3A_168, %swap3A_169], %swap3A_172 {strides = array<i32>} : memref<64x128xf32, #tpu.memory_space<vmem>>, vector<1x16xf32>,
          %get3A_173 = arith.index_cast %scan3A_107 : i32 to index
          %get3A_174 = arith.constant 64 : index
          %get3A_175 = tpu.vector_load %arg13[%get3A_173, %get3A_174] {strides = array<i32>} : memref<64x128xf32, #tpu.memory_space<vmem>>, vector<1x16xf32>,
          %get3A_176 = vector.shape_cast %get3A_175 : vector<1x16xf32> to vector<16xf32>
          %get3A_177 = arith.index_cast %scan3A_107 : i32 to index
          %get3A_178 = arith.constant 64 : index
          %get3A_179 = tpu.vector_load %arg12[%get3A_177, %get3A_178] {strides = array<i32>} : memref<64x128xf32, #tpu.memory_space<vmem>>, vector<1x16xf32>,
          %get3A_180 = vector.shape_cast %get3A_179 : vector<1x16xf32> to vector<16xf32>
          %add3A_181 = arith.addf %get3A_176, %get3A_180 : vector<16xf32>
          %max3A_182 = arith.constant 0.000000e+00 : f32
          %max3A_183 = vector.broadcast %max3A_182 : f32 to vector<16xf32>
          %max3A_184 = arith.maximumf %add3A_181, %max3A_183 : vector<16xf32>
          %swap3A_185 = arith.index_cast %scan3A_107 : i32 to index
          %swap3A_186 = arith.constant 64 : index
          %swap3A_187 = tpu.vector_load %arg13[%swap3A_185, %swap3A_186] {strides = array<i32>} : memref<64x128xf32, #tpu.memory_space<vmem>>, vector<1x16xf32>,
          %swap3A_188 = vector.shape_cast %swap3A_187 : vector<1x16xf32> to vector<16xf32>
          %swap3A_189 = vector.shape_cast %max3A_184 : vector<16xf32> to vector<1x16xf32>
          tpu.vector_store %arg13[%swap3A_185, %swap3A_186], %swap3A_189 {strides = array<i32>} : memref<64x128xf32, #tpu.memory_space<vmem>>, vector<1x16xf32>,
          %get3A_190 = arith.index_cast %scan3A_107 : i32 to index
          %get3A_191 = arith.constant 80 : index
          %get3A_192 = tpu.vector_load %arg13[%get3A_190, %get3A_191] {strides = array<i32>} : memref<64x128xf32, #tpu.memory_space<vmem>>, vector<1x16xf32>,
          %get3A_193 = vector.shape_cast %get3A_192 : vector<1x16xf32> to vector<16xf32>
          %get3A_194 = arith.index_cast %scan3A_107 : i32 to index
          %get3A_195 = arith.constant 80 : index
          %get3A_196 = tpu.vector_load %arg12[%get3A_194, %get3A_195] {strides = array<i32>} : memref<64x128xf32, #tpu.memory_space<vmem>>, vector<1x16xf32>,
          %get3A_197 = vector.shape_cast %get3A_196 : vector<1x16xf32> to vector<16xf32>
          %add3A_198 = arith.addf %get3A_193, %get3A_197 : vector<16xf32>
          %max3A_199 = arith.constant 0.000000e+00 : f32
          %max3A_200 = vector.broadcast %max3A_199 : f32 to vector<16xf32>
          %max3A_201 = arith.maximumf %add3A_198, %max3A_200 : vector<16xf32>
          %swap3A_202 = arith.index_cast %scan3A_107 : i32 to index
          %swap3A_203 = arith.constant 80 : index
          %swap3A_204 = tpu.vector_load %arg13[%swap3A_202, %swap3A_203] {strides = array<i32>} : memref<64x128xf32, #tpu.memory_space<vmem>>, vector<1x16xf32>,
          %swap3A_205 = vector.shape_cast %swap3A_204 : vector<1x16xf32> to vector<16xf32>
          %swap3A_206 = vector.shape_cast %max3A_201 : vector<16xf32> to vector<1x16xf32>
          tpu.vector_store %arg13[%swap3A_202, %swap3A_203], %swap3A_206 {strides = array<i32>} : memref<64x128xf32, #tpu.memory_space<vmem>>, vector<1x16xf32>,
          %get3A_207 = arith.index_cast %scan3A_107 : i32 to index
          %get3A_208 = arith.constant 96 : index
          %get3A_209 = tpu.vector_load %arg13[%get3A_207, %get3A_208] {strides = array<i32>} : memref<64x128xf32, #tpu.memory_space<vmem>>, vector<1x16xf32>,
          %get3A_210 = vector.shape_cast %get3A_209 : vector<1x16xf32> to vector<16xf32>
          %get3A_211 = arith.index_cast %scan3A_107 : i32 to index
          %get3A_212 = arith.constant 96 : index
          %get3A_213 = tpu.vector_load %arg12[%get3A_211, %get3A_212] {strides = array<i32>} : memref<64x128xf32, #tpu.memory_space<vmem>>, vector<1x16xf32>,
          %get3A_214 = vector.shape_cast %get3A_213 : vector<1x16xf32> to vector<16xf32>
          %add3A_215 = arith.addf %get3A_210, %get3A_214 : vector<16xf32>
          %max3A_216 = arith.constant 0.000000e+00 : f32
          %max3A_217 = vector.broadcast %max3A_216 : f32 to vector<16xf32>
          %max3A_218 = arith.maximumf %add3A_215, %max3A_217 : vector<16xf32>
          %swap3A_219 = arith.index_cast %scan3A_107 : i32 to index
          %swap3A_220 = arith.constant 96 : index
          %swap3A_221 = tpu.vector_load %arg13[%swap3A_219, %swap3A_220] {strides = array<i32>} : memref<64x128xf32, #tpu.memory_space<vmem>>, vector<1x16xf32>,
          %swap3A_222 = vector.shape_cast %swap3A_221 : vector<1x16xf32> to vector<16xf32>
          %swap3A_223 = vector.shape_cast %max3A_218 : vector<16xf32> to vector<1x16xf32>
          tpu.vector_store %arg13[%swap3A_219, %swap3A_220], %swap3A_223 {strides = array<i32>} : memref<64x128xf32, #tpu.memory_space<vmem>>, vector<1x16xf32>,
          %get3A_224 = arith.index_cast %scan3A_107 : i32 to index
          %get3A_225 = arith.constant 112 : index
          %get3A_226 = tpu.vector_load %arg13[%get3A_224, %get3A_225] {strides = array<i32>} : memref<64x128xf32, #tpu.memory_space<vmem>>, vector<1x16xf32>,
          %get3A_227 = vector.shape_cast %get3A_226 : vector<1x16xf32> to vector<16xf32>
          %get3A_228 = arith.index_cast %scan3A_107 : i32 to index
          %get3A_229 = arith.constant 112 : index
          %get3A_230 = tpu.vector_load %arg12[%get3A_228, %get3A_229] {strides = array<i32>} : memref<64x128xf32, #tpu.memory_space<vmem>>, vector<1x16xf32>,
          %get3A_231 = vector.shape_cast %get3A_230 : vector<1x16xf32> to vector<16xf32>
          %add3A_232 = arith.addf %get3A_227, %get3A_231 : vector<16xf32>
          %max3A_233 = arith.constant 0.000000e+00 : f32
          %max3A_234 = vector.broadcast %max3A_233 : f32 to vector<16xf32>
          %max3A_235 = arith.maximumf %add3A_232, %max3A_234 : vector<16xf32>
          %swap3A_236 = arith.index_cast %scan3A_107 : i32 to index
          %swap3A_237 = arith.constant 112 : index
          %swap3A_238 = tpu.vector_load %arg13[%swap3A_236, %swap3A_237] {strides = array<i32>} : memref<64x128xf32, #tpu.memory_space<vmem>>, vector<1x16xf32>,
          %swap3A_239 = vector.shape_cast %swap3A_238 : vector<1x16xf32> to vector<16xf32>
          %swap3A_240 = vector.shape_cast %max3A_235 : vector<16xf32> to vector<1x16xf32>
          tpu.vector_store %arg13[%swap3A_236, %swap3A_237], %swap3A_240 {strides = array<i32>} : memref<64x128xf32, #tpu.memory_space<vmem>>, vector<1x16xf32>,
        }
        %scan3A_106 = arith.constant 64 : i32
        "tpu.region"() ({
          %run_scoped3A = tpu.sem_alloc : memref<!tpu.dma_semaphore, #tpu.memory_space<semaphore_mem>>
          %dma_start3A_107 = arith.constant 0 : i32
          %dma_start3A_108 = tpu.memref_slice %arg9[%add3A_36, %dma_start3A_107] : memref<40x64xi32, #tpu.memory_space<vmem>> -> memref<1x64xi32, #tpu.memory_space<vmem>>
          %dma_start3A_109 = tpu.memref_squeeze %dma_start3A_108 : memref<1x64xi32, #tpu.memory_space<vmem>> -> memref<64xi32, #tpu.memory_space<vmem>>
          %dma_start3A_110 = arith.constant 0 : i32
          %dma_start3A_111 = arith.constant 0 : i32
          %dma_start3A_112 = tpu.memref_slice %arg14[%dma_start3A_110, %dma_start3A_111] : memref<10112x128xf32, #tpu.memory_space<vmem_shared>> -> memref<10112x128xf32, #tpu.memory_space<vmem_shared>>
          tpu.enqueue_indirect_dma source(%arg13 : memref<64x128xf32, #tpu.memory_space<vmem>>) target(%dma_start3A_112 : memref<10112x128xf32, #tpu.memory_space<vmem_shared>>) offsets(%dma_start3A_109 : memref<64xi32, #tpu.memory_space<vmem>>) semaphore(%run_scoped3A : memref<!tpu.dma_semaphore, #tpu.memory_space<semaphore_mem>>) {add = true}
          %dma_wait3A_113 = arith.constant 0 : i32
          %dma_wait3A_114 = tpu.memref_slice %arg9[%add3A_36, %dma_wait3A_113] : memref<40x64xi32, #tpu.memory_space<vmem>> -> memref<1x64xi32, #tpu.memory_space<vmem>>
          %dma_wait3A_115 = tpu.memref_squeeze %dma_wait3A_114 : memref<1x64xi32, #tpu.memory_space<vmem>> -> memref<64xi32, #tpu.memory_space<vmem>>
          %dma_wait3A_116 = arith.constant 0 : i32
          %dma_wait3A_117 = arith.constant 0 : i32
          %dma_wait3A_118 = tpu.memref_slice %arg14[%dma_wait3A_116, %dma_wait3A_117] : memref<10112x128xf32, #tpu.memory_space<vmem_shared>> -> memref<10112x128xf32, #tpu.memory_space<vmem_shared>>
          tpu.wait_indirect_dma semaphore(%run_scoped3A : memref<!tpu.dma_semaphore, #tpu.memory_space<semaphore_mem>>) src(%arg13 : memref<64x128xf32, #tpu.memory_space<vmem>>) dst(%dma_wait3A_118 : memref<10112x128xf32, #tpu.memory_space<vmem_shared>>)
          tpu.yield
        }) : () -> ()
      }
      %scan3A_29 = arith.constant 20 : i32
    }
    %scan3A_7 = arith.constant 4 : i32
    %barrier3A_8 = arith.constant 0 : index
    tpu.barrier barrier_id(%barrier3A_8)
    %mul3A_9 = arith.constant 632 : i32
    %mul3A_10 = arith.muli %arg1, %mul3A_9 : i32
    %mul3A_11 = arith.constant 632 : i32
    %mul3A_12 = arith.muli %arg1, %mul3A_11 : i32
    "tpu.region"() ({
      %run_scoped3A = tpu.sem_alloc : memref<!tpu.dma_semaphore, #tpu.memory_space<semaphore_mem>>
      %dma_start3A = arith.constant 0 : i32
      %dma_start3A_13 = tpu.memref_slice %arg7[%arg0, %mul3A_12, %dma_start3A] : memref<2x10112x128xf32, #tpu.memory_space<hbm>> -> memref<1x632x128xf32, #tpu.memory_space<hbm>>
      %dma_start3A_14 = tpu.memref_squeeze %dma_start3A_13 : memref<1x632x128xf32, #tpu.memory_space<hbm>> -> memref<632x128xf32, #tpu.memory_space<hbm>>
      %dma_start3A_15 = arith.constant 0 : i32
      %dma_start3A_16 = tpu.memref_slice %arg14[%mul3A_10, %dma_start3A_15] : memref<10112x128xf32, #tpu.memory_space<vmem_shared>> -> memref<632x128xf32, #tpu.memory_space<vmem_shared>>
      tpu.enqueue_dma source(%dma_start3A_16 : memref<632x128xf32, #tpu.memory_space<vmem_shared>>) target(%dma_start3A_14 : memref<632x128xf32, #tpu.memory_space<hbm>>) target_semaphore(%run_scoped3A : memref<!tpu.dma_semaphore, #tpu.memory_space<semaphore_mem>>)
      %dma_wait3A = arith.constant 0 : i32
      %dma_wait3A_17 = tpu.memref_slice %arg7[%arg0, %mul3A_12, %dma_wait3A] : memref<2x10112x128xf32, #tpu.memory_space<hbm>> -> memref<1x632x128xf32, #tpu.memory_space<hbm>>
      %dma_wait3A_18 = tpu.memref_squeeze %dma_wait3A_17 : memref<1x632x128xf32, #tpu.memory_space<hbm>> -> memref<632x128xf32, #tpu.memory_space<hbm>>
      %dma_wait3A_19 = arith.constant 0 : i32
      %dma_wait3A_20 = tpu.memref_slice %arg14[%mul3A_10, %dma_wait3A_19] : memref<10112x128xf32, #tpu.memory_space<vmem_shared>> -> memref<632x128xf32, #tpu.memory_space<vmem_shared>>
      tpu.wait_dma2 semaphore(%run_scoped3A : memref<!tpu.dma_semaphore, #tpu.memory_space<semaphore_mem>>) src(%dma_wait3A_20 : memref<632x128xf32, #tpu.memory_space<vmem_shared>>) dst(%dma_wait3A_18 : memref<632x128xf32, #tpu.memory_space<hbm>>)
      tpu.yield
    }) : () -> ()
    return
  }
}

#map = affine_map<(d0, d1) -> (0, 0)>
#map1 = affine_map<(d0, d1) -> (0, 0, 0)>
module attributes {stable_mosaic.version = 14 : i64} {
  func.func @_sc_body(%arg0: i32, %arg1: i32, %arg2: memref<10000x128xf32, #tpu.memory_space<hbm>>, %arg3: memref<327680x128xf32, #tpu.memory_space<hbm>>, %arg4: memref<5120x64xi32, #tpu.memory_space<hbm>>, %arg5: memref<5120x64xi32, #tpu.memory_space<hbm>>, %arg6: memref<632x128xf32, #tpu.memory_space<hbm>>, %arg7: memref<2x10112x128xf32, #tpu.memory_space<hbm>>, %arg8: memref<40x64xi32, #tpu.memory_space<vmem>>, %arg9: memref<40x64xi32, #tpu.memory_space<vmem>>, %arg10: memref<64x128xf32, #tpu.memory_space<vmem>>, %arg11: memref<64x128xf32, #tpu.memory_space<vmem>>, %arg12: memref<64x128xf32, #tpu.memory_space<vmem>>, %arg13: memref<64x128xf32, #tpu.memory_space<vmem>>, %arg14: memref<10112x128xf32, #tpu.memory_space<vmem_shared>>, %arg15: memref<!tpu.dma_semaphore, #tpu.memory_space<semaphore_mem>>, %arg16: memref<!tpu.dma_semaphore, #tpu.memory_space<semaphore_mem>>, %arg17: memref<!tpu.dma_semaphore, #tpu.memory_space<semaphore_mem>>, %arg18: memref<!tpu.dma_semaphore, #tpu.memory_space<semaphore_mem>>) attributes {dimension_semantics = [#tpu.dimension_semantics<core_parallel>, #tpu.dimension_semantics<subcore_parallel>], iteration_bounds = array<i64: 2, 16>, scalar_prefetch = 0 : i64, scratch_operands = 11 : i64, tpu.core_type = #tpu.core_type<sc_vector_subcore>, window_params = [{transform_indices = #map}, {transform_indices = #map}, {transform_indices = #map}, {transform_indices = #map}, {transform_indices = #map}, {transform_indices = #map1}]} {
    %mul3A = arith.constant 16 : i32
    %mul3A_0 = arith.muli %arg0, %mul3A : i32
    %add3A = arith.addi %mul3A_0, %arg1 : i32
    %mul3A_1 = arith.constant 632 : i32
    %mul3A_2 = arith.muli %arg1, %mul3A_1 : i32
    "tpu.region"() ({
      %run_scoped3A = tpu.sem_alloc : memref<!tpu.dma_semaphore, #tpu.memory_space<semaphore_mem>>
      %dma_start3A = arith.constant 0 : i32
      %dma_start3A_13 = tpu.memref_slice %arg14[%mul3A_2, %dma_start3A] : memref<10112x128xf32, #tpu.memory_space<vmem_shared>> -> memref<632x128xf32, #tpu.memory_space<vmem_shared>>
      tpu.enqueue_dma source(%arg6 : memref<632x128xf32, #tpu.memory_space<hbm>>) target(%dma_start3A_13 : memref<632x128xf32, #tpu.memory_space<vmem_shared>>) target_semaphore(%run_scoped3A : memref<!tpu.dma_semaphore, #tpu.memory_space<semaphore_mem>>)
      %dma_wait3A = arith.constant 0 : i32
      %dma_wait3A_14 = tpu.memref_slice %arg14[%mul3A_2, %dma_wait3A] : memref<10112x128xf32, #tpu.memory_space<vmem_shared>> -> memref<632x128xf32, #tpu.memory_space<vmem_shared>>
      tpu.wait_dma2 semaphore(%run_scoped3A : memref<!tpu.dma_semaphore, #tpu.memory_space<semaphore_mem>>) src(%arg6 : memref<632x128xf32, #tpu.memory_space<hbm>>) dst(%dma_wait3A_14 : memref<632x128xf32, #tpu.memory_space<vmem_shared>>)
      tpu.yield
    }) : () -> ()
    %barrier3A = arith.constant 0 : index
    tpu.barrier barrier_id(%barrier3A)
    %scan3A = arith.constant 0 : i32
    %scan3A_3 = arith.constant 0 : i32
    %scan3A_4 = arith.constant 4 : i32
    %scan3A_5 = arith.addi %scan3A_3, %scan3A_4 : i32
    %scan3A_6 = arith.constant 1 : i32
    scf.for %scan3A_13 = %scan3A_3 to %scan3A_5 step %scan3A_6  : i32 {
      %mul3A_14 = arith.constant 160 : i32
      %mul3A_15 = arith.muli %add3A, %mul3A_14 : i32
      %mul3A_16 = arith.constant 40 : i32
      %mul3A_17 = arith.muli %scan3A_13, %mul3A_16 : i32
      %add3A_18 = arith.addi %mul3A_15, %mul3A_17 : i32
      "tpu.region"() ({
        %run_scoped3A = tpu.sem_alloc : memref<!tpu.dma_semaphore, #tpu.memory_space<semaphore_mem>>
        %dma_start3A = arith.constant 0 : i32
        %dma_start3A_30 = tpu.memref_slice %arg4[%add3A_18, %dma_start3A] : memref<5120x64xi32, #tpu.memory_space<hbm>> -> memref<40x64xi32, #tpu.memory_space<hbm>>
        %dma_start3A_31 = arith.constant 0 : i32
        %dma_start3A_32 = tpu.memref_slice %arg4[%add3A_18, %dma_start3A_31] : memref<5120x64xi32, #tpu.memory_space<hbm>> -> memref<40x64xi32, #tpu.memory_space<hbm>>
        tpu.enqueue_dma source(%dma_start3A_32 : memref<40x64xi32, #tpu.memory_space<hbm>>) target(%arg8 : memref<40x64xi32, #tpu.memory_space<vmem>>) target_semaphore(%run_scoped3A : memref<!tpu.dma_semaphore, #tpu.memory_space<semaphore_mem>>)
        %dma_wait3A = arith.constant 0 : i32
        %dma_wait3A_33 = tpu.memref_slice %arg4[%add3A_18, %dma_wait3A] : memref<5120x64xi32, #tpu.memory_space<hbm>> -> memref<40x64xi32, #tpu.memory_space<hbm>>
        %dma_wait3A_34 = arith.constant 0 : i32
        %dma_wait3A_35 = tpu.memref_slice %arg4[%add3A_18, %dma_wait3A_34] : memref<5120x64xi32, #tpu.memory_space<hbm>> -> memref<40x64xi32, #tpu.memory_space<hbm>>
        tpu.wait_dma2 semaphore(%run_scoped3A : memref<!tpu.dma_semaphore, #tpu.memory_space<semaphore_mem>>) src(%dma_wait3A_35 : memref<40x64xi32, #tpu.memory_space<hbm>>) dst(%arg8 : memref<40x64xi32, #tpu.memory_space<vmem>>)
        tpu.yield
      }) : () -> ()
      %mul3A_19 = arith.constant 160 : i32
      %mul3A_20 = arith.muli %add3A, %mul3A_19 : i32
      %mul3A_21 = arith.constant 40 : i32
      %mul3A_22 = arith.muli %scan3A_13, %mul3A_21 : i32
      %add3A_23 = arith.addi %mul3A_20, %mul3A_22 : i32
      "tpu.region"() ({
        %run_scoped3A = tpu.sem_alloc : memref<!tpu.dma_semaphore, #tpu.memory_space<semaphore_mem>>
        %dma_start3A = arith.constant 0 : i32
        %dma_start3A_30 = tpu.memref_slice %arg5[%add3A_23, %dma_start3A] : memref<5120x64xi32, #tpu.memory_space<hbm>> -> memref<40x64xi32, #tpu.memory_space<hbm>>
        %dma_start3A_31 = arith.constant 0 : i32
        %dma_start3A_32 = tpu.memref_slice %arg5[%add3A_23, %dma_start3A_31] : memref<5120x64xi32, #tpu.memory_space<hbm>> -> memref<40x64xi32, #tpu.memory_space<hbm>>
        tpu.enqueue_dma source(%dma_start3A_32 : memref<40x64xi32, #tpu.memory_space<hbm>>) target(%arg9 : memref<40x64xi32, #tpu.memory_space<vmem>>) target_semaphore(%run_scoped3A : memref<!tpu.dma_semaphore, #tpu.memory_space<semaphore_mem>>)
        %dma_wait3A = arith.constant 0 : i32
        %dma_wait3A_33 = tpu.memref_slice %arg5[%add3A_23, %dma_wait3A] : memref<5120x64xi32, #tpu.memory_space<hbm>> -> memref<40x64xi32, #tpu.memory_space<hbm>>
        %dma_wait3A_34 = arith.constant 0 : i32
        %dma_wait3A_35 = tpu.memref_slice %arg5[%add3A_23, %dma_wait3A_34] : memref<5120x64xi32, #tpu.memory_space<hbm>> -> memref<40x64xi32, #tpu.memory_space<hbm>>
        tpu.wait_dma2 semaphore(%run_scoped3A : memref<!tpu.dma_semaphore, #tpu.memory_space<semaphore_mem>>) src(%dma_wait3A_35 : memref<40x64xi32, #tpu.memory_space<hbm>>) dst(%arg9 : memref<40x64xi32, #tpu.memory_space<vmem>>)
        tpu.yield
      }) : () -> ()
      %scan3A_24 = arith.constant 0 : i32
      %scan3A_25 = arith.constant 0 : i32
      %scan3A_26 = arith.constant 20 : i32
      %scan3A_27 = arith.addi %scan3A_25, %scan3A_26 : i32
      %scan3A_28 = arith.constant 1 : i32
      scf.for %scan3A_30 = %scan3A_25 to %scan3A_27 step %scan3A_28  : i32 {
        %mul3A_31 = arith.constant 2 : i32
        %mul3A_32 = arith.muli %mul3A_31, %scan3A_30 : i32
        %mul3A_33 = arith.constant 2 : i32
        %mul3A_34 = arith.muli %mul3A_33, %scan3A_30 : i32
        %add3A_35 = arith.constant 1 : i32
        %add3A_36 = arith.addi %mul3A_34, %add3A_35 : i32
        %mul3A_37 = arith.constant 10240 : i32
        %mul3A_38 = arith.muli %add3A, %mul3A_37 : i32
        %mul3A_39 = arith.constant 40 : i32
        %mul3A_40 = arith.muli %scan3A_13, %mul3A_39 : i32
        %mul3A_41 = arith.constant 64 : i32
        %mul3A_42 = arith.muli %mul3A_40, %mul3A_41 : i32
        %add3A_43 = arith.addi %mul3A_38, %mul3A_42 : i32
        %mul3A_44 = arith.constant 64 : i32
        %mul3A_45 = arith.muli %mul3A_32, %mul3A_44 : i32
        %add3A_46 = arith.addi %add3A_43, %mul3A_45 : i32
        %dma_start3A = arith.constant 0 : i32
        %dma_start3A_47 = tpu.memref_slice %arg3[%add3A_46, %dma_start3A] : memref<327680x128xf32, #tpu.memory_space<hbm>> -> memref<64x128xf32, #tpu.memory_space<hbm>>
        %dma_start3A_48 = arith.constant 0 : i32
        %dma_start3A_49 = tpu.memref_slice %arg3[%add3A_46, %dma_start3A_48] : memref<327680x128xf32, #tpu.memory_space<hbm>> -> memref<64x128xf32, #tpu.memory_space<hbm>>
        tpu.enqueue_dma source(%dma_start3A_49 : memref<64x128xf32, #tpu.memory_space<hbm>>) target(%arg11 : memref<64x128xf32, #tpu.memory_space<vmem>>) target_semaphore(%arg16 : memref<!tpu.dma_semaphore, #tpu.memory_space<semaphore_mem>>)
        %dma_start3A_50 = arith.constant 0 : i32
        %dma_start3A_51 = tpu.memref_slice %arg8[%mul3A_32, %dma_start3A_50] : memref<40x64xi32, #tpu.memory_space<vmem>> -> memref<1x64xi32, #tpu.memory_space<vmem>>
        %dma_start3A_52 = tpu.memref_squeeze %dma_start3A_51 : memref<1x64xi32, #tpu.memory_space<vmem>> -> memref<64xi32, #tpu.memory_space<vmem>>
        %dma_start3A_53 = arith.constant 0 : i32
        %dma_start3A_54 = arith.constant 0 : i32
        %dma_start3A_55 = tpu.memref_slice %arg2[%dma_start3A_53, %dma_start3A_54] : memref<10000x128xf32, #tpu.memory_space<hbm>> -> memref<10000x128xf32, #tpu.memory_space<hbm>>
        tpu.enqueue_indirect_dma source(%dma_start3A_55 : memref<10000x128xf32, #tpu.memory_space<hbm>>) target(%arg10 : memref<64x128xf32, #tpu.memory_space<vmem>>) offsets(%dma_start3A_52 : memref<64xi32, #tpu.memory_space<vmem>>) semaphore(%arg15 : memref<!tpu.dma_semaphore, #tpu.memory_space<semaphore_mem>>)
        %mul3A_56 = arith.constant 10240 : i32
        %mul3A_57 = arith.muli %add3A, %mul3A_56 : i32
        %mul3A_58 = arith.constant 40 : i32
        %mul3A_59 = arith.muli %scan3A_13, %mul3A_58 : i32
        %mul3A_60 = arith.constant 64 : i32
        %mul3A_61 = arith.muli %mul3A_59, %mul3A_60 : i32
        %add3A_62 = arith.addi %mul3A_57, %mul3A_61 : i32
        %mul3A_63 = arith.constant 64 : i32
        %mul3A_64 = arith.muli %add3A_36, %mul3A_63 : i32
        %add3A_65 = arith.addi %add3A_62, %mul3A_64 : i32
        %dma_start3A_66 = arith.constant 0 : i32
        %dma_start3A_67 = tpu.memref_slice %arg3[%add3A_65, %dma_start3A_66] : memref<327680x128xf32, #tpu.memory_space<hbm>> -> memref<64x128xf32, #tpu.memory_space<hbm>>
        %dma_start3A_68 = arith.constant 0 : i32
        %dma_start3A_69 = tpu.memref_slice %arg3[%add3A_65, %dma_start3A_68] : memref<327680x128xf32, #tpu.memory_space<hbm>> -> memref<64x128xf32, #tpu.memory_space<hbm>>
        tpu.enqueue_dma source(%dma_start3A_69 : memref<64x128xf32, #tpu.memory_space<hbm>>) target(%arg13 : memref<64x128xf32, #tpu.memory_space<vmem>>) target_semaphore(%arg18 : memref<!tpu.dma_semaphore, #tpu.memory_space<semaphore_mem>>)
        %dma_start3A_70 = arith.constant 0 : i32
        %dma_start3A_71 = tpu.memref_slice %arg8[%add3A_36, %dma_start3A_70] : memref<40x64xi32, #tpu.memory_space<vmem>> -> memref<1x64xi32, #tpu.memory_space<vmem>>
        %dma_start3A_72 = tpu.memref_squeeze %dma_start3A_71 : memref<1x64xi32, #tpu.memory_space<vmem>> -> memref<64xi32, #tpu.memory_space<vmem>>
        %dma_start3A_73 = arith.constant 0 : i32
        %dma_start3A_74 = arith.constant 0 : i32
        %dma_start3A_75 = tpu.memref_slice %arg2[%dma_start3A_73, %dma_start3A_74] : memref<10000x128xf32, #tpu.memory_space<hbm>> -> memref<10000x128xf32, #tpu.memory_space<hbm>>
        tpu.enqueue_indirect_dma source(%dma_start3A_75 : memref<10000x128xf32, #tpu.memory_space<hbm>>) target(%arg12 : memref<64x128xf32, #tpu.memory_space<vmem>>) offsets(%dma_start3A_72 : memref<64xi32, #tpu.memory_space<vmem>>) semaphore(%arg17 : memref<!tpu.dma_semaphore, #tpu.memory_space<semaphore_mem>>)
        %dma_wait3A = arith.constant 0 : i32
        %dma_wait3A_76 = tpu.memref_slice %arg3[%add3A_46, %dma_wait3A] : memref<327680x128xf32, #tpu.memory_space<hbm>> -> memref<64x128xf32, #tpu.memory_space<hbm>>
        %dma_wait3A_77 = arith.constant 0 : i32
        %dma_wait3A_78 = tpu.memref_slice %arg3[%add3A_46, %dma_wait3A_77] : memref<327680x128xf32, #tpu.memory_space<hbm>> -> memref<64x128xf32, #tpu.memory_space<hbm>>
        tpu.wait_dma2 semaphore(%arg16 : memref<!tpu.dma_semaphore, #tpu.memory_space<semaphore_mem>>) src(%dma_wait3A_78 : memref<64x128xf32, #tpu.memory_space<hbm>>) dst(%arg11 : memref<64x128xf32, #tpu.memory_space<vmem>>)
        %dma_wait3A_79 = arith.constant 0 : i32
        %dma_wait3A_80 = tpu.memref_slice %arg8[%mul3A_32, %dma_wait3A_79] : memref<40x64xi32, #tpu.memory_space<vmem>> -> memref<1x64xi32, #tpu.memory_space<vmem>>
        %dma_wait3A_81 = tpu.memref_squeeze %dma_wait3A_80 : memref<1x64xi32, #tpu.memory_space<vmem>> -> memref<64xi32, #tpu.memory_space<vmem>>
        %dma_wait3A_82 = arith.constant 0 : i32
        %dma_wait3A_83 = arith.constant 0 : i32
        %dma_wait3A_84 = tpu.memref_slice %arg2[%dma_wait3A_82, %dma_wait3A_83] : memref<10000x128xf32, #tpu.memory_space<hbm>> -> memref<10000x128xf32, #tpu.memory_space<hbm>>
        tpu.wait_indirect_dma semaphore(%arg15 : memref<!tpu.dma_semaphore, #tpu.memory_space<semaphore_mem>>) src(%dma_wait3A_84 : memref<10000x128xf32, #tpu.memory_space<hbm>>) dst(%arg10 : memref<64x128xf32, #tpu.memory_space<vmem>>)
        %scan3A_85 = arith.constant 0 : i32
        %scan3A_86 = arith.constant 0 : i32
        %scan3A_87 = arith.constant 64 : i32
        %scan3A_88 = arith.addi %scan3A_86, %scan3A_87 : i32
        %scan3A_89 = arith.constant 1 : i32
        scf.for %scan3A_107 = %scan3A_86 to %scan3A_88 step %scan3A_89  : i32 {
          %get3A = arith.index_cast %scan3A_107 : i32 to index
          %get3A_108 = arith.constant 0 : index
          %get3A_109 = tpu.vector_load %arg11[%get3A, %get3A_108] {strides = array<i32>} : memref<64x128xf32, #tpu.memory_space<vmem>>, vector<1x16xf32>,
          %get3A_110 = vector.shape_cast %get3A_109 : vector<1x16xf32> to vector<16xf32>
          %get3A_111 = arith.index_cast %scan3A_107 : i32 to index
          %get3A_112 = arith.constant 0 : index
          %get3A_113 = tpu.vector_load %arg10[%get3A_111, %get3A_112] {strides = array<i32>} : memref<64x128xf32, #tpu.memory_space<vmem>>, vector<1x16xf32>,
          %get3A_114 = vector.shape_cast %get3A_113 : vector<1x16xf32> to vector<16xf32>
          %add3A_115 = arith.addf %get3A_110, %get3A_114 : vector<16xf32>
          %max3A = arith.constant 0.000000e+00 : f32
          %max3A_116 = vector.broadcast %max3A : f32 to vector<16xf32>
          %max3A_117 = arith.maximumf %add3A_115, %max3A_116 : vector<16xf32>
          %swap3A = arith.index_cast %scan3A_107 : i32 to index
          %swap3A_118 = arith.constant 0 : index
          %swap3A_119 = tpu.vector_load %arg11[%swap3A, %swap3A_118] {strides = array<i32>} : memref<64x128xf32, #tpu.memory_space<vmem>>, vector<1x16xf32>,
          %swap3A_120 = vector.shape_cast %swap3A_119 : vector<1x16xf32> to vector<16xf32>
          %swap3A_121 = vector.shape_cast %max3A_117 : vector<16xf32> to vector<1x16xf32>
          tpu.vector_store %arg11[%swap3A, %swap3A_118], %swap3A_121 {strides = array<i32>} : memref<64x128xf32, #tpu.memory_space<vmem>>, vector<1x16xf32>,
          %get3A_122 = arith.index_cast %scan3A_107 : i32 to index
          %get3A_123 = arith.constant 16 : index
          %get3A_124 = tpu.vector_load %arg11[%get3A_122, %get3A_123] {strides = array<i32>} : memref<64x128xf32, #tpu.memory_space<vmem>>, vector<1x16xf32>,
          %get3A_125 = vector.shape_cast %get3A_124 : vector<1x16xf32> to vector<16xf32>
          %get3A_126 = arith.index_cast %scan3A_107 : i32 to index
          %get3A_127 = arith.constant 16 : index
          %get3A_128 = tpu.vector_load %arg10[%get3A_126, %get3A_127] {strides = array<i32>} : memref<64x128xf32, #tpu.memory_space<vmem>>, vector<1x16xf32>,
          %get3A_129 = vector.shape_cast %get3A_128 : vector<1x16xf32> to vector<16xf32>
          %add3A_130 = arith.addf %get3A_125, %get3A_129 : vector<16xf32>
          %max3A_131 = arith.constant 0.000000e+00 : f32
          %max3A_132 = vector.broadcast %max3A_131 : f32 to vector<16xf32>
          %max3A_133 = arith.maximumf %add3A_130, %max3A_132 : vector<16xf32>
          %swap3A_134 = arith.index_cast %scan3A_107 : i32 to index
          %swap3A_135 = arith.constant 16 : index
          %swap3A_136 = tpu.vector_load %arg11[%swap3A_134, %swap3A_135] {strides = array<i32>} : memref<64x128xf32, #tpu.memory_space<vmem>>, vector<1x16xf32>,
          %swap3A_137 = vector.shape_cast %swap3A_136 : vector<1x16xf32> to vector<16xf32>
          %swap3A_138 = vector.shape_cast %max3A_133 : vector<16xf32> to vector<1x16xf32>
          tpu.vector_store %arg11[%swap3A_134, %swap3A_135], %swap3A_138 {strides = array<i32>} : memref<64x128xf32, #tpu.memory_space<vmem>>, vector<1x16xf32>,
          %get3A_139 = arith.index_cast %scan3A_107 : i32 to index
          %get3A_140 = arith.constant 32 : index
          %get3A_141 = tpu.vector_load %arg11[%get3A_139, %get3A_140] {strides = array<i32>} : memref<64x128xf32, #tpu.memory_space<vmem>>, vector<1x16xf32>,
          %get3A_142 = vector.shape_cast %get3A_141 : vector<1x16xf32> to vector<16xf32>
          %get3A_143 = arith.index_cast %scan3A_107 : i32 to index
          %get3A_144 = arith.constant 32 : index
          %get3A_145 = tpu.vector_load %arg10[%get3A_143, %get3A_144] {strides = array<i32>} : memref<64x128xf32, #tpu.memory_space<vmem>>, vector<1x16xf32>,
          %get3A_146 = vector.shape_cast %get3A_145 : vector<1x16xf32> to vector<16xf32>
          %add3A_147 = arith.addf %get3A_142, %get3A_146 : vector<16xf32>
          %max3A_148 = arith.constant 0.000000e+00 : f32
          %max3A_149 = vector.broadcast %max3A_148 : f32 to vector<16xf32>
          %max3A_150 = arith.maximumf %add3A_147, %max3A_149 : vector<16xf32>
          %swap3A_151 = arith.index_cast %scan3A_107 : i32 to index
          %swap3A_152 = arith.constant 32 : index
          %swap3A_153 = tpu.vector_load %arg11[%swap3A_151, %swap3A_152] {strides = array<i32>} : memref<64x128xf32, #tpu.memory_space<vmem>>, vector<1x16xf32>,
          %swap3A_154 = vector.shape_cast %swap3A_153 : vector<1x16xf32> to vector<16xf32>
          %swap3A_155 = vector.shape_cast %max3A_150 : vector<16xf32> to vector<1x16xf32>
          tpu.vector_store %arg11[%swap3A_151, %swap3A_152], %swap3A_155 {strides = array<i32>} : memref<64x128xf32, #tpu.memory_space<vmem>>, vector<1x16xf32>,
          %get3A_156 = arith.index_cast %scan3A_107 : i32 to index
          %get3A_157 = arith.constant 48 : index
          %get3A_158 = tpu.vector_load %arg11[%get3A_156, %get3A_157] {strides = array<i32>} : memref<64x128xf32, #tpu.memory_space<vmem>>, vector<1x16xf32>,
          %get3A_159 = vector.shape_cast %get3A_158 : vector<1x16xf32> to vector<16xf32>
          %get3A_160 = arith.index_cast %scan3A_107 : i32 to index
          %get3A_161 = arith.constant 48 : index
          %get3A_162 = tpu.vector_load %arg10[%get3A_160, %get3A_161] {strides = array<i32>} : memref<64x128xf32, #tpu.memory_space<vmem>>, vector<1x16xf32>,
          %get3A_163 = vector.shape_cast %get3A_162 : vector<1x16xf32> to vector<16xf32>
          %add3A_164 = arith.addf %get3A_159, %get3A_163 : vector<16xf32>
          %max3A_165 = arith.constant 0.000000e+00 : f32
          %max3A_166 = vector.broadcast %max3A_165 : f32 to vector<16xf32>
          %max3A_167 = arith.maximumf %add3A_164, %max3A_166 : vector<16xf32>
          %swap3A_168 = arith.index_cast %scan3A_107 : i32 to index
          %swap3A_169 = arith.constant 48 : index
          %swap3A_170 = tpu.vector_load %arg11[%swap3A_168, %swap3A_169] {strides = array<i32>} : memref<64x128xf32, #tpu.memory_space<vmem>>, vector<1x16xf32>,
          %swap3A_171 = vector.shape_cast %swap3A_170 : vector<1x16xf32> to vector<16xf32>
          %swap3A_172 = vector.shape_cast %max3A_167 : vector<16xf32> to vector<1x16xf32>
          tpu.vector_store %arg11[%swap3A_168, %swap3A_169], %swap3A_172 {strides = array<i32>} : memref<64x128xf32, #tpu.memory_space<vmem>>, vector<1x16xf32>,
          %get3A_173 = arith.index_cast %scan3A_107 : i32 to index
          %get3A_174 = arith.constant 64 : index
          %get3A_175 = tpu.vector_load %arg11[%get3A_173, %get3A_174] {strides = array<i32>} : memref<64x128xf32, #tpu.memory_space<vmem>>, vector<1x16xf32>,
          %get3A_176 = vector.shape_cast %get3A_175 : vector<1x16xf32> to vector<16xf32>
          %get3A_177 = arith.index_cast %scan3A_107 : i32 to index
          %get3A_178 = arith.constant 64 : index
          %get3A_179 = tpu.vector_load %arg10[%get3A_177, %get3A_178] {strides = array<i32>} : memref<64x128xf32, #tpu.memory_space<vmem>>, vector<1x16xf32>,
          %get3A_180 = vector.shape_cast %get3A_179 : vector<1x16xf32> to vector<16xf32>
          %add3A_181 = arith.addf %get3A_176, %get3A_180 : vector<16xf32>
          %max3A_182 = arith.constant 0.000000e+00 : f32
          %max3A_183 = vector.broadcast %max3A_182 : f32 to vector<16xf32>
          %max3A_184 = arith.maximumf %add3A_181, %max3A_183 : vector<16xf32>
          %swap3A_185 = arith.index_cast %scan3A_107 : i32 to index
          %swap3A_186 = arith.constant 64 : index
          %swap3A_187 = tpu.vector_load %arg11[%swap3A_185, %swap3A_186] {strides = array<i32>} : memref<64x128xf32, #tpu.memory_space<vmem>>, vector<1x16xf32>,
          %swap3A_188 = vector.shape_cast %swap3A_187 : vector<1x16xf32> to vector<16xf32>
          %swap3A_189 = vector.shape_cast %max3A_184 : vector<16xf32> to vector<1x16xf32>
          tpu.vector_store %arg11[%swap3A_185, %swap3A_186], %swap3A_189 {strides = array<i32>} : memref<64x128xf32, #tpu.memory_space<vmem>>, vector<1x16xf32>,
          %get3A_190 = arith.index_cast %scan3A_107 : i32 to index
          %get3A_191 = arith.constant 80 : index
          %get3A_192 = tpu.vector_load %arg11[%get3A_190, %get3A_191] {strides = array<i32>} : memref<64x128xf32, #tpu.memory_space<vmem>>, vector<1x16xf32>,
          %get3A_193 = vector.shape_cast %get3A_192 : vector<1x16xf32> to vector<16xf32>
          %get3A_194 = arith.index_cast %scan3A_107 : i32 to index
          %get3A_195 = arith.constant 80 : index
          %get3A_196 = tpu.vector_load %arg10[%get3A_194, %get3A_195] {strides = array<i32>} : memref<64x128xf32, #tpu.memory_space<vmem>>, vector<1x16xf32>,
          %get3A_197 = vector.shape_cast %get3A_196 : vector<1x16xf32> to vector<16xf32>
          %add3A_198 = arith.addf %get3A_193, %get3A_197 : vector<16xf32>
          %max3A_199 = arith.constant 0.000000e+00 : f32
          %max3A_200 = vector.broadcast %max3A_199 : f32 to vector<16xf32>
          %max3A_201 = arith.maximumf %add3A_198, %max3A_200 : vector<16xf32>
          %swap3A_202 = arith.index_cast %scan3A_107 : i32 to index
          %swap3A_203 = arith.constant 80 : index
          %swap3A_204 = tpu.vector_load %arg11[%swap3A_202, %swap3A_203] {strides = array<i32>} : memref<64x128xf32, #tpu.memory_space<vmem>>, vector<1x16xf32>,
          %swap3A_205 = vector.shape_cast %swap3A_204 : vector<1x16xf32> to vector<16xf32>
          %swap3A_206 = vector.shape_cast %max3A_201 : vector<16xf32> to vector<1x16xf32>
          tpu.vector_store %arg11[%swap3A_202, %swap3A_203], %swap3A_206 {strides = array<i32>} : memref<64x128xf32, #tpu.memory_space<vmem>>, vector<1x16xf32>,
          %get3A_207 = arith.index_cast %scan3A_107 : i32 to index
          %get3A_208 = arith.constant 96 : index
          %get3A_209 = tpu.vector_load %arg11[%get3A_207, %get3A_208] {strides = array<i32>} : memref<64x128xf32, #tpu.memory_space<vmem>>, vector<1x16xf32>,
          %get3A_210 = vector.shape_cast %get3A_209 : vector<1x16xf32> to vector<16xf32>
          %get3A_211 = arith.index_cast %scan3A_107 : i32 to index
          %get3A_212 = arith.constant 96 : index
          %get3A_213 = tpu.vector_load %arg10[%get3A_211, %get3A_212] {strides = array<i32>} : memref<64x128xf32, #tpu.memory_space<vmem>>, vector<1x16xf32>,
          %get3A_214 = vector.shape_cast %get3A_213 : vector<1x16xf32> to vector<16xf32>
          %add3A_215 = arith.addf %get3A_210, %get3A_214 : vector<16xf32>
          %max3A_216 = arith.constant 0.000000e+00 : f32
          %max3A_217 = vector.broadcast %max3A_216 : f32 to vector<16xf32>
          %max3A_218 = arith.maximumf %add3A_215, %max3A_217 : vector<16xf32>
          %swap3A_219 = arith.index_cast %scan3A_107 : i32 to index
          %swap3A_220 = arith.constant 96 : index
          %swap3A_221 = tpu.vector_load %arg11[%swap3A_219, %swap3A_220] {strides = array<i32>} : memref<64x128xf32, #tpu.memory_space<vmem>>, vector<1x16xf32>,
          %swap3A_222 = vector.shape_cast %swap3A_221 : vector<1x16xf32> to vector<16xf32>
          %swap3A_223 = vector.shape_cast %max3A_218 : vector<16xf32> to vector<1x16xf32>
          tpu.vector_store %arg11[%swap3A_219, %swap3A_220], %swap3A_223 {strides = array<i32>} : memref<64x128xf32, #tpu.memory_space<vmem>>, vector<1x16xf32>,
          %get3A_224 = arith.index_cast %scan3A_107 : i32 to index
          %get3A_225 = arith.constant 112 : index
          %get3A_226 = tpu.vector_load %arg11[%get3A_224, %get3A_225] {strides = array<i32>} : memref<64x128xf32, #tpu.memory_space<vmem>>, vector<1x16xf32>,
          %get3A_227 = vector.shape_cast %get3A_226 : vector<1x16xf32> to vector<16xf32>
          %get3A_228 = arith.index_cast %scan3A_107 : i32 to index
          %get3A_229 = arith.constant 112 : index
          %get3A_230 = tpu.vector_load %arg10[%get3A_228, %get3A_229] {strides = array<i32>} : memref<64x128xf32, #tpu.memory_space<vmem>>, vector<1x16xf32>,
          %get3A_231 = vector.shape_cast %get3A_230 : vector<1x16xf32> to vector<16xf32>
          %add3A_232 = arith.addf %get3A_227, %get3A_231 : vector<16xf32>
          %max3A_233 = arith.constant 0.000000e+00 : f32
          %max3A_234 = vector.broadcast %max3A_233 : f32 to vector<16xf32>
          %max3A_235 = arith.maximumf %add3A_232, %max3A_234 : vector<16xf32>
          %swap3A_236 = arith.index_cast %scan3A_107 : i32 to index
          %swap3A_237 = arith.constant 112 : index
          %swap3A_238 = tpu.vector_load %arg11[%swap3A_236, %swap3A_237] {strides = array<i32>} : memref<64x128xf32, #tpu.memory_space<vmem>>, vector<1x16xf32>,
          %swap3A_239 = vector.shape_cast %swap3A_238 : vector<1x16xf32> to vector<16xf32>
          %swap3A_240 = vector.shape_cast %max3A_235 : vector<16xf32> to vector<1x16xf32>
          tpu.vector_store %arg11[%swap3A_236, %swap3A_237], %swap3A_240 {strides = array<i32>} : memref<64x128xf32, #tpu.memory_space<vmem>>, vector<1x16xf32>,
        }
        %scan3A_90 = arith.constant 64 : i32
        "tpu.region"() ({
          %run_scoped3A = tpu.sem_alloc : memref<!tpu.dma_semaphore, #tpu.memory_space<semaphore_mem>>
          %dma_start3A_107 = arith.constant 0 : i32
          %dma_start3A_108 = tpu.memref_slice %arg9[%mul3A_32, %dma_start3A_107] : memref<40x64xi32, #tpu.memory_space<vmem>> -> memref<1x64xi32, #tpu.memory_space<vmem>>
          %dma_start3A_109 = tpu.memref_squeeze %dma_start3A_108 : memref<1x64xi32, #tpu.memory_space<vmem>> -> memref<64xi32, #tpu.memory_space<vmem>>
          %dma_start3A_110 = arith.constant 0 : i32
          %dma_start3A_111 = arith.constant 0 : i32
          %dma_start3A_112 = tpu.memref_slice %arg14[%dma_start3A_110, %dma_start3A_111] : memref<10112x128xf32, #tpu.memory_space<vmem_shared>> -> memref<10112x128xf32, #tpu.memory_space<vmem_shared>>
          tpu.enqueue_indirect_dma source(%arg11 : memref<64x128xf32, #tpu.memory_space<vmem>>) target(%dma_start3A_112 : memref<10112x128xf32, #tpu.memory_space<vmem_shared>>) offsets(%dma_start3A_109 : memref<64xi32, #tpu.memory_space<vmem>>) semaphore(%run_scoped3A : memref<!tpu.dma_semaphore, #tpu.memory_space<semaphore_mem>>) {add = true}
          %dma_wait3A_113 = arith.constant 0 : i32
          %dma_wait3A_114 = tpu.memref_slice %arg9[%mul3A_32, %dma_wait3A_113] : memref<40x64xi32, #tpu.memory_space<vmem>> -> memref<1x64xi32, #tpu.memory_space<vmem>>
          %dma_wait3A_115 = tpu.memref_squeeze %dma_wait3A_114 : memref<1x64xi32, #tpu.memory_space<vmem>> -> memref<64xi32, #tpu.memory_space<vmem>>
          %dma_wait3A_116 = arith.constant 0 : i32
          %dma_wait3A_117 = arith.constant 0 : i32
          %dma_wait3A_118 = tpu.memref_slice %arg14[%dma_wait3A_116, %dma_wait3A_117] : memref<10112x128xf32, #tpu.memory_space<vmem_shared>> -> memref<10112x128xf32, #tpu.memory_space<vmem_shared>>
          tpu.wait_indirect_dma semaphore(%run_scoped3A : memref<!tpu.dma_semaphore, #tpu.memory_space<semaphore_mem>>) src(%arg11 : memref<64x128xf32, #tpu.memory_space<vmem>>) dst(%dma_wait3A_118 : memref<10112x128xf32, #tpu.memory_space<vmem_shared>>)
          tpu.yield
        }) : () -> ()
        %dma_wait3A_91 = arith.constant 0 : i32
        %dma_wait3A_92 = tpu.memref_slice %arg3[%add3A_65, %dma_wait3A_91] : memref<327680x128xf32, #tpu.memory_space<hbm>> -> memref<64x128xf32, #tpu.memory_space<hbm>>
        %dma_wait3A_93 = arith.constant 0 : i32
        %dma_wait3A_94 = tpu.memref_slice %arg3[%add3A_65, %dma_wait3A_93] : memref<327680x128xf32, #tpu.memory_space<hbm>> -> memref<64x128xf32, #tpu.memory_space<hbm>>
        tpu.wait_dma2 semaphore(%arg18 : memref<!tpu.dma_semaphore, #tpu.memory_space<semaphore_mem>>) src(%dma_wait3A_94 : memref<64x128xf32, #tpu.memory_space<hbm>>) dst(%arg13 : memref<64x128xf32, #tpu.memory_space<vmem>>)
        %dma_wait3A_95 = arith.constant 0 : i32
        %dma_wait3A_96 = tpu.memref_slice %arg8[%add3A_36, %dma_wait3A_95] : memref<40x64xi32, #tpu.memory_space<vmem>> -> memref<1x64xi32, #tpu.memory_space<vmem>>
        %dma_wait3A_97 = tpu.memref_squeeze %dma_wait3A_96 : memref<1x64xi32, #tpu.memory_space<vmem>> -> memref<64xi32, #tpu.memory_space<vmem>>
        %dma_wait3A_98 = arith.constant 0 : i32
        %dma_wait3A_99 = arith.constant 0 : i32
        %dma_wait3A_100 = tpu.memref_slice %arg2[%dma_wait3A_98, %dma_wait3A_99] : memref<10000x128xf32, #tpu.memory_space<hbm>> -> memref<10000x128xf32, #tpu.memory_space<hbm>>
        tpu.wait_indirect_dma semaphore(%arg17 : memref<!tpu.dma_semaphore, #tpu.memory_space<semaphore_mem>>) src(%dma_wait3A_100 : memref<10000x128xf32, #tpu.memory_space<hbm>>) dst(%arg12 : memref<64x128xf32, #tpu.memory_space<vmem>>)
        %scan3A_101 = arith.constant 0 : i32
        %scan3A_102 = arith.constant 0 : i32
        %scan3A_103 = arith.constant 64 : i32
        %scan3A_104 = arith.addi %scan3A_102, %scan3A_103 : i32
        %scan3A_105 = arith.constant 1 : i32
        scf.for %scan3A_107 = %scan3A_102 to %scan3A_104 step %scan3A_105  : i32 {
          %get3A = arith.index_cast %scan3A_107 : i32 to index
          %get3A_108 = arith.constant 0 : index
          %get3A_109 = tpu.vector_load %arg13[%get3A, %get3A_108] {strides = array<i32>} : memref<64x128xf32, #tpu.memory_space<vmem>>, vector<1x16xf32>,
          %get3A_110 = vector.shape_cast %get3A_109 : vector<1x16xf32> to vector<16xf32>
          %get3A_111 = arith.index_cast %scan3A_107 : i32 to index
          %get3A_112 = arith.constant 0 : index
          %get3A_113 = tpu.vector_load %arg12[%get3A_111, %get3A_112] {strides = array<i32>} : memref<64x128xf32, #tpu.memory_space<vmem>>, vector<1x16xf32>,
          %get3A_114 = vector.shape_cast %get3A_113 : vector<1x16xf32> to vector<16xf32>
          %add3A_115 = arith.addf %get3A_110, %get3A_114 : vector<16xf32>
          %max3A = arith.constant 0.000000e+00 : f32
          %max3A_116 = vector.broadcast %max3A : f32 to vector<16xf32>
          %max3A_117 = arith.maximumf %add3A_115, %max3A_116 : vector<16xf32>
          %swap3A = arith.index_cast %scan3A_107 : i32 to index
          %swap3A_118 = arith.constant 0 : index
          %swap3A_119 = tpu.vector_load %arg13[%swap3A, %swap3A_118] {strides = array<i32>} : memref<64x128xf32, #tpu.memory_space<vmem>>, vector<1x16xf32>,
          %swap3A_120 = vector.shape_cast %swap3A_119 : vector<1x16xf32> to vector<16xf32>
          %swap3A_121 = vector.shape_cast %max3A_117 : vector<16xf32> to vector<1x16xf32>
          tpu.vector_store %arg13[%swap3A, %swap3A_118], %swap3A_121 {strides = array<i32>} : memref<64x128xf32, #tpu.memory_space<vmem>>, vector<1x16xf32>,
          %get3A_122 = arith.index_cast %scan3A_107 : i32 to index
          %get3A_123 = arith.constant 16 : index
          %get3A_124 = tpu.vector_load %arg13[%get3A_122, %get3A_123] {strides = array<i32>} : memref<64x128xf32, #tpu.memory_space<vmem>>, vector<1x16xf32>,
          %get3A_125 = vector.shape_cast %get3A_124 : vector<1x16xf32> to vector<16xf32>
          %get3A_126 = arith.index_cast %scan3A_107 : i32 to index
          %get3A_127 = arith.constant 16 : index
          %get3A_128 = tpu.vector_load %arg12[%get3A_126, %get3A_127] {strides = array<i32>} : memref<64x128xf32, #tpu.memory_space<vmem>>, vector<1x16xf32>,
          %get3A_129 = vector.shape_cast %get3A_128 : vector<1x16xf32> to vector<16xf32>
          %add3A_130 = arith.addf %get3A_125, %get3A_129 : vector<16xf32>
          %max3A_131 = arith.constant 0.000000e+00 : f32
          %max3A_132 = vector.broadcast %max3A_131 : f32 to vector<16xf32>
          %max3A_133 = arith.maximumf %add3A_130, %max3A_132 : vector<16xf32>
          %swap3A_134 = arith.index_cast %scan3A_107 : i32 to index
          %swap3A_135 = arith.constant 16 : index
          %swap3A_136 = tpu.vector_load %arg13[%swap3A_134, %swap3A_135] {strides = array<i32>} : memref<64x128xf32, #tpu.memory_space<vmem>>, vector<1x16xf32>,
          %swap3A_137 = vector.shape_cast %swap3A_136 : vector<1x16xf32> to vector<16xf32>
          %swap3A_138 = vector.shape_cast %max3A_133 : vector<16xf32> to vector<1x16xf32>
          tpu.vector_store %arg13[%swap3A_134, %swap3A_135], %swap3A_138 {strides = array<i32>} : memref<64x128xf32, #tpu.memory_space<vmem>>, vector<1x16xf32>,
          %get3A_139 = arith.index_cast %scan3A_107 : i32 to index
          %get3A_140 = arith.constant 32 : index
          %get3A_141 = tpu.vector_load %arg13[%get3A_139, %get3A_140] {strides = array<i32>} : memref<64x128xf32, #tpu.memory_space<vmem>>, vector<1x16xf32>,
          %get3A_142 = vector.shape_cast %get3A_141 : vector<1x16xf32> to vector<16xf32>
          %get3A_143 = arith.index_cast %scan3A_107 : i32 to index
          %get3A_144 = arith.constant 32 : index
          %get3A_145 = tpu.vector_load %arg12[%get3A_143, %get3A_144] {strides = array<i32>} : memref<64x128xf32, #tpu.memory_space<vmem>>, vector<1x16xf32>,
          %get3A_146 = vector.shape_cast %get3A_145 : vector<1x16xf32> to vector<16xf32>
          %add3A_147 = arith.addf %get3A_142, %get3A_146 : vector<16xf32>
          %max3A_148 = arith.constant 0.000000e+00 : f32
          %max3A_149 = vector.broadcast %max3A_148 : f32 to vector<16xf32>
          %max3A_150 = arith.maximumf %add3A_147, %max3A_149 : vector<16xf32>
          %swap3A_151 = arith.index_cast %scan3A_107 : i32 to index
          %swap3A_152 = arith.constant 32 : index
          %swap3A_153 = tpu.vector_load %arg13[%swap3A_151, %swap3A_152] {strides = array<i32>} : memref<64x128xf32, #tpu.memory_space<vmem>>, vector<1x16xf32>,
          %swap3A_154 = vector.shape_cast %swap3A_153 : vector<1x16xf32> to vector<16xf32>
          %swap3A_155 = vector.shape_cast %max3A_150 : vector<16xf32> to vector<1x16xf32>
          tpu.vector_store %arg13[%swap3A_151, %swap3A_152], %swap3A_155 {strides = array<i32>} : memref<64x128xf32, #tpu.memory_space<vmem>>, vector<1x16xf32>,
          %get3A_156 = arith.index_cast %scan3A_107 : i32 to index
          %get3A_157 = arith.constant 48 : index
          %get3A_158 = tpu.vector_load %arg13[%get3A_156, %get3A_157] {strides = array<i32>} : memref<64x128xf32, #tpu.memory_space<vmem>>, vector<1x16xf32>,
          %get3A_159 = vector.shape_cast %get3A_158 : vector<1x16xf32> to vector<16xf32>
          %get3A_160 = arith.index_cast %scan3A_107 : i32 to index
          %get3A_161 = arith.constant 48 : index
          %get3A_162 = tpu.vector_load %arg12[%get3A_160, %get3A_161] {strides = array<i32>} : memref<64x128xf32, #tpu.memory_space<vmem>>, vector<1x16xf32>,
          %get3A_163 = vector.shape_cast %get3A_162 : vector<1x16xf32> to vector<16xf32>
          %add3A_164 = arith.addf %get3A_159, %get3A_163 : vector<16xf32>
          %max3A_165 = arith.constant 0.000000e+00 : f32
          %max3A_166 = vector.broadcast %max3A_165 : f32 to vector<16xf32>
          %max3A_167 = arith.maximumf %add3A_164, %max3A_166 : vector<16xf32>
          %swap3A_168 = arith.index_cast %scan3A_107 : i32 to index
          %swap3A_169 = arith.constant 48 : index
          %swap3A_170 = tpu.vector_load %arg13[%swap3A_168, %swap3A_169] {strides = array<i32>} : memref<64x128xf32, #tpu.memory_space<vmem>>, vector<1x16xf32>,
          %swap3A_171 = vector.shape_cast %swap3A_170 : vector<1x16xf32> to vector<16xf32>
          %swap3A_172 = vector.shape_cast %max3A_167 : vector<16xf32> to vector<1x16xf32>
          tpu.vector_store %arg13[%swap3A_168, %swap3A_169], %swap3A_172 {strides = array<i32>} : memref<64x128xf32, #tpu.memory_space<vmem>>, vector<1x16xf32>,
          %get3A_173 = arith.index_cast %scan3A_107 : i32 to index
          %get3A_174 = arith.constant 64 : index
          %get3A_175 = tpu.vector_load %arg13[%get3A_173, %get3A_174] {strides = array<i32>} : memref<64x128xf32, #tpu.memory_space<vmem>>, vector<1x16xf32>,
          %get3A_176 = vector.shape_cast %get3A_175 : vector<1x16xf32> to vector<16xf32>
          %get3A_177 = arith.index_cast %scan3A_107 : i32 to index
          %get3A_178 = arith.constant 64 : index
          %get3A_179 = tpu.vector_load %arg12[%get3A_177, %get3A_178] {strides = array<i32>} : memref<64x128xf32, #tpu.memory_space<vmem>>, vector<1x16xf32>,
          %get3A_180 = vector.shape_cast %get3A_179 : vector<1x16xf32> to vector<16xf32>
          %add3A_181 = arith.addf %get3A_176, %get3A_180 : vector<16xf32>
          %max3A_182 = arith.constant 0.000000e+00 : f32
          %max3A_183 = vector.broadcast %max3A_182 : f32 to vector<16xf32>
          %max3A_184 = arith.maximumf %add3A_181, %max3A_183 : vector<16xf32>
          %swap3A_185 = arith.index_cast %scan3A_107 : i32 to index
          %swap3A_186 = arith.constant 64 : index
          %swap3A_187 = tpu.vector_load %arg13[%swap3A_185, %swap3A_186] {strides = array<i32>} : memref<64x128xf32, #tpu.memory_space<vmem>>, vector<1x16xf32>,
          %swap3A_188 = vector.shape_cast %swap3A_187 : vector<1x16xf32> to vector<16xf32>
          %swap3A_189 = vector.shape_cast %max3A_184 : vector<16xf32> to vector<1x16xf32>
          tpu.vector_store %arg13[%swap3A_185, %swap3A_186], %swap3A_189 {strides = array<i32>} : memref<64x128xf32, #tpu.memory_space<vmem>>, vector<1x16xf32>,
          %get3A_190 = arith.index_cast %scan3A_107 : i32 to index
          %get3A_191 = arith.constant 80 : index
          %get3A_192 = tpu.vector_load %arg13[%get3A_190, %get3A_191] {strides = array<i32>} : memref<64x128xf32, #tpu.memory_space<vmem>>, vector<1x16xf32>,
          %get3A_193 = vector.shape_cast %get3A_192 : vector<1x16xf32> to vector<16xf32>
          %get3A_194 = arith.index_cast %scan3A_107 : i32 to index
          %get3A_195 = arith.constant 80 : index
          %get3A_196 = tpu.vector_load %arg12[%get3A_194, %get3A_195] {strides = array<i32>} : memref<64x128xf32, #tpu.memory_space<vmem>>, vector<1x16xf32>,
          %get3A_197 = vector.shape_cast %get3A_196 : vector<1x16xf32> to vector<16xf32>
          %add3A_198 = arith.addf %get3A_193, %get3A_197 : vector<16xf32>
          %max3A_199 = arith.constant 0.000000e+00 : f32
          %max3A_200 = vector.broadcast %max3A_199 : f32 to vector<16xf32>
          %max3A_201 = arith.maximumf %add3A_198, %max3A_200 : vector<16xf32>
          %swap3A_202 = arith.index_cast %scan3A_107 : i32 to index
          %swap3A_203 = arith.constant 80 : index
          %swap3A_204 = tpu.vector_load %arg13[%swap3A_202, %swap3A_203] {strides = array<i32>} : memref<64x128xf32, #tpu.memory_space<vmem>>, vector<1x16xf32>,
          %swap3A_205 = vector.shape_cast %swap3A_204 : vector<1x16xf32> to vector<16xf32>
          %swap3A_206 = vector.shape_cast %max3A_201 : vector<16xf32> to vector<1x16xf32>
          tpu.vector_store %arg13[%swap3A_202, %swap3A_203], %swap3A_206 {strides = array<i32>} : memref<64x128xf32, #tpu.memory_space<vmem>>, vector<1x16xf32>,
          %get3A_207 = arith.index_cast %scan3A_107 : i32 to index
          %get3A_208 = arith.constant 96 : index
          %get3A_209 = tpu.vector_load %arg13[%get3A_207, %get3A_208] {strides = array<i32>} : memref<64x128xf32, #tpu.memory_space<vmem>>, vector<1x16xf32>,
          %get3A_210 = vector.shape_cast %get3A_209 : vector<1x16xf32> to vector<16xf32>
          %get3A_211 = arith.index_cast %scan3A_107 : i32 to index
          %get3A_212 = arith.constant 96 : index
          %get3A_213 = tpu.vector_load %arg12[%get3A_211, %get3A_212] {strides = array<i32>} : memref<64x128xf32, #tpu.memory_space<vmem>>, vector<1x16xf32>,
          %get3A_214 = vector.shape_cast %get3A_213 : vector<1x16xf32> to vector<16xf32>
          %add3A_215 = arith.addf %get3A_210, %get3A_214 : vector<16xf32>
          %max3A_216 = arith.constant 0.000000e+00 : f32
          %max3A_217 = vector.broadcast %max3A_216 : f32 to vector<16xf32>
          %max3A_218 = arith.maximumf %add3A_215, %max3A_217 : vector<16xf32>
          %swap3A_219 = arith.index_cast %scan3A_107 : i32 to index
          %swap3A_220 = arith.constant 96 : index
          %swap3A_221 = tpu.vector_load %arg13[%swap3A_219, %swap3A_220] {strides = array<i32>} : memref<64x128xf32, #tpu.memory_space<vmem>>, vector<1x16xf32>,
          %swap3A_222 = vector.shape_cast %swap3A_221 : vector<1x16xf32> to vector<16xf32>
          %swap3A_223 = vector.shape_cast %max3A_218 : vector<16xf32> to vector<1x16xf32>
          tpu.vector_store %arg13[%swap3A_219, %swap3A_220], %swap3A_223 {strides = array<i32>} : memref<64x128xf32, #tpu.memory_space<vmem>>, vector<1x16xf32>,
          %get3A_224 = arith.index_cast %scan3A_107 : i32 to index
          %get3A_225 = arith.constant 112 : index
          %get3A_226 = tpu.vector_load %arg13[%get3A_224, %get3A_225] {strides = array<i32>} : memref<64x128xf32, #tpu.memory_space<vmem>>, vector<1x16xf32>,
          %get3A_227 = vector.shape_cast %get3A_226 : vector<1x16xf32> to vector<16xf32>
          %get3A_228 = arith.index_cast %scan3A_107 : i32 to index
          %get3A_229 = arith.constant 112 : index
          %get3A_230 = tpu.vector_load %arg12[%get3A_228, %get3A_229] {strides = array<i32>} : memref<64x128xf32, #tpu.memory_space<vmem>>, vector<1x16xf32>,
          %get3A_231 = vector.shape_cast %get3A_230 : vector<1x16xf32> to vector<16xf32>
          %add3A_232 = arith.addf %get3A_227, %get3A_231 : vector<16xf32>
          %max3A_233 = arith.constant 0.000000e+00 : f32
          %max3A_234 = vector.broadcast %max3A_233 : f32 to vector<16xf32>
          %max3A_235 = arith.maximumf %add3A_232, %max3A_234 : vector<16xf32>
          %swap3A_236 = arith.index_cast %scan3A_107 : i32 to index
          %swap3A_237 = arith.constant 112 : index
          %swap3A_238 = tpu.vector_load %arg13[%swap3A_236, %swap3A_237] {strides = array<i32>} : memref<64x128xf32, #tpu.memory_space<vmem>>, vector<1x16xf32>,
          %swap3A_239 = vector.shape_cast %swap3A_238 : vector<1x16xf32> to vector<16xf32>
          %swap3A_240 = vector.shape_cast %max3A_235 : vector<16xf32> to vector<1x16xf32>
          tpu.vector_store %arg13[%swap3A_236, %swap3A_237], %swap3A_240 {strides = array<i32>} : memref<64x128xf32, #tpu.memory_space<vmem>>, vector<1x16xf32>,
        }
        %scan3A_106 = arith.constant 64 : i32
        "tpu.region"() ({
          %run_scoped3A = tpu.sem_alloc : memref<!tpu.dma_semaphore, #tpu.memory_space<semaphore_mem>>
          %dma_start3A_107 = arith.constant 0 : i32
          %dma_start3A_108 = tpu.memref_slice %arg9[%add3A_36, %dma_start3A_107] : memref<40x64xi32, #tpu.memory_space<vmem>> -> memref<1x64xi32, #tpu.memory_space<vmem>>
          %dma_start3A_109 = tpu.memref_squeeze %dma_start3A_108 : memref<1x64xi32, #tpu.memory_space<vmem>> -> memref<64xi32, #tpu.memory_space<vmem>>
          %dma_start3A_110 = arith.constant 0 : i32
          %dma_start3A_111 = arith.constant 0 : i32
          %dma_start3A_112 = tpu.memref_slice %arg14[%dma_start3A_110, %dma_start3A_111] : memref<10112x128xf32, #tpu.memory_space<vmem_shared>> -> memref<10112x128xf32, #tpu.memory_space<vmem_shared>>
          tpu.enqueue_indirect_dma source(%arg13 : memref<64x128xf32, #tpu.memory_space<vmem>>) target(%dma_start3A_112 : memref<10112x128xf32, #tpu.memory_space<vmem_shared>>) offsets(%dma_start3A_109 : memref<64xi32, #tpu.memory_space<vmem>>) semaphore(%run_scoped3A : memref<!tpu.dma_semaphore, #tpu.memory_space<semaphore_mem>>) {add = true}
          %dma_wait3A_113 = arith.constant 0 : i32
          %dma_wait3A_114 = tpu.memref_slice %arg9[%add3A_36, %dma_wait3A_113] : memref<40x64xi32, #tpu.memory_space<vmem>> -> memref<1x64xi32, #tpu.memory_space<vmem>>
          %dma_wait3A_115 = tpu.memref_squeeze %dma_wait3A_114 : memref<1x64xi32, #tpu.memory_space<vmem>> -> memref<64xi32, #tpu.memory_space<vmem>>
          %dma_wait3A_116 = arith.constant 0 : i32
          %dma_wait3A_117 = arith.constant 0 : i32
          %dma_wait3A_118 = tpu.memref_slice %arg14[%dma_wait3A_116, %dma_wait3A_117] : memref<10112x128xf32, #tpu.memory_space<vmem_shared>> -> memref<10112x128xf32, #tpu.memory_space<vmem_shared>>
          tpu.wait_indirect_dma semaphore(%run_scoped3A : memref<!tpu.dma_semaphore, #tpu.memory_space<semaphore_mem>>) src(%arg13 : memref<64x128xf32, #tpu.memory_space<vmem>>) dst(%dma_wait3A_118 : memref<10112x128xf32, #tpu.memory_space<vmem_shared>>)
          tpu.yield
        }) : () -> ()
      }
      %scan3A_29 = arith.constant 20 : i32
    }
    %scan3A_7 = arith.constant 4 : i32
    %barrier3A_8 = arith.constant 0 : index
    tpu.barrier barrier_id(%barrier3A_8)
    %mul3A_9 = arith.constant 632 : i32
    %mul3A_10 = arith.muli %arg1, %mul3A_9 : i32
    %mul3A_11 = arith.constant 632 : i32
    %mul3A_12 = arith.muli %arg1, %mul3A_11 : i32
    "tpu.region"() ({
      %run_scoped3A = tpu.sem_alloc : memref<!tpu.dma_semaphore, #tpu.memory_space<semaphore_mem>>
      %dma_start3A = arith.constant 0 : i32
      %dma_start3A_13 = tpu.memref_slice %arg7[%arg0, %mul3A_12, %dma_start3A] : memref<2x10112x128xf32, #tpu.memory_space<hbm>> -> memref<1x632x128xf32, #tpu.memory_space<hbm>>
      %dma_start3A_14 = tpu.memref_squeeze %dma_start3A_13 : memref<1x632x128xf32, #tpu.memory_space<hbm>> -> memref<632x128xf32, #tpu.memory_space<hbm>>
      %dma_start3A_15 = arith.constant 0 : i32
      %dma_start3A_16 = tpu.memref_slice %arg14[%mul3A_10, %dma_start3A_15] : memref<10112x128xf32, #tpu.memory_space<vmem_shared>> -> memref<632x128xf32, #tpu.memory_space<vmem_shared>>
      tpu.enqueue_dma source(%dma_start3A_16 : memref<632x128xf32, #tpu.memory_space<vmem_shared>>) target(%dma_start3A_14 : memref<632x128xf32, #tpu.memory_space<hbm>>) target_semaphore(%run_scoped3A : memref<!tpu.dma_semaphore, #tpu.memory_space<semaphore_mem>>)
      %dma_wait3A = arith.constant 0 : i32
      %dma_wait3A_17 = tpu.memref_slice %arg7[%arg0, %mul3A_12, %dma_wait3A] : memref<2x10112x128xf32, #tpu.memory_space<hbm>> -> memref<1x632x128xf32, #tpu.memory_space<hbm>>
      %dma_wait3A_18 = tpu.memref_squeeze %dma_wait3A_17 : memref<1x632x128xf32, #tpu.memory_space<hbm>> -> memref<632x128xf32, #tpu.memory_space<hbm>>
      %dma_wait3A_19 = arith.constant 0 : i32
      %dma_wait3A_20 = tpu.memref_slice %arg14[%mul3A_10, %dma_wait3A_19] : memref<10112x128xf32, #tpu.memory_space<vmem_shared>> -> memref<632x128xf32, #tpu.memory_space<vmem_shared>>
      tpu.wait_dma2 semaphore(%run_scoped3A : memref<!tpu.dma_semaphore, #tpu.memory_space<semaphore_mem>>) src(%dma_wait3A_20 : memref<632x128xf32, #tpu.memory_space<vmem_shared>>) dst(%dma_wait3A_18 : memref<632x128xf32, #tpu.memory_space<hbm>>)
      tpu.yield
    }) : () -> ()
    return
  }
}

#map = affine_map<(d0, d1) -> (0, 0)>
#map1 = affine_map<(d0, d1) -> (0, 0, 0)>
module attributes {stable_mosaic.version = 14 : i64} {
  func.func @_sc_body(%arg0: i32, %arg1: i32, %arg2: memref<10000x128xf32, #tpu.memory_space<hbm>>, %arg3: memref<327680x128xf32, #tpu.memory_space<hbm>>, %arg4: memref<5120x64xi32, #tpu.memory_space<hbm>>, %arg5: memref<5120x64xi32, #tpu.memory_space<hbm>>, %arg6: memref<632x128xf32, #tpu.memory_space<hbm>>, %arg7: memref<2x10112x128xf32, #tpu.memory_space<hbm>>, %arg8: memref<40x64xi32, #tpu.memory_space<vmem>>, %arg9: memref<40x64xi32, #tpu.memory_space<vmem>>, %arg10: memref<64x128xf32, #tpu.memory_space<vmem>>, %arg11: memref<64x128xf32, #tpu.memory_space<vmem>>, %arg12: memref<64x128xf32, #tpu.memory_space<vmem>>, %arg13: memref<64x128xf32, #tpu.memory_space<vmem>>, %arg14: memref<10112x128xf32, #tpu.memory_space<vmem_shared>>, %arg15: memref<!tpu.dma_semaphore, #tpu.memory_space<semaphore_mem>>, %arg16: memref<!tpu.dma_semaphore, #tpu.memory_space<semaphore_mem>>, %arg17: memref<!tpu.dma_semaphore, #tpu.memory_space<semaphore_mem>>, %arg18: memref<!tpu.dma_semaphore, #tpu.memory_space<semaphore_mem>>) attributes {dimension_semantics = [#tpu.dimension_semantics<core_parallel>, #tpu.dimension_semantics<subcore_parallel>], iteration_bounds = array<i64: 2, 16>, scalar_prefetch = 0 : i64, scratch_operands = 11 : i64, tpu.core_type = #tpu.core_type<sc_vector_subcore>, window_params = [{transform_indices = #map}, {transform_indices = #map}, {transform_indices = #map}, {transform_indices = #map}, {transform_indices = #map}, {transform_indices = #map1}]} {
    %mul3A = arith.constant 16 : i32
    %mul3A_0 = arith.muli %arg0, %mul3A : i32
    %add3A = arith.addi %mul3A_0, %arg1 : i32
    %mul3A_1 = arith.constant 632 : i32
    %mul3A_2 = arith.muli %arg1, %mul3A_1 : i32
    "tpu.region"() ({
      %run_scoped3A = tpu.sem_alloc : memref<!tpu.dma_semaphore, #tpu.memory_space<semaphore_mem>>
      %dma_start3A = arith.constant 0 : i32
      %dma_start3A_13 = tpu.memref_slice %arg14[%mul3A_2, %dma_start3A] : memref<10112x128xf32, #tpu.memory_space<vmem_shared>> -> memref<632x128xf32, #tpu.memory_space<vmem_shared>>
      tpu.enqueue_dma source(%arg6 : memref<632x128xf32, #tpu.memory_space<hbm>>) target(%dma_start3A_13 : memref<632x128xf32, #tpu.memory_space<vmem_shared>>) target_semaphore(%run_scoped3A : memref<!tpu.dma_semaphore, #tpu.memory_space<semaphore_mem>>)
      %dma_wait3A = arith.constant 0 : i32
      %dma_wait3A_14 = tpu.memref_slice %arg14[%mul3A_2, %dma_wait3A] : memref<10112x128xf32, #tpu.memory_space<vmem_shared>> -> memref<632x128xf32, #tpu.memory_space<vmem_shared>>
      tpu.wait_dma2 semaphore(%run_scoped3A : memref<!tpu.dma_semaphore, #tpu.memory_space<semaphore_mem>>) src(%arg6 : memref<632x128xf32, #tpu.memory_space<hbm>>) dst(%dma_wait3A_14 : memref<632x128xf32, #tpu.memory_space<vmem_shared>>)
      tpu.yield
    }) : () -> ()
    %barrier3A = arith.constant 0 : index
    tpu.barrier barrier_id(%barrier3A)
    %scan3A = arith.constant 0 : i32
    %scan3A_3 = arith.constant 0 : i32
    %scan3A_4 = arith.constant 4 : i32
    %scan3A_5 = arith.addi %scan3A_3, %scan3A_4 : i32
    %scan3A_6 = arith.constant 1 : i32
    scf.for %scan3A_13 = %scan3A_3 to %scan3A_5 step %scan3A_6  : i32 {
      %mul3A_14 = arith.constant 160 : i32
      %mul3A_15 = arith.muli %add3A, %mul3A_14 : i32
      %mul3A_16 = arith.constant 40 : i32
      %mul3A_17 = arith.muli %scan3A_13, %mul3A_16 : i32
      %add3A_18 = arith.addi %mul3A_15, %mul3A_17 : i32
      "tpu.region"() ({
        %run_scoped3A = tpu.sem_alloc : memref<!tpu.dma_semaphore, #tpu.memory_space<semaphore_mem>>
        %dma_start3A = arith.constant 0 : i32
        %dma_start3A_30 = tpu.memref_slice %arg4[%add3A_18, %dma_start3A] : memref<5120x64xi32, #tpu.memory_space<hbm>> -> memref<40x64xi32, #tpu.memory_space<hbm>>
        %dma_start3A_31 = arith.constant 0 : i32
        %dma_start3A_32 = tpu.memref_slice %arg4[%add3A_18, %dma_start3A_31] : memref<5120x64xi32, #tpu.memory_space<hbm>> -> memref<40x64xi32, #tpu.memory_space<hbm>>
        tpu.enqueue_dma source(%dma_start3A_32 : memref<40x64xi32, #tpu.memory_space<hbm>>) target(%arg8 : memref<40x64xi32, #tpu.memory_space<vmem>>) target_semaphore(%run_scoped3A : memref<!tpu.dma_semaphore, #tpu.memory_space<semaphore_mem>>)
        %dma_wait3A = arith.constant 0 : i32
        %dma_wait3A_33 = tpu.memref_slice %arg4[%add3A_18, %dma_wait3A] : memref<5120x64xi32, #tpu.memory_space<hbm>> -> memref<40x64xi32, #tpu.memory_space<hbm>>
        %dma_wait3A_34 = arith.constant 0 : i32
        %dma_wait3A_35 = tpu.memref_slice %arg4[%add3A_18, %dma_wait3A_34] : memref<5120x64xi32, #tpu.memory_space<hbm>> -> memref<40x64xi32, #tpu.memory_space<hbm>>
        tpu.wait_dma2 semaphore(%run_scoped3A : memref<!tpu.dma_semaphore, #tpu.memory_space<semaphore_mem>>) src(%dma_wait3A_35 : memref<40x64xi32, #tpu.memory_space<hbm>>) dst(%arg8 : memref<40x64xi32, #tpu.memory_space<vmem>>)
        tpu.yield
      }) : () -> ()
      %mul3A_19 = arith.constant 160 : i32
      %mul3A_20 = arith.muli %add3A, %mul3A_19 : i32
      %mul3A_21 = arith.constant 40 : i32
      %mul3A_22 = arith.muli %scan3A_13, %mul3A_21 : i32
      %add3A_23 = arith.addi %mul3A_20, %mul3A_22 : i32
      "tpu.region"() ({
        %run_scoped3A = tpu.sem_alloc : memref<!tpu.dma_semaphore, #tpu.memory_space<semaphore_mem>>
        %dma_start3A = arith.constant 0 : i32
        %dma_start3A_30 = tpu.memref_slice %arg5[%add3A_23, %dma_start3A] : memref<5120x64xi32, #tpu.memory_space<hbm>> -> memref<40x64xi32, #tpu.memory_space<hbm>>
        %dma_start3A_31 = arith.constant 0 : i32
        %dma_start3A_32 = tpu.memref_slice %arg5[%add3A_23, %dma_start3A_31] : memref<5120x64xi32, #tpu.memory_space<hbm>> -> memref<40x64xi32, #tpu.memory_space<hbm>>
        tpu.enqueue_dma source(%dma_start3A_32 : memref<40x64xi32, #tpu.memory_space<hbm>>) target(%arg9 : memref<40x64xi32, #tpu.memory_space<vmem>>) target_semaphore(%run_scoped3A : memref<!tpu.dma_semaphore, #tpu.memory_space<semaphore_mem>>)
        %dma_wait3A = arith.constant 0 : i32
        %dma_wait3A_33 = tpu.memref_slice %arg5[%add3A_23, %dma_wait3A] : memref<5120x64xi32, #tpu.memory_space<hbm>> -> memref<40x64xi32, #tpu.memory_space<hbm>>
        %dma_wait3A_34 = arith.constant 0 : i32
        %dma_wait3A_35 = tpu.memref_slice %arg5[%add3A_23, %dma_wait3A_34] : memref<5120x64xi32, #tpu.memory_space<hbm>> -> memref<40x64xi32, #tpu.memory_space<hbm>>
        tpu.wait_dma2 semaphore(%run_scoped3A : memref<!tpu.dma_semaphore, #tpu.memory_space<semaphore_mem>>) src(%dma_wait3A_35 : memref<40x64xi32, #tpu.memory_space<hbm>>) dst(%arg9 : memref<40x64xi32, #tpu.memory_space<vmem>>)
        tpu.yield
      }) : () -> ()
      %scan3A_24 = arith.constant 0 : i32
      %scan3A_25 = arith.constant 0 : i32
      %scan3A_26 = arith.constant 20 : i32
      %scan3A_27 = arith.addi %scan3A_25, %scan3A_26 : i32
      %scan3A_28 = arith.constant 1 : i32
      scf.for %scan3A_30 = %scan3A_25 to %scan3A_27 step %scan3A_28  : i32 {
        %mul3A_31 = arith.constant 2 : i32
        %mul3A_32 = arith.muli %mul3A_31, %scan3A_30 : i32
        %mul3A_33 = arith.constant 2 : i32
        %mul3A_34 = arith.muli %mul3A_33, %scan3A_30 : i32
        %add3A_35 = arith.constant 1 : i32
        %add3A_36 = arith.addi %mul3A_34, %add3A_35 : i32
        %mul3A_37 = arith.constant 10240 : i32
        %mul3A_38 = arith.muli %add3A, %mul3A_37 : i32
        %mul3A_39 = arith.constant 40 : i32
        %mul3A_40 = arith.muli %scan3A_13, %mul3A_39 : i32
        %mul3A_41 = arith.constant 64 : i32
        %mul3A_42 = arith.muli %mul3A_40, %mul3A_41 : i32
        %add3A_43 = arith.addi %mul3A_38, %mul3A_42 : i32
        %mul3A_44 = arith.constant 64 : i32
        %mul3A_45 = arith.muli %mul3A_32, %mul3A_44 : i32
        %add3A_46 = arith.addi %add3A_43, %mul3A_45 : i32
        %dma_start3A = arith.constant 0 : i32
        %dma_start3A_47 = tpu.memref_slice %arg3[%add3A_46, %dma_start3A] : memref<327680x128xf32, #tpu.memory_space<hbm>> -> memref<64x128xf32, #tpu.memory_space<hbm>>
        %dma_start3A_48 = arith.constant 0 : i32
        %dma_start3A_49 = tpu.memref_slice %arg3[%add3A_46, %dma_start3A_48] : memref<327680x128xf32, #tpu.memory_space<hbm>> -> memref<64x128xf32, #tpu.memory_space<hbm>>
        tpu.enqueue_dma source(%dma_start3A_49 : memref<64x128xf32, #tpu.memory_space<hbm>>) target(%arg11 : memref<64x128xf32, #tpu.memory_space<vmem>>) target_semaphore(%arg16 : memref<!tpu.dma_semaphore, #tpu.memory_space<semaphore_mem>>)
        %dma_start3A_50 = arith.constant 0 : i32
        %dma_start3A_51 = tpu.memref_slice %arg8[%mul3A_32, %dma_start3A_50] : memref<40x64xi32, #tpu.memory_space<vmem>> -> memref<1x64xi32, #tpu.memory_space<vmem>>
        %dma_start3A_52 = tpu.memref_squeeze %dma_start3A_51 : memref<1x64xi32, #tpu.memory_space<vmem>> -> memref<64xi32, #tpu.memory_space<vmem>>
        %dma_start3A_53 = arith.constant 0 : i32
        %dma_start3A_54 = arith.constant 0 : i32
        %dma_start3A_55 = tpu.memref_slice %arg2[%dma_start3A_53, %dma_start3A_54] : memref<10000x128xf32, #tpu.memory_space<hbm>> -> memref<10000x128xf32, #tpu.memory_space<hbm>>
        tpu.enqueue_indirect_dma source(%dma_start3A_55 : memref<10000x128xf32, #tpu.memory_space<hbm>>) target(%arg10 : memref<64x128xf32, #tpu.memory_space<vmem>>) offsets(%dma_start3A_52 : memref<64xi32, #tpu.memory_space<vmem>>) semaphore(%arg15 : memref<!tpu.dma_semaphore, #tpu.memory_space<semaphore_mem>>)
        %mul3A_56 = arith.constant 10240 : i32
        %mul3A_57 = arith.muli %add3A, %mul3A_56 : i32
        %mul3A_58 = arith.constant 40 : i32
        %mul3A_59 = arith.muli %scan3A_13, %mul3A_58 : i32
        %mul3A_60 = arith.constant 64 : i32
        %mul3A_61 = arith.muli %mul3A_59, %mul3A_60 : i32
        %add3A_62 = arith.addi %mul3A_57, %mul3A_61 : i32
        %mul3A_63 = arith.constant 64 : i32
        %mul3A_64 = arith.muli %add3A_36, %mul3A_63 : i32
        %add3A_65 = arith.addi %add3A_62, %mul3A_64 : i32
        %dma_start3A_66 = arith.constant 0 : i32
        %dma_start3A_67 = tpu.memref_slice %arg3[%add3A_65, %dma_start3A_66] : memref<327680x128xf32, #tpu.memory_space<hbm>> -> memref<64x128xf32, #tpu.memory_space<hbm>>
        %dma_start3A_68 = arith.constant 0 : i32
        %dma_start3A_69 = tpu.memref_slice %arg3[%add3A_65, %dma_start3A_68] : memref<327680x128xf32, #tpu.memory_space<hbm>> -> memref<64x128xf32, #tpu.memory_space<hbm>>
        tpu.enqueue_dma source(%dma_start3A_69 : memref<64x128xf32, #tpu.memory_space<hbm>>) target(%arg13 : memref<64x128xf32, #tpu.memory_space<vmem>>) target_semaphore(%arg18 : memref<!tpu.dma_semaphore, #tpu.memory_space<semaphore_mem>>)
        %dma_start3A_70 = arith.constant 0 : i32
        %dma_start3A_71 = tpu.memref_slice %arg8[%add3A_36, %dma_start3A_70] : memref<40x64xi32, #tpu.memory_space<vmem>> -> memref<1x64xi32, #tpu.memory_space<vmem>>
        %dma_start3A_72 = tpu.memref_squeeze %dma_start3A_71 : memref<1x64xi32, #tpu.memory_space<vmem>> -> memref<64xi32, #tpu.memory_space<vmem>>
        %dma_start3A_73 = arith.constant 0 : i32
        %dma_start3A_74 = arith.constant 0 : i32
        %dma_start3A_75 = tpu.memref_slice %arg2[%dma_start3A_73, %dma_start3A_74] : memref<10000x128xf32, #tpu.memory_space<hbm>> -> memref<10000x128xf32, #tpu.memory_space<hbm>>
        tpu.enqueue_indirect_dma source(%dma_start3A_75 : memref<10000x128xf32, #tpu.memory_space<hbm>>) target(%arg12 : memref<64x128xf32, #tpu.memory_space<vmem>>) offsets(%dma_start3A_72 : memref<64xi32, #tpu.memory_space<vmem>>) semaphore(%arg17 : memref<!tpu.dma_semaphore, #tpu.memory_space<semaphore_mem>>)
        %dma_wait3A = arith.constant 0 : i32
        %dma_wait3A_76 = tpu.memref_slice %arg3[%add3A_46, %dma_wait3A] : memref<327680x128xf32, #tpu.memory_space<hbm>> -> memref<64x128xf32, #tpu.memory_space<hbm>>
        %dma_wait3A_77 = arith.constant 0 : i32
        %dma_wait3A_78 = tpu.memref_slice %arg3[%add3A_46, %dma_wait3A_77] : memref<327680x128xf32, #tpu.memory_space<hbm>> -> memref<64x128xf32, #tpu.memory_space<hbm>>
        tpu.wait_dma2 semaphore(%arg16 : memref<!tpu.dma_semaphore, #tpu.memory_space<semaphore_mem>>) src(%dma_wait3A_78 : memref<64x128xf32, #tpu.memory_space<hbm>>) dst(%arg11 : memref<64x128xf32, #tpu.memory_space<vmem>>)
        %dma_wait3A_79 = arith.constant 0 : i32
        %dma_wait3A_80 = tpu.memref_slice %arg8[%mul3A_32, %dma_wait3A_79] : memref<40x64xi32, #tpu.memory_space<vmem>> -> memref<1x64xi32, #tpu.memory_space<vmem>>
        %dma_wait3A_81 = tpu.memref_squeeze %dma_wait3A_80 : memref<1x64xi32, #tpu.memory_space<vmem>> -> memref<64xi32, #tpu.memory_space<vmem>>
        %dma_wait3A_82 = arith.constant 0 : i32
        %dma_wait3A_83 = arith.constant 0 : i32
        %dma_wait3A_84 = tpu.memref_slice %arg2[%dma_wait3A_82, %dma_wait3A_83] : memref<10000x128xf32, #tpu.memory_space<hbm>> -> memref<10000x128xf32, #tpu.memory_space<hbm>>
        tpu.wait_indirect_dma semaphore(%arg15 : memref<!tpu.dma_semaphore, #tpu.memory_space<semaphore_mem>>) src(%dma_wait3A_84 : memref<10000x128xf32, #tpu.memory_space<hbm>>) dst(%arg10 : memref<64x128xf32, #tpu.memory_space<vmem>>)
        %scan3A_85 = arith.constant 0 : i32
        %scan3A_86 = arith.constant 0 : i32
        %scan3A_87 = arith.constant 64 : i32
        %scan3A_88 = arith.addi %scan3A_86, %scan3A_87 : i32
        %scan3A_89 = arith.constant 1 : i32
        scf.for %scan3A_107 = %scan3A_86 to %scan3A_88 step %scan3A_89  : i32 {
          %get3A = arith.index_cast %scan3A_107 : i32 to index
          %get3A_108 = arith.constant 0 : index
          %get3A_109 = tpu.vector_load %arg11[%get3A, %get3A_108] {strides = array<i32>} : memref<64x128xf32, #tpu.memory_space<vmem>>, vector<1x16xf32>,
          %get3A_110 = vector.shape_cast %get3A_109 : vector<1x16xf32> to vector<16xf32>
          %get3A_111 = arith.index_cast %scan3A_107 : i32 to index
          %get3A_112 = arith.constant 0 : index
          %get3A_113 = tpu.vector_load %arg10[%get3A_111, %get3A_112] {strides = array<i32>} : memref<64x128xf32, #tpu.memory_space<vmem>>, vector<1x16xf32>,
          %get3A_114 = vector.shape_cast %get3A_113 : vector<1x16xf32> to vector<16xf32>
          %add3A_115 = arith.addf %get3A_110, %get3A_114 : vector<16xf32>
          %max3A = arith.constant 0.000000e+00 : f32
          %max3A_116 = vector.broadcast %max3A : f32 to vector<16xf32>
          %max3A_117 = arith.maximumf %add3A_115, %max3A_116 : vector<16xf32>
          %swap3A = arith.index_cast %scan3A_107 : i32 to index
          %swap3A_118 = arith.constant 0 : index
          %swap3A_119 = tpu.vector_load %arg11[%swap3A, %swap3A_118] {strides = array<i32>} : memref<64x128xf32, #tpu.memory_space<vmem>>, vector<1x16xf32>,
          %swap3A_120 = vector.shape_cast %swap3A_119 : vector<1x16xf32> to vector<16xf32>
          %swap3A_121 = vector.shape_cast %max3A_117 : vector<16xf32> to vector<1x16xf32>
          tpu.vector_store %arg11[%swap3A, %swap3A_118], %swap3A_121 {strides = array<i32>} : memref<64x128xf32, #tpu.memory_space<vmem>>, vector<1x16xf32>,
          %get3A_122 = arith.index_cast %scan3A_107 : i32 to index
          %get3A_123 = arith.constant 16 : index
          %get3A_124 = tpu.vector_load %arg11[%get3A_122, %get3A_123] {strides = array<i32>} : memref<64x128xf32, #tpu.memory_space<vmem>>, vector<1x16xf32>,
          %get3A_125 = vector.shape_cast %get3A_124 : vector<1x16xf32> to vector<16xf32>
          %get3A_126 = arith.index_cast %scan3A_107 : i32 to index
          %get3A_127 = arith.constant 16 : index
          %get3A_128 = tpu.vector_load %arg10[%get3A_126, %get3A_127] {strides = array<i32>} : memref<64x128xf32, #tpu.memory_space<vmem>>, vector<1x16xf32>,
          %get3A_129 = vector.shape_cast %get3A_128 : vector<1x16xf32> to vector<16xf32>
          %add3A_130 = arith.addf %get3A_125, %get3A_129 : vector<16xf32>
          %max3A_131 = arith.constant 0.000000e+00 : f32
          %max3A_132 = vector.broadcast %max3A_131 : f32 to vector<16xf32>
          %max3A_133 = arith.maximumf %add3A_130, %max3A_132 : vector<16xf32>
          %swap3A_134 = arith.index_cast %scan3A_107 : i32 to index
          %swap3A_135 = arith.constant 16 : index
          %swap3A_136 = tpu.vector_load %arg11[%swap3A_134, %swap3A_135] {strides = array<i32>} : memref<64x128xf32, #tpu.memory_space<vmem>>, vector<1x16xf32>,
          %swap3A_137 = vector.shape_cast %swap3A_136 : vector<1x16xf32> to vector<16xf32>
          %swap3A_138 = vector.shape_cast %max3A_133 : vector<16xf32> to vector<1x16xf32>
          tpu.vector_store %arg11[%swap3A_134, %swap3A_135], %swap3A_138 {strides = array<i32>} : memref<64x128xf32, #tpu.memory_space<vmem>>, vector<1x16xf32>,
          %get3A_139 = arith.index_cast %scan3A_107 : i32 to index
          %get3A_140 = arith.constant 32 : index
          %get3A_141 = tpu.vector_load %arg11[%get3A_139, %get3A_140] {strides = array<i32>} : memref<64x128xf32, #tpu.memory_space<vmem>>, vector<1x16xf32>,
          %get3A_142 = vector.shape_cast %get3A_141 : vector<1x16xf32> to vector<16xf32>
          %get3A_143 = arith.index_cast %scan3A_107 : i32 to index
          %get3A_144 = arith.constant 32 : index
          %get3A_145 = tpu.vector_load %arg10[%get3A_143, %get3A_144] {strides = array<i32>} : memref<64x128xf32, #tpu.memory_space<vmem>>, vector<1x16xf32>,
          %get3A_146 = vector.shape_cast %get3A_145 : vector<1x16xf32> to vector<16xf32>
          %add3A_147 = arith.addf %get3A_142, %get3A_146 : vector<16xf32>
          %max3A_148 = arith.constant 0.000000e+00 : f32
          %max3A_149 = vector.broadcast %max3A_148 : f32 to vector<16xf32>
          %max3A_150 = arith.maximumf %add3A_147, %max3A_149 : vector<16xf32>
          %swap3A_151 = arith.index_cast %scan3A_107 : i32 to index
          %swap3A_152 = arith.constant 32 : index
          %swap3A_153 = tpu.vector_load %arg11[%swap3A_151, %swap3A_152] {strides = array<i32>} : memref<64x128xf32, #tpu.memory_space<vmem>>, vector<1x16xf32>,
          %swap3A_154 = vector.shape_cast %swap3A_153 : vector<1x16xf32> to vector<16xf32>
          %swap3A_155 = vector.shape_cast %max3A_150 : vector<16xf32> to vector<1x16xf32>
          tpu.vector_store %arg11[%swap3A_151, %swap3A_152], %swap3A_155 {strides = array<i32>} : memref<64x128xf32, #tpu.memory_space<vmem>>, vector<1x16xf32>,
          %get3A_156 = arith.index_cast %scan3A_107 : i32 to index
          %get3A_157 = arith.constant 48 : index
          %get3A_158 = tpu.vector_load %arg11[%get3A_156, %get3A_157] {strides = array<i32>} : memref<64x128xf32, #tpu.memory_space<vmem>>, vector<1x16xf32>,
          %get3A_159 = vector.shape_cast %get3A_158 : vector<1x16xf32> to vector<16xf32>
          %get3A_160 = arith.index_cast %scan3A_107 : i32 to index
          %get3A_161 = arith.constant 48 : index
          %get3A_162 = tpu.vector_load %arg10[%get3A_160, %get3A_161] {strides = array<i32>} : memref<64x128xf32, #tpu.memory_space<vmem>>, vector<1x16xf32>,
          %get3A_163 = vector.shape_cast %get3A_162 : vector<1x16xf32> to vector<16xf32>
          %add3A_164 = arith.addf %get3A_159, %get3A_163 : vector<16xf32>
          %max3A_165 = arith.constant 0.000000e+00 : f32
          %max3A_166 = vector.broadcast %max3A_165 : f32 to vector<16xf32>
          %max3A_167 = arith.maximumf %add3A_164, %max3A_166 : vector<16xf32>
          %swap3A_168 = arith.index_cast %scan3A_107 : i32 to index
          %swap3A_169 = arith.constant 48 : index
          %swap3A_170 = tpu.vector_load %arg11[%swap3A_168, %swap3A_169] {strides = array<i32>} : memref<64x128xf32, #tpu.memory_space<vmem>>, vector<1x16xf32>,
          %swap3A_171 = vector.shape_cast %swap3A_170 : vector<1x16xf32> to vector<16xf32>
          %swap3A_172 = vector.shape_cast %max3A_167 : vector<16xf32> to vector<1x16xf32>
          tpu.vector_store %arg11[%swap3A_168, %swap3A_169], %swap3A_172 {strides = array<i32>} : memref<64x128xf32, #tpu.memory_space<vmem>>, vector<1x16xf32>,
          %get3A_173 = arith.index_cast %scan3A_107 : i32 to index
          %get3A_174 = arith.constant 64 : index
          %get3A_175 = tpu.vector_load %arg11[%get3A_173, %get3A_174] {strides = array<i32>} : memref<64x128xf32, #tpu.memory_space<vmem>>, vector<1x16xf32>,
          %get3A_176 = vector.shape_cast %get3A_175 : vector<1x16xf32> to vector<16xf32>
          %get3A_177 = arith.index_cast %scan3A_107 : i32 to index
          %get3A_178 = arith.constant 64 : index
          %get3A_179 = tpu.vector_load %arg10[%get3A_177, %get3A_178] {strides = array<i32>} : memref<64x128xf32, #tpu.memory_space<vmem>>, vector<1x16xf32>,
          %get3A_180 = vector.shape_cast %get3A_179 : vector<1x16xf32> to vector<16xf32>
          %add3A_181 = arith.addf %get3A_176, %get3A_180 : vector<16xf32>
          %max3A_182 = arith.constant 0.000000e+00 : f32
          %max3A_183 = vector.broadcast %max3A_182 : f32 to vector<16xf32>
          %max3A_184 = arith.maximumf %add3A_181, %max3A_183 : vector<16xf32>
          %swap3A_185 = arith.index_cast %scan3A_107 : i32 to index
          %swap3A_186 = arith.constant 64 : index
          %swap3A_187 = tpu.vector_load %arg11[%swap3A_185, %swap3A_186] {strides = array<i32>} : memref<64x128xf32, #tpu.memory_space<vmem>>, vector<1x16xf32>,
          %swap3A_188 = vector.shape_cast %swap3A_187 : vector<1x16xf32> to vector<16xf32>
          %swap3A_189 = vector.shape_cast %max3A_184 : vector<16xf32> to vector<1x16xf32>
          tpu.vector_store %arg11[%swap3A_185, %swap3A_186], %swap3A_189 {strides = array<i32>} : memref<64x128xf32, #tpu.memory_space<vmem>>, vector<1x16xf32>,
          %get3A_190 = arith.index_cast %scan3A_107 : i32 to index
          %get3A_191 = arith.constant 80 : index
          %get3A_192 = tpu.vector_load %arg11[%get3A_190, %get3A_191] {strides = array<i32>} : memref<64x128xf32, #tpu.memory_space<vmem>>, vector<1x16xf32>,
          %get3A_193 = vector.shape_cast %get3A_192 : vector<1x16xf32> to vector<16xf32>
          %get3A_194 = arith.index_cast %scan3A_107 : i32 to index
          %get3A_195 = arith.constant 80 : index
          %get3A_196 = tpu.vector_load %arg10[%get3A_194, %get3A_195] {strides = array<i32>} : memref<64x128xf32, #tpu.memory_space<vmem>>, vector<1x16xf32>,
          %get3A_197 = vector.shape_cast %get3A_196 : vector<1x16xf32> to vector<16xf32>
          %add3A_198 = arith.addf %get3A_193, %get3A_197 : vector<16xf32>
          %max3A_199 = arith.constant 0.000000e+00 : f32
          %max3A_200 = vector.broadcast %max3A_199 : f32 to vector<16xf32>
          %max3A_201 = arith.maximumf %add3A_198, %max3A_200 : vector<16xf32>
          %swap3A_202 = arith.index_cast %scan3A_107 : i32 to index
          %swap3A_203 = arith.constant 80 : index
          %swap3A_204 = tpu.vector_load %arg11[%swap3A_202, %swap3A_203] {strides = array<i32>} : memref<64x128xf32, #tpu.memory_space<vmem>>, vector<1x16xf32>,
          %swap3A_205 = vector.shape_cast %swap3A_204 : vector<1x16xf32> to vector<16xf32>
          %swap3A_206 = vector.shape_cast %max3A_201 : vector<16xf32> to vector<1x16xf32>
          tpu.vector_store %arg11[%swap3A_202, %swap3A_203], %swap3A_206 {strides = array<i32>} : memref<64x128xf32, #tpu.memory_space<vmem>>, vector<1x16xf32>,
          %get3A_207 = arith.index_cast %scan3A_107 : i32 to index
          %get3A_208 = arith.constant 96 : index
          %get3A_209 = tpu.vector_load %arg11[%get3A_207, %get3A_208] {strides = array<i32>} : memref<64x128xf32, #tpu.memory_space<vmem>>, vector<1x16xf32>,
          %get3A_210 = vector.shape_cast %get3A_209 : vector<1x16xf32> to vector<16xf32>
          %get3A_211 = arith.index_cast %scan3A_107 : i32 to index
          %get3A_212 = arith.constant 96 : index
          %get3A_213 = tpu.vector_load %arg10[%get3A_211, %get3A_212] {strides = array<i32>} : memref<64x128xf32, #tpu.memory_space<vmem>>, vector<1x16xf32>,
          %get3A_214 = vector.shape_cast %get3A_213 : vector<1x16xf32> to vector<16xf32>
          %add3A_215 = arith.addf %get3A_210, %get3A_214 : vector<16xf32>
          %max3A_216 = arith.constant 0.000000e+00 : f32
          %max3A_217 = vector.broadcast %max3A_216 : f32 to vector<16xf32>
          %max3A_218 = arith.maximumf %add3A_215, %max3A_217 : vector<16xf32>
          %swap3A_219 = arith.index_cast %scan3A_107 : i32 to index
          %swap3A_220 = arith.constant 96 : index
          %swap3A_221 = tpu.vector_load %arg11[%swap3A_219, %swap3A_220] {strides = array<i32>} : memref<64x128xf32, #tpu.memory_space<vmem>>, vector<1x16xf32>,
          %swap3A_222 = vector.shape_cast %swap3A_221 : vector<1x16xf32> to vector<16xf32>
          %swap3A_223 = vector.shape_cast %max3A_218 : vector<16xf32> to vector<1x16xf32>
          tpu.vector_store %arg11[%swap3A_219, %swap3A_220], %swap3A_223 {strides = array<i32>} : memref<64x128xf32, #tpu.memory_space<vmem>>, vector<1x16xf32>,
          %get3A_224 = arith.index_cast %scan3A_107 : i32 to index
          %get3A_225 = arith.constant 112 : index
          %get3A_226 = tpu.vector_load %arg11[%get3A_224, %get3A_225] {strides = array<i32>} : memref<64x128xf32, #tpu.memory_space<vmem>>, vector<1x16xf32>,
          %get3A_227 = vector.shape_cast %get3A_226 : vector<1x16xf32> to vector<16xf32>
          %get3A_228 = arith.index_cast %scan3A_107 : i32 to index
          %get3A_229 = arith.constant 112 : index
          %get3A_230 = tpu.vector_load %arg10[%get3A_228, %get3A_229] {strides = array<i32>} : memref<64x128xf32, #tpu.memory_space<vmem>>, vector<1x16xf32>,
          %get3A_231 = vector.shape_cast %get3A_230 : vector<1x16xf32> to vector<16xf32>
          %add3A_232 = arith.addf %get3A_227, %get3A_231 : vector<16xf32>
          %max3A_233 = arith.constant 0.000000e+00 : f32
          %max3A_234 = vector.broadcast %max3A_233 : f32 to vector<16xf32>
          %max3A_235 = arith.maximumf %add3A_232, %max3A_234 : vector<16xf32>
          %swap3A_236 = arith.index_cast %scan3A_107 : i32 to index
          %swap3A_237 = arith.constant 112 : index
          %swap3A_238 = tpu.vector_load %arg11[%swap3A_236, %swap3A_237] {strides = array<i32>} : memref<64x128xf32, #tpu.memory_space<vmem>>, vector<1x16xf32>,
          %swap3A_239 = vector.shape_cast %swap3A_238 : vector<1x16xf32> to vector<16xf32>
          %swap3A_240 = vector.shape_cast %max3A_235 : vector<16xf32> to vector<1x16xf32>
          tpu.vector_store %arg11[%swap3A_236, %swap3A_237], %swap3A_240 {strides = array<i32>} : memref<64x128xf32, #tpu.memory_space<vmem>>, vector<1x16xf32>,
        }
        %scan3A_90 = arith.constant 64 : i32
        "tpu.region"() ({
          %run_scoped3A = tpu.sem_alloc : memref<!tpu.dma_semaphore, #tpu.memory_space<semaphore_mem>>
          %dma_start3A_107 = arith.constant 0 : i32
          %dma_start3A_108 = tpu.memref_slice %arg9[%mul3A_32, %dma_start3A_107] : memref<40x64xi32, #tpu.memory_space<vmem>> -> memref<1x64xi32, #tpu.memory_space<vmem>>
          %dma_start3A_109 = tpu.memref_squeeze %dma_start3A_108 : memref<1x64xi32, #tpu.memory_space<vmem>> -> memref<64xi32, #tpu.memory_space<vmem>>
          %dma_start3A_110 = arith.constant 0 : i32
          %dma_start3A_111 = arith.constant 0 : i32
          %dma_start3A_112 = tpu.memref_slice %arg14[%dma_start3A_110, %dma_start3A_111] : memref<10112x128xf32, #tpu.memory_space<vmem_shared>> -> memref<10112x128xf32, #tpu.memory_space<vmem_shared>>
          tpu.enqueue_indirect_dma source(%arg11 : memref<64x128xf32, #tpu.memory_space<vmem>>) target(%dma_start3A_112 : memref<10112x128xf32, #tpu.memory_space<vmem_shared>>) offsets(%dma_start3A_109 : memref<64xi32, #tpu.memory_space<vmem>>) semaphore(%run_scoped3A : memref<!tpu.dma_semaphore, #tpu.memory_space<semaphore_mem>>) {add = true}
          %dma_wait3A_113 = arith.constant 0 : i32
          %dma_wait3A_114 = tpu.memref_slice %arg9[%mul3A_32, %dma_wait3A_113] : memref<40x64xi32, #tpu.memory_space<vmem>> -> memref<1x64xi32, #tpu.memory_space<vmem>>
          %dma_wait3A_115 = tpu.memref_squeeze %dma_wait3A_114 : memref<1x64xi32, #tpu.memory_space<vmem>> -> memref<64xi32, #tpu.memory_space<vmem>>
          %dma_wait3A_116 = arith.constant 0 : i32
          %dma_wait3A_117 = arith.constant 0 : i32
          %dma_wait3A_118 = tpu.memref_slice %arg14[%dma_wait3A_116, %dma_wait3A_117] : memref<10112x128xf32, #tpu.memory_space<vmem_shared>> -> memref<10112x128xf32, #tpu.memory_space<vmem_shared>>
          tpu.wait_indirect_dma semaphore(%run_scoped3A : memref<!tpu.dma_semaphore, #tpu.memory_space<semaphore_mem>>) src(%arg11 : memref<64x128xf32, #tpu.memory_space<vmem>>) dst(%dma_wait3A_118 : memref<10112x128xf32, #tpu.memory_space<vmem_shared>>)
          tpu.yield
        }) : () -> ()
        %dma_wait3A_91 = arith.constant 0 : i32
        %dma_wait3A_92 = tpu.memref_slice %arg3[%add3A_65, %dma_wait3A_91] : memref<327680x128xf32, #tpu.memory_space<hbm>> -> memref<64x128xf32, #tpu.memory_space<hbm>>
        %dma_wait3A_93 = arith.constant 0 : i32
        %dma_wait3A_94 = tpu.memref_slice %arg3[%add3A_65, %dma_wait3A_93] : memref<327680x128xf32, #tpu.memory_space<hbm>> -> memref<64x128xf32, #tpu.memory_space<hbm>>
        tpu.wait_dma2 semaphore(%arg18 : memref<!tpu.dma_semaphore, #tpu.memory_space<semaphore_mem>>) src(%dma_wait3A_94 : memref<64x128xf32, #tpu.memory_space<hbm>>) dst(%arg13 : memref<64x128xf32, #tpu.memory_space<vmem>>)
        %dma_wait3A_95 = arith.constant 0 : i32
        %dma_wait3A_96 = tpu.memref_slice %arg8[%add3A_36, %dma_wait3A_95] : memref<40x64xi32, #tpu.memory_space<vmem>> -> memref<1x64xi32, #tpu.memory_space<vmem>>
        %dma_wait3A_97 = tpu.memref_squeeze %dma_wait3A_96 : memref<1x64xi32, #tpu.memory_space<vmem>> -> memref<64xi32, #tpu.memory_space<vmem>>
        %dma_wait3A_98 = arith.constant 0 : i32
        %dma_wait3A_99 = arith.constant 0 : i32
        %dma_wait3A_100 = tpu.memref_slice %arg2[%dma_wait3A_98, %dma_wait3A_99] : memref<10000x128xf32, #tpu.memory_space<hbm>> -> memref<10000x128xf32, #tpu.memory_space<hbm>>
        tpu.wait_indirect_dma semaphore(%arg17 : memref<!tpu.dma_semaphore, #tpu.memory_space<semaphore_mem>>) src(%dma_wait3A_100 : memref<10000x128xf32, #tpu.memory_space<hbm>>) dst(%arg12 : memref<64x128xf32, #tpu.memory_space<vmem>>)
        %scan3A_101 = arith.constant 0 : i32
        %scan3A_102 = arith.constant 0 : i32
        %scan3A_103 = arith.constant 64 : i32
        %scan3A_104 = arith.addi %scan3A_102, %scan3A_103 : i32
        %scan3A_105 = arith.constant 1 : i32
        scf.for %scan3A_107 = %scan3A_102 to %scan3A_104 step %scan3A_105  : i32 {
          %get3A = arith.index_cast %scan3A_107 : i32 to index
          %get3A_108 = arith.constant 0 : index
          %get3A_109 = tpu.vector_load %arg13[%get3A, %get3A_108] {strides = array<i32>} : memref<64x128xf32, #tpu.memory_space<vmem>>, vector<1x16xf32>,
          %get3A_110 = vector.shape_cast %get3A_109 : vector<1x16xf32> to vector<16xf32>
          %get3A_111 = arith.index_cast %scan3A_107 : i32 to index
          %get3A_112 = arith.constant 0 : index
          %get3A_113 = tpu.vector_load %arg12[%get3A_111, %get3A_112] {strides = array<i32>} : memref<64x128xf32, #tpu.memory_space<vmem>>, vector<1x16xf32>,
          %get3A_114 = vector.shape_cast %get3A_113 : vector<1x16xf32> to vector<16xf32>
          %add3A_115 = arith.addf %get3A_110, %get3A_114 : vector<16xf32>
          %max3A = arith.constant 0.000000e+00 : f32
          %max3A_116 = vector.broadcast %max3A : f32 to vector<16xf32>
          %max3A_117 = arith.maximumf %add3A_115, %max3A_116 : vector<16xf32>
          %swap3A = arith.index_cast %scan3A_107 : i32 to index
          %swap3A_118 = arith.constant 0 : index
          %swap3A_119 = tpu.vector_load %arg13[%swap3A, %swap3A_118] {strides = array<i32>} : memref<64x128xf32, #tpu.memory_space<vmem>>, vector<1x16xf32>,
          %swap3A_120 = vector.shape_cast %swap3A_119 : vector<1x16xf32> to vector<16xf32>
          %swap3A_121 = vector.shape_cast %max3A_117 : vector<16xf32> to vector<1x16xf32>
          tpu.vector_store %arg13[%swap3A, %swap3A_118], %swap3A_121 {strides = array<i32>} : memref<64x128xf32, #tpu.memory_space<vmem>>, vector<1x16xf32>,
          %get3A_122 = arith.index_cast %scan3A_107 : i32 to index
          %get3A_123 = arith.constant 16 : index
          %get3A_124 = tpu.vector_load %arg13[%get3A_122, %get3A_123] {strides = array<i32>} : memref<64x128xf32, #tpu.memory_space<vmem>>, vector<1x16xf32>,
          %get3A_125 = vector.shape_cast %get3A_124 : vector<1x16xf32> to vector<16xf32>
          %get3A_126 = arith.index_cast %scan3A_107 : i32 to index
          %get3A_127 = arith.constant 16 : index
          %get3A_128 = tpu.vector_load %arg12[%get3A_126, %get3A_127] {strides = array<i32>} : memref<64x128xf32, #tpu.memory_space<vmem>>, vector<1x16xf32>,
          %get3A_129 = vector.shape_cast %get3A_128 : vector<1x16xf32> to vector<16xf32>
          %add3A_130 = arith.addf %get3A_125, %get3A_129 : vector<16xf32>
          %max3A_131 = arith.constant 0.000000e+00 : f32
          %max3A_132 = vector.broadcast %max3A_131 : f32 to vector<16xf32>
          %max3A_133 = arith.maximumf %add3A_130, %max3A_132 : vector<16xf32>
          %swap3A_134 = arith.index_cast %scan3A_107 : i32 to index
          %swap3A_135 = arith.constant 16 : index
          %swap3A_136 = tpu.vector_load %arg13[%swap3A_134, %swap3A_135] {strides = array<i32>} : memref<64x128xf32, #tpu.memory_space<vmem>>, vector<1x16xf32>,
          %swap3A_137 = vector.shape_cast %swap3A_136 : vector<1x16xf32> to vector<16xf32>
          %swap3A_138 = vector.shape_cast %max3A_133 : vector<16xf32> to vector<1x16xf32>
          tpu.vector_store %arg13[%swap3A_134, %swap3A_135], %swap3A_138 {strides = array<i32>} : memref<64x128xf32, #tpu.memory_space<vmem>>, vector<1x16xf32>,
          %get3A_139 = arith.index_cast %scan3A_107 : i32 to index
          %get3A_140 = arith.constant 32 : index
          %get3A_141 = tpu.vector_load %arg13[%get3A_139, %get3A_140] {strides = array<i32>} : memref<64x128xf32, #tpu.memory_space<vmem>>, vector<1x16xf32>,
          %get3A_142 = vector.shape_cast %get3A_141 : vector<1x16xf32> to vector<16xf32>
          %get3A_143 = arith.index_cast %scan3A_107 : i32 to index
          %get3A_144 = arith.constant 32 : index
          %get3A_145 = tpu.vector_load %arg12[%get3A_143, %get3A_144] {strides = array<i32>} : memref<64x128xf32, #tpu.memory_space<vmem>>, vector<1x16xf32>,
          %get3A_146 = vector.shape_cast %get3A_145 : vector<1x16xf32> to vector<16xf32>
          %add3A_147 = arith.addf %get3A_142, %get3A_146 : vector<16xf32>
          %max3A_148 = arith.constant 0.000000e+00 : f32
          %max3A_149 = vector.broadcast %max3A_148 : f32 to vector<16xf32>
          %max3A_150 = arith.maximumf %add3A_147, %max3A_149 : vector<16xf32>
          %swap3A_151 = arith.index_cast %scan3A_107 : i32 to index
          %swap3A_152 = arith.constant 32 : index
          %swap3A_153 = tpu.vector_load %arg13[%swap3A_151, %swap3A_152] {strides = array<i32>} : memref<64x128xf32, #tpu.memory_space<vmem>>, vector<1x16xf32>,
          %swap3A_154 = vector.shape_cast %swap3A_153 : vector<1x16xf32> to vector<16xf32>
          %swap3A_155 = vector.shape_cast %max3A_150 : vector<16xf32> to vector<1x16xf32>
          tpu.vector_store %arg13[%swap3A_151, %swap3A_152], %swap3A_155 {strides = array<i32>} : memref<64x128xf32, #tpu.memory_space<vmem>>, vector<1x16xf32>,
          %get3A_156 = arith.index_cast %scan3A_107 : i32 to index
          %get3A_157 = arith.constant 48 : index
          %get3A_158 = tpu.vector_load %arg13[%get3A_156, %get3A_157] {strides = array<i32>} : memref<64x128xf32, #tpu.memory_space<vmem>>, vector<1x16xf32>,
          %get3A_159 = vector.shape_cast %get3A_158 : vector<1x16xf32> to vector<16xf32>
          %get3A_160 = arith.index_cast %scan3A_107 : i32 to index
          %get3A_161 = arith.constant 48 : index
          %get3A_162 = tpu.vector_load %arg12[%get3A_160, %get3A_161] {strides = array<i32>} : memref<64x128xf32, #tpu.memory_space<vmem>>, vector<1x16xf32>,
          %get3A_163 = vector.shape_cast %get3A_162 : vector<1x16xf32> to vector<16xf32>
          %add3A_164 = arith.addf %get3A_159, %get3A_163 : vector<16xf32>
          %max3A_165 = arith.constant 0.000000e+00 : f32
          %max3A_166 = vector.broadcast %max3A_165 : f32 to vector<16xf32>
          %max3A_167 = arith.maximumf %add3A_164, %max3A_166 : vector<16xf32>
          %swap3A_168 = arith.index_cast %scan3A_107 : i32 to index
          %swap3A_169 = arith.constant 48 : index
          %swap3A_170 = tpu.vector_load %arg13[%swap3A_168, %swap3A_169] {strides = array<i32>} : memref<64x128xf32, #tpu.memory_space<vmem>>, vector<1x16xf32>,
          %swap3A_171 = vector.shape_cast %swap3A_170 : vector<1x16xf32> to vector<16xf32>
          %swap3A_172 = vector.shape_cast %max3A_167 : vector<16xf32> to vector<1x16xf32>
          tpu.vector_store %arg13[%swap3A_168, %swap3A_169], %swap3A_172 {strides = array<i32>} : memref<64x128xf32, #tpu.memory_space<vmem>>, vector<1x16xf32>,
          %get3A_173 = arith.index_cast %scan3A_107 : i32 to index
          %get3A_174 = arith.constant 64 : index
          %get3A_175 = tpu.vector_load %arg13[%get3A_173, %get3A_174] {strides = array<i32>} : memref<64x128xf32, #tpu.memory_space<vmem>>, vector<1x16xf32>,
          %get3A_176 = vector.shape_cast %get3A_175 : vector<1x16xf32> to vector<16xf32>
          %get3A_177 = arith.index_cast %scan3A_107 : i32 to index
          %get3A_178 = arith.constant 64 : index
          %get3A_179 = tpu.vector_load %arg12[%get3A_177, %get3A_178] {strides = array<i32>} : memref<64x128xf32, #tpu.memory_space<vmem>>, vector<1x16xf32>,
          %get3A_180 = vector.shape_cast %get3A_179 : vector<1x16xf32> to vector<16xf32>
          %add3A_181 = arith.addf %get3A_176, %get3A_180 : vector<16xf32>
          %max3A_182 = arith.constant 0.000000e+00 : f32
          %max3A_183 = vector.broadcast %max3A_182 : f32 to vector<16xf32>
          %max3A_184 = arith.maximumf %add3A_181, %max3A_183 : vector<16xf32>
          %swap3A_185 = arith.index_cast %scan3A_107 : i32 to index
          %swap3A_186 = arith.constant 64 : index
          %swap3A_187 = tpu.vector_load %arg13[%swap3A_185, %swap3A_186] {strides = array<i32>} : memref<64x128xf32, #tpu.memory_space<vmem>>, vector<1x16xf32>,
          %swap3A_188 = vector.shape_cast %swap3A_187 : vector<1x16xf32> to vector<16xf32>
          %swap3A_189 = vector.shape_cast %max3A_184 : vector<16xf32> to vector<1x16xf32>
          tpu.vector_store %arg13[%swap3A_185, %swap3A_186], %swap3A_189 {strides = array<i32>} : memref<64x128xf32, #tpu.memory_space<vmem>>, vector<1x16xf32>,
          %get3A_190 = arith.index_cast %scan3A_107 : i32 to index
          %get3A_191 = arith.constant 80 : index
          %get3A_192 = tpu.vector_load %arg13[%get3A_190, %get3A_191] {strides = array<i32>} : memref<64x128xf32, #tpu.memory_space<vmem>>, vector<1x16xf32>,
          %get3A_193 = vector.shape_cast %get3A_192 : vector<1x16xf32> to vector<16xf32>
          %get3A_194 = arith.index_cast %scan3A_107 : i32 to index
          %get3A_195 = arith.constant 80 : index
          %get3A_196 = tpu.vector_load %arg12[%get3A_194, %get3A_195] {strides = array<i32>} : memref<64x128xf32, #tpu.memory_space<vmem>>, vector<1x16xf32>,
          %get3A_197 = vector.shape_cast %get3A_196 : vector<1x16xf32> to vector<16xf32>
          %add3A_198 = arith.addf %get3A_193, %get3A_197 : vector<16xf32>
          %max3A_199 = arith.constant 0.000000e+00 : f32
          %max3A_200 = vector.broadcast %max3A_199 : f32 to vector<16xf32>
          %max3A_201 = arith.maximumf %add3A_198, %max3A_200 : vector<16xf32>
          %swap3A_202 = arith.index_cast %scan3A_107 : i32 to index
          %swap3A_203 = arith.constant 80 : index
          %swap3A_204 = tpu.vector_load %arg13[%swap3A_202, %swap3A_203] {strides = array<i32>} : memref<64x128xf32, #tpu.memory_space<vmem>>, vector<1x16xf32>,
          %swap3A_205 = vector.shape_cast %swap3A_204 : vector<1x16xf32> to vector<16xf32>
          %swap3A_206 = vector.shape_cast %max3A_201 : vector<16xf32> to vector<1x16xf32>
          tpu.vector_store %arg13[%swap3A_202, %swap3A_203], %swap3A_206 {strides = array<i32>} : memref<64x128xf32, #tpu.memory_space<vmem>>, vector<1x16xf32>,
          %get3A_207 = arith.index_cast %scan3A_107 : i32 to index
          %get3A_208 = arith.constant 96 : index
          %get3A_209 = tpu.vector_load %arg13[%get3A_207, %get3A_208] {strides = array<i32>} : memref<64x128xf32, #tpu.memory_space<vmem>>, vector<1x16xf32>,
          %get3A_210 = vector.shape_cast %get3A_209 : vector<1x16xf32> to vector<16xf32>
          %get3A_211 = arith.index_cast %scan3A_107 : i32 to index
          %get3A_212 = arith.constant 96 : index
          %get3A_213 = tpu.vector_load %arg12[%get3A_211, %get3A_212] {strides = array<i32>} : memref<64x128xf32, #tpu.memory_space<vmem>>, vector<1x16xf32>,
          %get3A_214 = vector.shape_cast %get3A_213 : vector<1x16xf32> to vector<16xf32>
          %add3A_215 = arith.addf %get3A_210, %get3A_214 : vector<16xf32>
          %max3A_216 = arith.constant 0.000000e+00 : f32
          %max3A_217 = vector.broadcast %max3A_216 : f32 to vector<16xf32>
          %max3A_218 = arith.maximumf %add3A_215, %max3A_217 : vector<16xf32>
          %swap3A_219 = arith.index_cast %scan3A_107 : i32 to index
          %swap3A_220 = arith.constant 96 : index
          %swap3A_221 = tpu.vector_load %arg13[%swap3A_219, %swap3A_220] {strides = array<i32>} : memref<64x128xf32, #tpu.memory_space<vmem>>, vector<1x16xf32>,
          %swap3A_222 = vector.shape_cast %swap3A_221 : vector<1x16xf32> to vector<16xf32>
          %swap3A_223 = vector.shape_cast %max3A_218 : vector<16xf32> to vector<1x16xf32>
          tpu.vector_store %arg13[%swap3A_219, %swap3A_220], %swap3A_223 {strides = array<i32>} : memref<64x128xf32, #tpu.memory_space<vmem>>, vector<1x16xf32>,
          %get3A_224 = arith.index_cast %scan3A_107 : i32 to index
          %get3A_225 = arith.constant 112 : index
          %get3A_226 = tpu.vector_load %arg13[%get3A_224, %get3A_225] {strides = array<i32>} : memref<64x128xf32, #tpu.memory_space<vmem>>, vector<1x16xf32>,
          %get3A_227 = vector.shape_cast %get3A_226 : vector<1x16xf32> to vector<16xf32>
          %get3A_228 = arith.index_cast %scan3A_107 : i32 to index
          %get3A_229 = arith.constant 112 : index
          %get3A_230 = tpu.vector_load %arg12[%get3A_228, %get3A_229] {strides = array<i32>} : memref<64x128xf32, #tpu.memory_space<vmem>>, vector<1x16xf32>,
          %get3A_231 = vector.shape_cast %get3A_230 : vector<1x16xf32> to vector<16xf32>
          %add3A_232 = arith.addf %get3A_227, %get3A_231 : vector<16xf32>
          %max3A_233 = arith.constant 0.000000e+00 : f32
          %max3A_234 = vector.broadcast %max3A_233 : f32 to vector<16xf32>
          %max3A_235 = arith.maximumf %add3A_232, %max3A_234 : vector<16xf32>
          %swap3A_236 = arith.index_cast %scan3A_107 : i32 to index
          %swap3A_237 = arith.constant 112 : index
          %swap3A_238 = tpu.vector_load %arg13[%swap3A_236, %swap3A_237] {strides = array<i32>} : memref<64x128xf32, #tpu.memory_space<vmem>>, vector<1x16xf32>,
          %swap3A_239 = vector.shape_cast %swap3A_238 : vector<1x16xf32> to vector<16xf32>
          %swap3A_240 = vector.shape_cast %max3A_235 : vector<16xf32> to vector<1x16xf32>
          tpu.vector_store %arg13[%swap3A_236, %swap3A_237], %swap3A_240 {strides = array<i32>} : memref<64x128xf32, #tpu.memory_space<vmem>>, vector<1x16xf32>,
        }
        %scan3A_106 = arith.constant 64 : i32
        "tpu.region"() ({
          %run_scoped3A = tpu.sem_alloc : memref<!tpu.dma_semaphore, #tpu.memory_space<semaphore_mem>>
          %dma_start3A_107 = arith.constant 0 : i32
          %dma_start3A_108 = tpu.memref_slice %arg9[%add3A_36, %dma_start3A_107] : memref<40x64xi32, #tpu.memory_space<vmem>> -> memref<1x64xi32, #tpu.memory_space<vmem>>
          %dma_start3A_109 = tpu.memref_squeeze %dma_start3A_108 : memref<1x64xi32, #tpu.memory_space<vmem>> -> memref<64xi32, #tpu.memory_space<vmem>>
          %dma_start3A_110 = arith.constant 0 : i32
          %dma_start3A_111 = arith.constant 0 : i32
          %dma_start3A_112 = tpu.memref_slice %arg14[%dma_start3A_110, %dma_start3A_111] : memref<10112x128xf32, #tpu.memory_space<vmem_shared>> -> memref<10112x128xf32, #tpu.memory_space<vmem_shared>>
          tpu.enqueue_indirect_dma source(%arg13 : memref<64x128xf32, #tpu.memory_space<vmem>>) target(%dma_start3A_112 : memref<10112x128xf32, #tpu.memory_space<vmem_shared>>) offsets(%dma_start3A_109 : memref<64xi32, #tpu.memory_space<vmem>>) semaphore(%run_scoped3A : memref<!tpu.dma_semaphore, #tpu.memory_space<semaphore_mem>>) {add = true}
          %dma_wait3A_113 = arith.constant 0 : i32
          %dma_wait3A_114 = tpu.memref_slice %arg9[%add3A_36, %dma_wait3A_113] : memref<40x64xi32, #tpu.memory_space<vmem>> -> memref<1x64xi32, #tpu.memory_space<vmem>>
          %dma_wait3A_115 = tpu.memref_squeeze %dma_wait3A_114 : memref<1x64xi32, #tpu.memory_space<vmem>> -> memref<64xi32, #tpu.memory_space<vmem>>
          %dma_wait3A_116 = arith.constant 0 : i32
          %dma_wait3A_117 = arith.constant 0 : i32
          %dma_wait3A_118 = tpu.memref_slice %arg14[%dma_wait3A_116, %dma_wait3A_117] : memref<10112x128xf32, #tpu.memory_space<vmem_shared>> -> memref<10112x128xf32, #tpu.memory_space<vmem_shared>>
          tpu.wait_indirect_dma semaphore(%run_scoped3A : memref<!tpu.dma_semaphore, #tpu.memory_space<semaphore_mem>>) src(%arg13 : memref<64x128xf32, #tpu.memory_space<vmem>>) dst(%dma_wait3A_118 : memref<10112x128xf32, #tpu.memory_space<vmem_shared>>)
          tpu.yield
        }) : () -> ()
      }
      %scan3A_29 = arith.constant 20 : i32
    }
    %scan3A_7 = arith.constant 4 : i32
    %barrier3A_8 = arith.constant 0 : index
    tpu.barrier barrier_id(%barrier3A_8)
    %mul3A_9 = arith.constant 632 : i32
    %mul3A_10 = arith.muli %arg1, %mul3A_9 : i32
    %mul3A_11 = arith.constant 632 : i32
    %mul3A_12 = arith.muli %arg1, %mul3A_11 : i32
    "tpu.region"() ({
      %run_scoped3A = tpu.sem_alloc : memref<!tpu.dma_semaphore, #tpu.memory_space<semaphore_mem>>
      %dma_start3A = arith.constant 0 : i32
      %dma_start3A_13 = tpu.memref_slice %arg7[%arg0, %mul3A_12, %dma_start3A] : memref<2x10112x128xf32, #tpu.memory_space<hbm>> -> memref<1x632x128xf32, #tpu.memory_space<hbm>>
      %dma_start3A_14 = tpu.memref_squeeze %dma_start3A_13 : memref<1x632x128xf32, #tpu.memory_space<hbm>> -> memref<632x128xf32, #tpu.memory_space<hbm>>
      %dma_start3A_15 = arith.constant 0 : i32
      %dma_start3A_16 = tpu.memref_slice %arg14[%mul3A_10, %dma_start3A_15] : memref<10112x128xf32, #tpu.memory_space<vmem_shared>> -> memref<632x128xf32, #tpu.memory_space<vmem_shared>>
      tpu.enqueue_dma source(%dma_start3A_16 : memref<632x128xf32, #tpu.memory_space<vmem_shared>>) target(%dma_start3A_14 : memref<632x128xf32, #tpu.memory_space<hbm>>) target_semaphore(%run_scoped3A : memref<!tpu.dma_semaphore, #tpu.memory_space<semaphore_mem>>)
      %dma_wait3A = arith.constant 0 : i32
      %dma_wait3A_17 = tpu.memref_slice %arg7[%arg0, %mul3A_12, %dma_wait3A] : memref<2x10112x128xf32, #tpu.memory_space<hbm>> -> memref<1x632x128xf32, #tpu.memory_space<hbm>>
      %dma_wait3A_18 = tpu.memref_squeeze %dma_wait3A_17 : memref<1x632x128xf32, #tpu.memory_space<hbm>> -> memref<632x128xf32, #tpu.memory_space<hbm>>
      %dma_wait3A_19 = arith.constant 0 : i32
      %dma_wait3A_20 = tpu.memref_slice %arg14[%mul3A_10, %dma_wait3A_19] : memref<10112x128xf32, #tpu.memory_space<vmem_shared>> -> memref<632x128xf32, #tpu.memory_space<vmem_shared>>
      tpu.wait_dma2 semaphore(%run_scoped3A : memref<!tpu.dma_semaphore, #tpu.memory_space<semaphore_mem>>) src(%dma_wait3A_20 : memref<632x128xf32, #tpu.memory_space<vmem_shared>>) dst(%dma_wait3A_18 : memref<632x128xf32, #tpu.memory_space<hbm>>)
      tpu.yield
    }) : () -> ()
    return
  }
}

module attributes {stable_mosaic.version = 14 : i64} {
  func.func @_edge_body(%arg0: i32, %arg1: memref<4096x16xf32, #tpu.memory_space<vmem>>, %arg2: memref<16x128xf32, #tpu.memory_space<vmem>>, %arg3: memref<1x128xf32, #tpu.memory_space<vmem>>, %arg4: memref<4096x128xf32, #tpu.memory_space<vmem>>) attributes {dimension_semantics = [#tpu.dimension_semantics<arbitrary>], iteration_bounds = array<i64: 80>, scalar_prefetch = 0 : i64, scratch_operands = 0 : i64, tpu.core_type = #tpu.core_type<tc>, window_params = [{transform_indices = @transform_0, window_bounds = array<i64: 4096, 16>}, {pipeline_mode = #tpu.pipeline_mode<synchronous>, transform_indices = @transform_1, window_bounds = array<i64: 16, 128>}, {pipeline_mode = #tpu.pipeline_mode<synchronous>, transform_indices = @transform_2, window_bounds = array<i64: 1, 128>}, {transform_indices = @transform_3, window_bounds = array<i64: 4096, 128>}]} {
    %get3A = arith.constant 0 : index
    %get3A_0 = arith.constant 0 : index
    %get3A_1 = vector.load %arg1[%get3A, %get3A_0] : memref<4096x16xf32, #tpu.memory_space<vmem>>, vector<4096x16xf32>
    %get3A_2 = arith.constant 0 : index
    %get3A_3 = arith.constant 0 : index
    %get3A_4 = vector.load %arg2[%get3A_2, %get3A_3] : memref<16x128xf32, #tpu.memory_space<vmem>>, vector<16x128xf32>
    %dot_general3A = arith.constant dense<0.000000e+00> : vector<4096x128xf32>
    %dot_general3A_5 = tpu.matmul %get3A_1, %get3A_4, %dot_general3A {dimension_numbers = #tpu.dot_dimension_numbers<[1], [0], [0], [1], [0, 0, 1, 1], [], []>, transpose_lhs_hint = false} : vector<4096x16xf32>, vector<16x128xf32>, vector<4096x128xf32> -> vector<4096x128xf32>
    %get3A_6 = arith.constant 0 : index
    %get3A_7 = arith.constant 0 : index
    %get3A_8 = vector.load %arg3[%get3A_6, %get3A_7] : memref<1x128xf32, #tpu.memory_space<vmem>>, vector<1x128xf32>
    %add3A = vector.broadcast %get3A_8 : vector<1x128xf32> to vector<4096x128xf32>
    %add3A_9 = arith.addf %dot_general3A_5, %add3A : vector<4096x128xf32>
    %swap3A = arith.constant 0 : index
    %swap3A_10 = arith.constant 0 : index
    %swap3A_11 = vector.load %arg4[%swap3A, %swap3A_10] : memref<4096x128xf32, #tpu.memory_space<vmem>>, vector<4096x128xf32>
    tpu.vector_store %arg4[%swap3A, %swap3A_10], %add3A_9 {strides = array<i32>} : memref<4096x128xf32, #tpu.memory_space<vmem>>, vector<4096x128xf32>,
    return
  }
  func.func @transform_0(%arg0: i32) -> (i32, i32) {
    %c0_i32 = arith.constant 0 : i32
    %c0_i32_0 = arith.constant 0 : i32
    return %arg0, %c0_i32 : i32, i32
  }
  func.func @transform_1(%arg0: i32) -> (i32, i32) {
    %c0_i32 = arith.constant 0 : i32
    %c0_i32_0 = arith.constant 0 : i32
    %c0_i32_1 = arith.constant 0 : i32
    return %c0_i32, %c0_i32_0 : i32, i32
  }
  func.func @transform_2(%arg0: i32) -> (i32, i32) {
    %c0_i32 = arith.constant 0 : i32
    %c0_i32_0 = arith.constant 0 : i32
    %c0_i32_1 = arith.constant 0 : i32
    return %c0_i32, %c0_i32_0 : i32, i32
  }
  func.func @transform_3(%arg0: i32) -> (i32, i32) {
    %c0_i32 = arith.constant 0 : i32
    %c0_i32_0 = arith.constant 0 : i32
    return %arg0, %c0_i32 : i32, i32
  }
}

module attributes {stable_mosaic.version = 14 : i64} {
  func.func @_enc_body(%arg0: i32, %arg1: memref<2000x128xf32, #tpu.memory_space<vmem>>, %arg2: memref<128x128xf32, #tpu.memory_space<vmem>>, %arg3: memref<1x128xf32, #tpu.memory_space<vmem>>, %arg4: memref<2000x128xf32, #tpu.memory_space<vmem>>) attributes {dimension_semantics = [#tpu.dimension_semantics<arbitrary>], iteration_bounds = array<i64: 5>, scalar_prefetch = 0 : i64, scratch_operands = 0 : i64, tpu.core_type = #tpu.core_type<tc>, window_params = [{transform_indices = @transform_0, window_bounds = array<i64: 2000, 128>}, {pipeline_mode = #tpu.pipeline_mode<synchronous>, transform_indices = @transform_1, window_bounds = array<i64: 128, 128>}, {pipeline_mode = #tpu.pipeline_mode<synchronous>, transform_indices = @transform_2, window_bounds = array<i64: 1, 128>}, {transform_indices = @transform_3, window_bounds = array<i64: 2000, 128>}]} {
    %get3A = arith.constant 0 : index
    %get3A_0 = arith.constant 0 : index
    %get3A_1 = vector.load %arg1[%get3A, %get3A_0] : memref<2000x128xf32, #tpu.memory_space<vmem>>, vector<2000x128xf32>
    %get3A_2 = arith.constant 0 : index
    %get3A_3 = arith.constant 0 : index
    %get3A_4 = vector.load %arg2[%get3A_2, %get3A_3] : memref<128x128xf32, #tpu.memory_space<vmem>>, vector<128x128xf32>
    %dot_general3A = arith.constant dense<0.000000e+00> : vector<2000x128xf32>
    %dot_general3A_5 = tpu.matmul %get3A_1, %get3A_4, %dot_general3A {dimension_numbers = #tpu.dot_dimension_numbers<[1], [0], [0], [1], [0, 0, 1, 1], [], []>, transpose_lhs_hint = false} : vector<2000x128xf32>, vector<128x128xf32>, vector<2000x128xf32> -> vector<2000x128xf32>
    %get3A_6 = arith.constant 0 : index
    %get3A_7 = arith.constant 0 : index
    %get3A_8 = vector.load %arg3[%get3A_6, %get3A_7] : memref<1x128xf32, #tpu.memory_space<vmem>>, vector<1x128xf32>
    %add3A = vector.broadcast %get3A_8 : vector<1x128xf32> to vector<2000x128xf32>
    %add3A_9 = arith.addf %dot_general3A_5, %add3A : vector<2000x128xf32>
    %swap3A = arith.constant 0 : index
    %swap3A_10 = arith.constant 0 : index
    %swap3A_11 = vector.load %arg4[%swap3A, %swap3A_10] : memref<2000x128xf32, #tpu.memory_space<vmem>>, vector<2000x128xf32>
    tpu.vector_store %arg4[%swap3A, %swap3A_10], %add3A_9 {strides = array<i32>} : memref<2000x128xf32, #tpu.memory_space<vmem>>, vector<2000x128xf32>,
    return
  }
  func.func @transform_0(%arg0: i32) -> (i32, i32) {
    %c0_i32 = arith.constant 0 : i32
    %c0_i32_0 = arith.constant 0 : i32
    return %arg0, %c0_i32 : i32, i32
  }
  func.func @transform_1(%arg0: i32) -> (i32, i32) {
    %c0_i32 = arith.constant 0 : i32
    %c0_i32_0 = arith.constant 0 : i32
    %c0_i32_1 = arith.constant 0 : i32
    return %c0_i32, %c0_i32_0 : i32, i32
  }
  func.func @transform_2(%arg0: i32) -> (i32, i32) {
    %c0_i32 = arith.constant 0 : i32
    %c0_i32_0 = arith.constant 0 : i32
    %c0_i32_1 = arith.constant 0 : i32
    return %c0_i32, %c0_i32_0 : i32, i32
  }
  func.func @transform_3(%arg0: i32) -> (i32, i32) {
    %c0_i32 = arith.constant 0 : i32
    %c0_i32_0 = arith.constant 0 : i32
    return %arg0, %c0_i32 : i32, i32
  }
}

module attributes {stable_mosaic.version = 14 : i64} {
  func.func @_node_body(%arg0: i32, %arg1: memref<1x1xf32, #tpu.memory_space<smem>>, %arg2: memref<2000x128xf32, #tpu.memory_space<vmem>>, %arg3: memref<2x2000x128xf32, #tpu.memory_space<vmem>>, %arg4: memref<128x128xf32, #tpu.memory_space<vmem>>, %arg5: memref<1x128xf32, #tpu.memory_space<vmem>>, %arg6: memref<128x128xf32, #tpu.memory_space<vmem>>, %arg7: memref<1x128xf32, #tpu.memory_space<vmem>>, %arg8: memref<2000x128xf32, #tpu.memory_space<vmem>>) attributes {dimension_semantics = [#tpu.dimension_semantics<arbitrary>], iteration_bounds = array<i64: 5>, scalar_prefetch = 0 : i64, scratch_operands = 0 : i64, tpu.core_type = #tpu.core_type<tc>, window_params = [{transform_indices = @transform_0, window_bounds = array<i64: 1, 1>}, {transform_indices = @transform_1, window_bounds = array<i64: 2000, 128>}, {transform_indices = @transform_2, window_bounds = array<i64: 2, 2000, 128>}, {pipeline_mode = #tpu.pipeline_mode<synchronous>, transform_indices = @transform_3, window_bounds = array<i64: 128, 128>}, {pipeline_mode = #tpu.pipeline_mode<synchronous>, transform_indices = @transform_4, window_bounds = array<i64: 1, 128>}, {pipeline_mode = #tpu.pipeline_mode<synchronous>, transform_indices = @transform_5, window_bounds = array<i64: 128, 128>}, {pipeline_mode = #tpu.pipeline_mode<synchronous>, transform_indices = @transform_6, window_bounds = array<i64: 1, 128>}, {transform_indices = @transform_7, window_bounds = array<i64: 2000, 128>}]} {
    %get3A = arith.constant 0 : index
    %get3A_0 = arith.constant 0 : index
    %get3A_1 = vector.load %arg2[%get3A, %get3A_0] : memref<2000x128xf32, #tpu.memory_space<vmem>>, vector<2000x128xf32>
    %get3A_2 = arith.constant 0 : index
    %get3A_3 = arith.constant 0 : index
    %get3A_4 = memref.load %arg1[%get3A_2, %get3A_3] : memref<1x1xf32, #tpu.memory_space<smem>>
    %mul3A = vector.broadcast %get3A_4 : f32 to vector<2000x128xf32>
    %mul3A_5 = arith.mulf %get3A_1, %mul3A : vector<2000x128xf32>
    %get3A_6 = arith.constant 0 : index
    %get3A_7 = arith.constant 0 : index
    %get3A_8 = arith.constant 0 : index
    %get3A_9 = vector.load %arg3[%get3A_6, %get3A_7, %get3A_8] : memref<2x2000x128xf32, #tpu.memory_space<vmem>>, vector<1x2000x128xf32>
    %get3A_10 = vector.shape_cast %get3A_9 : vector<1x2000x128xf32> to vector<2000x128xf32>
    %add3A = arith.addf %mul3A_5, %get3A_10 : vector<2000x128xf32>
    %get3A_11 = arith.constant 1 : index
    %get3A_12 = arith.constant 0 : index
    %get3A_13 = arith.constant 0 : index
    %get3A_14 = vector.load %arg3[%get3A_11, %get3A_12, %get3A_13] : memref<2x2000x128xf32, #tpu.memory_space<vmem>>, vector<1x2000x128xf32>
    %get3A_15 = vector.shape_cast %get3A_14 : vector<1x2000x128xf32> to vector<2000x128xf32>
    %add3A_16 = arith.addf %add3A, %get3A_15 : vector<2000x128xf32>
    %get3A_17 = arith.constant 0 : index
    %get3A_18 = arith.constant 0 : index
    %get3A_19 = vector.load %arg4[%get3A_17, %get3A_18] : memref<128x128xf32, #tpu.memory_space<vmem>>, vector<128x128xf32>
    %dot_general3A = arith.constant dense<0.000000e+00> : vector<2000x128xf32>
    %dot_general3A_20 = tpu.matmul %add3A_16, %get3A_19, %dot_general3A {dimension_numbers = #tpu.dot_dimension_numbers<[1], [0], [0], [1], [0, 0, 1, 1], [], []>, transpose_lhs_hint = false} : vector<2000x128xf32>, vector<128x128xf32>, vector<2000x128xf32> -> vector<2000x128xf32>
    %get3A_21 = arith.constant 0 : index
    %get3A_22 = arith.constant 0 : index
    %get3A_23 = vector.load %arg5[%get3A_21, %get3A_22] : memref<1x128xf32, #tpu.memory_space<vmem>>, vector<1x128xf32>
    %add3A_24 = vector.broadcast %get3A_23 : vector<1x128xf32> to vector<2000x128xf32>
    %add3A_25 = arith.addf %dot_general3A_20, %add3A_24 : vector<2000x128xf32>
    %max3A = arith.constant 0.000000e+00 : f32
    %max3A_26 = vector.broadcast %max3A : f32 to vector<2000x128xf32>
    %max3A_27 = arith.maximumf %add3A_25, %max3A_26 : vector<2000x128xf32>
    %get3A_28 = arith.constant 0 : index
    %get3A_29 = arith.constant 0 : index
    %get3A_30 = vector.load %arg6[%get3A_28, %get3A_29] : memref<128x128xf32, #tpu.memory_space<vmem>>, vector<128x128xf32>
    %dot_general3A_31 = arith.constant dense<0.000000e+00> : vector<2000x128xf32>
    %dot_general3A_32 = tpu.matmul %max3A_27, %get3A_30, %dot_general3A_31 {dimension_numbers = #tpu.dot_dimension_numbers<[1], [0], [0], [1], [0, 0, 1, 1], [], []>, transpose_lhs_hint = false} : vector<2000x128xf32>, vector<128x128xf32>, vector<2000x128xf32> -> vector<2000x128xf32>
    %get3A_33 = arith.constant 0 : index
    %get3A_34 = arith.constant 0 : index
    %get3A_35 = vector.load %arg7[%get3A_33, %get3A_34] : memref<1x128xf32, #tpu.memory_space<vmem>>, vector<1x128xf32>
    %add3A_36 = vector.broadcast %get3A_35 : vector<1x128xf32> to vector<2000x128xf32>
    %add3A_37 = arith.addf %dot_general3A_32, %add3A_36 : vector<2000x128xf32>
    %max3A_38 = arith.constant 0.000000e+00 : f32
    %max3A_39 = vector.broadcast %max3A_38 : f32 to vector<2000x128xf32>
    %max3A_40 = arith.maximumf %add3A_37, %max3A_39 : vector<2000x128xf32>
    %swap3A = arith.constant 0 : index
    %swap3A_41 = arith.constant 0 : index
    %swap3A_42 = vector.load %arg8[%swap3A, %swap3A_41] : memref<2000x128xf32, #tpu.memory_space<vmem>>, vector<2000x128xf32>
    tpu.vector_store %arg8[%swap3A, %swap3A_41], %max3A_40 {strides = array<i32>} : memref<2000x128xf32, #tpu.memory_space<vmem>>, vector<2000x128xf32>,
    return
  }
  func.func @transform_0(%arg0: i32) -> (i32, i32) {
    %c0_i32 = arith.constant 0 : i32
    %c0_i32_0 = arith.constant 0 : i32
    %c0_i32_1 = arith.constant 0 : i32
    return %c0_i32, %c0_i32_0 : i32, i32
  }
  func.func @transform_1(%arg0: i32) -> (i32, i32) {
    %c0_i32 = arith.constant 0 : i32
    %c0_i32_0 = arith.constant 0 : i32
    return %arg0, %c0_i32 : i32, i32
  }
  func.func @transform_2(%arg0: i32) -> (i32, i32, i32) {
    %c0_i32 = arith.constant 0 : i32
    %c0_i32_0 = arith.constant 0 : i32
    %c0_i32_1 = arith.constant 0 : i32
    return %c0_i32, %arg0, %c0_i32_0 : i32, i32, i32
  }
  func.func @transform_3(%arg0: i32) -> (i32, i32) {
    %c0_i32 = arith.constant 0 : i32
    %c0_i32_0 = arith.constant 0 : i32
    %c0_i32_1 = arith.constant 0 : i32
    return %c0_i32, %c0_i32_0 : i32, i32
  }
  func.func @transform_4(%arg0: i32) -> (i32, i32) {
    %c0_i32 = arith.constant 0 : i32
    %c0_i32_0 = arith.constant 0 : i32
    %c0_i32_1 = arith.constant 0 : i32
    return %c0_i32, %c0_i32_0 : i32, i32
  }
  func.func @transform_5(%arg0: i32) -> (i32, i32) {
    %c0_i32 = arith.constant 0 : i32
    %c0_i32_0 = arith.constant 0 : i32
    %c0_i32_1 = arith.constant 0 : i32
    return %c0_i32, %c0_i32_0 : i32, i32
  }
  func.func @transform_6(%arg0: i32) -> (i32, i32) {
    %c0_i32 = arith.constant 0 : i32
    %c0_i32_0 = arith.constant 0 : i32
    %c0_i32_1 = arith.constant 0 : i32
    return %c0_i32, %c0_i32_0 : i32, i32
  }
  func.func @transform_7(%arg0: i32) -> (i32, i32) {
    %c0_i32 = arith.constant 0 : i32
    %c0_i32_0 = arith.constant 0 : i32
    return %arg0, %c0_i32 : i32, i32
  }
}

module attributes {stable_mosaic.version = 14 : i64} {
  func.func @_head_body(%arg0: i32, %arg1: memref<2000x128xf32, #tpu.memory_space<vmem>>, %arg2: memref<128x128xf32, #tpu.memory_space<vmem>>, %arg3: memref<1x128xf32, #tpu.memory_space<vmem>>, %arg4: memref<128x128xf32, #tpu.memory_space<vmem>>, %arg5: memref<1x128xf32, #tpu.memory_space<vmem>>, %arg6: memref<128x128xf32, #tpu.memory_space<vmem>>, %arg7: memref<1x128xf32, #tpu.memory_space<vmem>>, %arg8: memref<2000x128xf32, #tpu.memory_space<vmem>>) attributes {dimension_semantics = [#tpu.dimension_semantics<arbitrary>], iteration_bounds = array<i64: 5>, scalar_prefetch = 0 : i64, scratch_operands = 0 : i64, tpu.core_type = #tpu.core_type<tc>, window_params = [{transform_indices = @transform_0, window_bounds = array<i64: 2000, 128>}, {pipeline_mode = #tpu.pipeline_mode<synchronous>, transform_indices = @transform_1, window_bounds = array<i64: 128, 128>}, {pipeline_mode = #tpu.pipeline_mode<synchronous>, transform_indices = @transform_2, window_bounds = array<i64: 1, 128>}, {pipeline_mode = #tpu.pipeline_mode<synchronous>, transform_indices = @transform_3, window_bounds = array<i64: 128, 128>}, {pipeline_mode = #tpu.pipeline_mode<synchronous>, transform_indices = @transform_4, window_bounds = array<i64: 1, 128>}, {pipeline_mode = #tpu.pipeline_mode<synchronous>, transform_indices = @transform_5, window_bounds = array<i64: 128, 128>}, {pipeline_mode = #tpu.pipeline_mode<synchronous>, transform_indices = @transform_6, window_bounds = array<i64: 1, 128>}, {transform_indices = @transform_7, window_bounds = array<i64: 2000, 128>}]} {
    %get3A = arith.constant 0 : index
    %get3A_0 = arith.constant 0 : index
    %get3A_1 = vector.load %arg1[%get3A, %get3A_0] : memref<2000x128xf32, #tpu.memory_space<vmem>>, vector<2000x128xf32>
    %get3A_2 = arith.constant 0 : index
    %get3A_3 = arith.constant 0 : index
    %get3A_4 = vector.load %arg2[%get3A_2, %get3A_3] : memref<128x128xf32, #tpu.memory_space<vmem>>, vector<128x128xf32>
    %dot_general3A = arith.constant dense<0.000000e+00> : vector<2000x128xf32>
    %dot_general3A_5 = tpu.matmul %get3A_1, %get3A_4, %dot_general3A {dimension_numbers = #tpu.dot_dimension_numbers<[1], [0], [0], [1], [0, 0, 1, 1], [], []>, transpose_lhs_hint = false} : vector<2000x128xf32>, vector<128x128xf32>, vector<2000x128xf32> -> vector<2000x128xf32>
    %get3A_6 = arith.constant 0 : index
    %get3A_7 = arith.constant 0 : index
    %get3A_8 = vector.load %arg3[%get3A_6, %get3A_7] : memref<1x128xf32, #tpu.memory_space<vmem>>, vector<1x128xf32>
    %add3A = vector.broadcast %get3A_8 : vector<1x128xf32> to vector<2000x128xf32>
    %add3A_9 = arith.addf %dot_general3A_5, %add3A : vector<2000x128xf32>
    %max3A = arith.constant 0.000000e+00 : f32
    %max3A_10 = vector.broadcast %max3A : f32 to vector<2000x128xf32>
    %max3A_11 = arith.maximumf %add3A_9, %max3A_10 : vector<2000x128xf32>
    %get3A_12 = arith.constant 0 : index
    %get3A_13 = arith.constant 0 : index
    %get3A_14 = vector.load %arg4[%get3A_12, %get3A_13] : memref<128x128xf32, #tpu.memory_space<vmem>>, vector<128x128xf32>
    %dot_general3A_15 = arith.constant dense<0.000000e+00> : vector<2000x128xf32>
    %dot_general3A_16 = tpu.matmul %max3A_11, %get3A_14, %dot_general3A_15 {dimension_numbers = #tpu.dot_dimension_numbers<[1], [0], [0], [1], [0, 0, 1, 1], [], []>, transpose_lhs_hint = false} : vector<2000x128xf32>, vector<128x128xf32>, vector<2000x128xf32> -> vector<2000x128xf32>
    %get3A_17 = arith.constant 0 : index
    %get3A_18 = arith.constant 0 : index
    %get3A_19 = vector.load %arg5[%get3A_17, %get3A_18] : memref<1x128xf32, #tpu.memory_space<vmem>>, vector<1x128xf32>
    %add3A_20 = vector.broadcast %get3A_19 : vector<1x128xf32> to vector<2000x128xf32>
    %add3A_21 = arith.addf %dot_general3A_16, %add3A_20 : vector<2000x128xf32>
    %max3A_22 = arith.constant 0.000000e+00 : f32
    %max3A_23 = vector.broadcast %max3A_22 : f32 to vector<2000x128xf32>
    %max3A_24 = arith.maximumf %add3A_21, %max3A_23 : vector<2000x128xf32>
    %get3A_25 = arith.constant 0 : index
    %get3A_26 = arith.constant 0 : index
    %get3A_27 = vector.load %arg6[%get3A_25, %get3A_26] : memref<128x128xf32, #tpu.memory_space<vmem>>, vector<128x128xf32>
    %dot_general3A_28 = arith.constant dense<0.000000e+00> : vector<2000x128xf32>
    %dot_general3A_29 = tpu.matmul %max3A_24, %get3A_27, %dot_general3A_28 {dimension_numbers = #tpu.dot_dimension_numbers<[1], [0], [0], [1], [0, 0, 1, 1], [], []>, transpose_lhs_hint = false} : vector<2000x128xf32>, vector<128x128xf32>, vector<2000x128xf32> -> vector<2000x128xf32>
    %get3A_30 = arith.constant 0 : index
    %get3A_31 = arith.constant 0 : index
    %get3A_32 = vector.load %arg7[%get3A_30, %get3A_31] : memref<1x128xf32, #tpu.memory_space<vmem>>, vector<1x128xf32>
    %add3A_33 = vector.broadcast %get3A_32 : vector<1x128xf32> to vector<2000x128xf32>
    %add3A_34 = arith.addf %dot_general3A_29, %add3A_33 : vector<2000x128xf32>
    %swap3A = arith.constant 0 : index
    %swap3A_35 = arith.constant 0 : index
    %swap3A_36 = vector.load %arg8[%swap3A, %swap3A_35] : memref<2000x128xf32, #tpu.memory_space<vmem>>, vector<2000x128xf32>
    tpu.vector_store %arg8[%swap3A, %swap3A_35], %add3A_34 {strides = array<i32>} : memref<2000x128xf32, #tpu.memory_space<vmem>>, vector<2000x128xf32>,
    return
  }
  func.func @transform_0(%arg0: i32) -> (i32, i32) {
    %c0_i32 = arith.constant 0 : i32
    %c0_i32_0 = arith.constant 0 : i32
    return %arg0, %c0_i32 : i32, i32
  }
  func.func @transform_1(%arg0: i32) -> (i32, i32) {
    %c0_i32 = arith.constant 0 : i32
    %c0_i32_0 = arith.constant 0 : i32
    %c0_i32_1 = arith.constant 0 : i32
    return %c0_i32, %c0_i32_0 : i32, i32
  }
  func.func @transform_2(%arg0: i32) -> (i32, i32) {
    %c0_i32 = arith.constant 0 : i32
    %c0_i32_0 = arith.constant 0 : i32
    %c0_i32_1 = arith.constant 0 : i32
    return %c0_i32, %c0_i32_0 : i32, i32
  }
  func.func @transform_3(%arg0: i32) -> (i32, i32) {
    %c0_i32 = arith.constant 0 : i32
    %c0_i32_0 = arith.constant 0 : i32
    %c0_i32_1 = arith.constant 0 : i32
    return %c0_i32, %c0_i32_0 : i32, i32
  }
  func.func @transform_4(%arg0: i32) -> (i32, i32) {
    %c0_i32 = arith.constant 0 : i32
    %c0_i32_0 = arith.constant 0 : i32
    %c0_i32_1 = arith.constant 0 : i32
    return %c0_i32, %c0_i32_0 : i32, i32
  }
  func.func @transform_5(%arg0: i32) -> (i32, i32) {
    %c0_i32 = arith.constant 0 : i32
    %c0_i32_0 = arith.constant 0 : i32
    %c0_i32_1 = arith.constant 0 : i32
    return %c0_i32, %c0_i32_0 : i32, i32
  }
  func.func @transform_6(%arg0: i32) -> (i32, i32) {
    %c0_i32 = arith.constant 0 : i32
    %c0_i32_0 = arith.constant 0 : i32
    %c0_i32_1 = arith.constant 0 : i32
    return %c0_i32, %c0_i32_0 : i32, i32
  }
  func.func @transform_7(%arg0: i32) -> (i32, i32) {
    %c0_i32 = arith.constant 0 : i32
    %c0_i32_0 = arith.constant 0 : i32
    return %arg0, %c0_i32 : i32, i32
  }
}

</mosaic_0001>

<sc_bundles>
// kernel: kernel.13.cloned.1.call-start
scs
__scs_entry_jumppad:
0x0: {  	(pc) =	sbr.rel $0x88, $3  }
0x1: {  	(tag) =	ssettag $0x0;
	lr =	simm.s32 $0x1  }
0x2: {  	[smem:$0x3F78] =	sst lr;
	_ =	strace $0xD0000000  }
0x3: {  	_ = 	snop  }
0x4: {  	_ = 	snop  }
0x5: {  	_ = 	snop  }
0x6: {  	_ = 	snop  }
0x7: {  	_ = 	snop  }
__scs_overlays_trampoline_lowered:
0x8: {  	[smem:$0x3F87] =	sst s0  }
0x9: {  	[smem:$0x3F88] =	sst s1  }
0xa: {  	[smem:$0x3F89] =	sst s2  }
0xb: {  	[smem:$0x3F8A] =	sst s3  }
0xc: {  	[smem:$0x3F8B] =	sst s4  }
0xd: {  	[smem:$0x3F8C] =	sst s5  }
0xe: {  	[smem:$0x3F8D] =	sst s6  }
0xf: {  	[smem:$0x3F8E] =	sst s7  }
0x10: {  	[smem:$0x3F8F] =	sst s8  }
0x11: {  	[smem:$0x3F90] =	sst s9;
	s0 =	simm.s32 @!p0 $0x0  }
0x12: {  	s1 =	sld [smem:$0x3F76];
	s0 =	simm.s32 @p0 $0x1  }
0x13: {  	[smem:$0x3F91] =	sst s0;
	s0 =	simm.s32 @!p1 $0x0  }
0x14: {  	s2 =	sld [smem:$0x3F75];
	s0 =	simm.s32 @p1 $0x1  }
0x15: {  	[smem:$0x3F92] =	sst s0;
	s0 =	simm.s32 @!p2 $0x0  }
0x16: {  	s3 =	sld [smem:$0x3FDB];
	s0 =	simm.s32 @p2 $0x1  }
0x17: {  	s4 =	simm.s32 $0x1BF5;
	[smem:$0x3F94] =	sst s0  }
0x18: {  	s0 =	sld [smem:$0x3F77];
	_ =	swait.ge [sflag:s4], $0x0  }
0x19: {  	s7 =	sld [smem:$0x3F78]  }
0x1a: {  	s8 =	sadd.s32 $0xFFFFE003, lr  }
0x1b: {  	s9 =	sadd.s32 $0xFFFFFEF7, lr;
	s5 =	simm.s32 $0xFFFFFFFF;
	p2 =	slt.u32 s8, $0xFFFFF086  }
0x1c: {  	p1 =	slt.u32 s9, $0xF7A;
	s5 =	simm.s32 @!p2 $0x0  }
0x1d: {  	s5 =	simm.s32 @p1 $0x1;
	p0 =	seq.s32 s7, s2  }
0x1e: {  	s7 =	smul.u32 @!p0 $0xF7A, s2;
	p2 =	seq.s32 @!p0 s5, $0x0  }
0x1f: {  	s9 =	smul.u32 $0xF7A, s1;
	s8 =	simm.s32 @!p0 $0x1BF5;
	p2 =	por !p2, p0  }
0x20: {  	[sflag:s8] =	ssyncset.s32 @!p0 $0xFFFFF086;
	s6 =	sadd.s32 @!p0 s3, s7;
	s7 =	simm.s32 @!p0 $0x108  }
0x21: {  	s3 =	sadd.s32 s3, s9;
	s6 =	sadd.s32 @!p0 $0x88, s6;
	s7 =	simm.s32 @p2 $0x1082  }
0x22: {  	[simem:s7], [sflag:s8] =	dma.local @!p0 [hbm:s6], $0xF7A  }
0x23: {  	s9 =	sor.u32 $0xD0000000, s2;
	s6 =	simm.s32 $0x108;
	_ =	swait.ge @!p0 [sflag:s8], $0x0  }
0x24: {  	s3 =	sadd.s32 $0x88, s3;
	s6 =	simm.s32 @!p1 $0x1082;
	[sflag:s4] =	ssyncset.s32 $0xFFFFF086  }
0x25: {  	[simem:s6], [sflag:s4] =	dma.local [hbm:s3], $0xF7A  }
0x26: {  	[smem:$0x3F78] =	sst s1;
	(tag) =	ssettag s2;
	_ =	strace s9  }
0x27: {  	s1 =	sld [smem:$0x3F88]  }
0x28: {  	s2 =	sld [smem:$0x3F89]  }
0x29: {  	s4 =	sld [smem:$0x3F8B]  }
0x2a: {  	p0 =	seq.s32 s5, $0x0;
	s5 =	sld [smem:$0x3F8C]  }
0x2b: {  	s6 =	sld [smem:$0x3F8D]  }
0x2c: {  	s7 =	sld [smem:$0x3F8E]  }
0x2d: {  	s3 =	simm.s32 $0x108;
	s8 =	sld [smem:$0x3F8F]  }
0x2e: {  	s3 =	simm.s32 @!p0 $0x1082;
	s9 =	sld [smem:$0x3F90]  }
0x2f: {  	lr =	sadd.s32 s0, s3;
	s0 =	sld [smem:$0x3F87]  }
0x30: {  	s3 =	sld [smem:$0x3F8A]  }
0x31: {  	[smem:$0x3F93] =	sst s10  }
0x32: {  	s10 =	sld [smem:$0x3F91];
	_ =	sdelay $0x3  }
0x33: {  	p0 =	seq.s32 s10, $0x1;
	s10 =	sld [smem:$0x3F93];
	_ =	sdelay $0x3  }
0x34: {  	[smem:$0x3F93] =	sst s10  }
0x35: {  	s10 =	sld [smem:$0x3F92];
	_ =	sdelay $0x3  }
0x36: {  	p1 =	seq.s32 s10, $0x1;
	s10 =	sld [smem:$0x3F93];
	_ =	sdelay $0x3  }
0x37: {  	[smem:$0x3F93] =	sst s10  }
0x38: {  	s10 =	sld [smem:$0x3F94]  }
0x39: {  	_ = 	snop;
	(pc) =	sbr.ind lr, $3  }
0x3a: {  	_ = 	snop  }
0x3b: {  	_ = 	snop  }
0x3c: {  	p2 =	seq.s32 s10, $0x1;
	s10 =	sld [smem:$0x3F93]  }
0x3d: {  	_ =	shalt  }
0x3e: {  	_ =	shalt  }
0x3f: {  	_ =	shalt  }
0x40: {  	_ =	shalt  }
0x41: {  	_ =	shalt  }
0x42: {  	_ =	shalt  }
0x43: {  	_ =	shalt  }
0x44: {  	_ =	shalt  }
0x45: {  	_ =	shalt  }
0x46: {  	_ =	shalt  }
0x47: {  	_ =	shalt  }
0x48: {  	_ =	shalt  }
0x49: {  	_ =	shalt  }
0x4a: {  	_ =	shalt  }
0x4b: {  	_ =	shalt  }
0x4c: {  	_ =	shalt  }
0x4d: {  	_ =	shalt  }
0x4e: {  	_ =	shalt  }
0x4f: {  	_ =	shalt  }
0x50: {  	_ =	shalt  }
0x51: {  	_ =	shalt  }
0x52: {  	_ =	shalt  }
0x53: {  	_ =	shalt  }
0x54: {  	_ =	shalt  }
0x55: {  	_ =	shalt  }
0x56: {  	_ =	shalt  }
0x57: {  	_ =	shalt  }
0x58: {  	_ =	shalt  }
0x59: {  	_ =	shalt  }
0x5a: {  	_ =	shalt  }
0x5b: {  	_ =	shalt  }
0x5c: {  	_ =	shalt  }
0x5d: {  	_ =	shalt  }
0x5e: {  	_ =	shalt  }
0x5f: {  	_ =	shalt  }
0x60: {  	_ =	shalt  }
0x61: {  	_ =	shalt  }
0x62: {  	_ =	shalt  }
0x63: {  	_ =	shalt  }
0x64: {  	_ =	shalt  }
0x65: {  	_ =	shalt  }
0x66: {  	_ =	shalt  }
0x67: {  	_ =	shalt  }
0x68: {  	_ =	shalt  }
0x69: {  	_ =	shalt  }
0x6a: {  	_ =	shalt  }
0x6b: {  	_ =	shalt  }
0x6c: {  	_ =	shalt  }
0x6d: {  	_ =	shalt  }
0x6e: {  	_ =	shalt  }
0x6f: {  	_ =	shalt  }
0x70: {  	_ =	shalt  }
0x71: {  	_ =	shalt  }
0x72: {  	_ =	shalt  }
0x73: {  	_ =	shalt  }
0x74: {  	_ =	shalt  }
0x75: {  	_ =	shalt  }
0x76: {  	_ =	shalt  }
0x77: {  	_ =	shalt  }
0x78: {  	_ =	shalt  }
0x79: {  	_ =	shalt  }
0x7a: {  	_ =	shalt  }
0x7b: {  	_ =	shalt  }
0x7c: {  	_ =	shalt  }
0x7d: {  	_ =	shalt  }
0x7e: {  	_ =	shalt  }
0x7f: {  	_ =	shalt  }
0x80: {  	_ =	shalt  }
0x81: {  	_ =	shalt  }
0x82: {  	_ =	shalt  }
0x83: {  	_ =	shalt  }
0x84: {  	_ =	shalt  }
0x85: {  	_ =	shalt  }
0x86: {  	_ =	shalt  }
0x87: {  	_ =	shalt  }
.Lfunc_end0:
.L_simem_size_0:
called_computation_lowered:
.L_overlay_start_0:
0x88: {  	s2 =	sld [smem:$0x3FD9]  }
0x89: {  	s3 =	sld [smem:$0x3FFE];
	_ =	sdelay $0x1  }
0x8a: {  	s1 =	srdreg.scid  }
0x8b: {  	s0 =	sand.u32 $0x1, s1  }
0x8c: {  	s16 =	sshll.u32 s0, $0xA;
	s2 =	sadd.s32 s3, s2  }
0x8d: {  	s2 =	sadd.s32 s2, s16  }
0x8e: {  	[smem:$0x3F9F] =	sst s2  }
0x8f: {  	_ = 	snop  }
0x90: {  	(tm) =	ssettm $0x1  }
0x91: {  	s17 =	sld [smem:$0x3FFB];
	_ =	sdelay $0x3  }
0x92: {  	_ =	strace s17  }
0x93: {  	s2 =	sld [smem:$0x3FFC];
	_ =	sdelay $0x3  }
0x94: {  	_ =	strace s2  }
0x95: {  	s2 =	sld [smem:$0x3FFD];
	_ =	sdelay $0x3  }
0x96: {  	_ =	strace s2  }
0x97: {  	_ =	strace $0x8FFFFFFF  }
0x98: {  	s18 =	sld [smem:$0x3FDB];
	_ =	sdelay $0x1  }
0x99: {  	s19 =	simm.s32 $_scs_section_size  }
0x9a: {  	s4 =	simm.s32 $_size__tile_overlayer_lowered;
	s5 =	simm.s32 $_tile_overlayer_lowered  }
0x9b: {  	s22 =	simm.s32 $0x1BFF;
	s21 =	sshll.u32 s5, $0x1;
	s2 =	sadd.s32 s19, s18  }
0x9c: {  	s6 =	simm.s32 $0x0;
	s20 =	sshll.u32 s4, $0x1;
	s4 =	sadd.s32 s21, s2  }
0x9d: {  	[timem:s6], [sflag:s22] =	dma.local [hbm:s4], s20  }
0x9e: {  	_ =	swait.ge [sflag:s22], s20  }
0x9f: {  	s3 =	ssub.s32 $0x0, s20;
	[sflag:s22] =	ssyncset.done $0x0  }
0xa0: {  	[sflag:s22] =	ssyncadd.s32 s3;
	_ =	sdelay $0x1  }
0xa1: {  	s23 =	simm.s32 $0x1B8B  }
0xa2: {  	_ =	swait.ge [sflag:s23], $0x1  }
0xa3: {  	[sflag:s23] =	ssyncset.done $0x0  }
0xa4: {  	s25 =	simm.s32 $0x1B8E;
	s24 =	sld [smem:$0x3FFE];
	[sflag:s23] =	ssyncadd.s32 $0xFFFFFFFF  }
0xa5: {  	s26 =	simm.s32 $execute0_lowered;
	[smem:$0x3FD2] =	sst s25  }
0xa6: {  	s4 =	sshll.u32 s26, $0x1;
	_ =	strace $0x80000046;
	[dreg:$0x1] =	wrdreg $0xFFFFFFFF  }
0xa7: {  	s28 =	simm.s32 $_size_execute0_lowered;
	s2 =	sadd.s32 s2, s4;
	[dreg:$0x0] =	wrdreg $0x0  }
0xa8: {  	s4 =	sshll.u32 s28, $0x1;
	[dreg:$0x2] =	wrdreg s2  }
0xa9: {  	[dreg:$0x3] =	wrdreg s4  }
0xaa: {  	[dreg:$0x4] =	wrdreg $0xC0  }
0xab: {  	_ =	task [dreg:s6], $0x5FFFF  }
0xac: {  	[dreg:$0x1] =	wrdreg $0xFFFFFFFF  }
0xad: {  	[dreg:$0x0] =	wrdreg $0x60  }
0xae: {  	[dreg:$0x2] =	wrdreg s24  }
0xaf: {  	[dreg:$0x3] =	wrdreg $0xA8000  }
0xb0: {  	[dreg:$0x4] =	wrdreg $0x9  }
0xb1: {  	_ =	task.clear_ibuf [dreg:s6], $0x5FFFF;
	_ =	strace $0x90000046  }
0xb2: {  	s29 =	simm.s32 $0x9;
	_ =	strace $0x80000048  }
0xb3: {  	_ =	swait.ge [sflag:s29], $0x1  }
0xb4: {  	[sflag:s29] =	ssyncadd.s32 $0xFFFFFFFF  }
0xb5: {  	_ =	strace $0x90000048  }
0xb6: {  	_ =	sfence  }
0xb7: {  	s30 =	sld [smem:$0x0];
	_ =	sdelay $0x2  }
0xb8: {  	s31 =	sshll.u32 s1, $0xD;
	s1 =	sshrl.u32 s1, $0x2  }
0xb9: {  	s3 =	sand.u32 $0x4000, s31;
	s1 =	sadd.s32 s1, s30  }
0xba: {  	s0 =	sor.u32 s3, s0;
	s1 =	sshll.u32 s1, $0x11  }
0xbb: {  	s0 =	sor.u32 s1, s0  }
0xbc: {  	s0 =	sadd.s32 $0x8F2B, s0  }
0xbd: {  	[sflag:s0] =	ssyncadd.remote.s32 $0x1  }
0xbe: {  	_ =	sfence.sel $0xFFFF  }
0xbf: {  	[dreg:$0x0] =	wrdreg $0xFFFFFFFF;
	(pc) =	sbr.abs _section_cstart, $3  }
0xc0: {  	[dreg:$0x1] =	wrdreg $0xFFFFFFFF  }
0xc1: {  	_ =	task.clear_ibuf [dreg:s6], $0x2FFFF;
	_ =	strace $0x9FFFFFFF  }
0xc2: {  	(tm) =	ssettm $0x7FFFFFFF  }
0xc3: {  	_ =	shalt  }
tec
execute0_lowered:
.L_overlay_start_1:
0x0: {  	(tag) =	ssettag $0x1  }
0x1: {  	s0 =	rddreg [dreg:$0x0]  }
0x2: {  	s1 =	rddreg [dreg:$0x1]  }
0x3: {  	s3 =	simm.s32 $0x0;
	s2 =	srdreg.scid;
	s12 =	stileid.u32  }
0x4: {  	s15 =	simm.s32 $0x5;
	s16 =	simm.s32 $0x1400;
	s17 =	simm.s32 $0x4800  }
0x5: {  	s18 =	simm.s32 $0x40;
	s19 =	simm.s32 $0x2800;
	s20 =	simm.s32 $0x8800  }
0x6: {  	s21 =	simm.s32 $0x6800;
	s22 =	simm.s32 $0x2;
	s23 =	simm.s32 $0x1  }
0x7: {  	s24 =	simm.s32 $0x4;
	s28 =	simm.s32 $0x0;
	[smem:$0x7FF] =	sst s3  }
0x8: {  	s2 =	sand.u32 $0x1, s2;
	s4 =	sadd.s32 $0x2E600, s0;
	s9 =	smul.u32 $0x13C00, s12  }
0x9: {  	s5 =	sadd.s32 $0xA10600, s0;
	s6 =	sadd.s32 $0x6600, s0;
	s7 =	sadd.s32 $0x1A600, s0  }
0xa: {  	s10 =	sadd.s32 $0x55800, s0;
	s11 =	smul.u32 $0x4F000, s12;
	s31 =	sshll.u32 s12, $0x6  }
0xb: {  	s8 =	smul.u32 $0x13C000, s2;
	_ =	strace $0x80000047;
	s25 =	ssub.s32 $0x2, s2  }
0xc: {  	[dreg:$0x3] =	wrdreg s10;
	s2 =	sshll.u32 s2, $0x4;
	s26 =	sshrl.u32 s25, $0x1  }
0xd: {  	s2 =	sor.u32 s12, s2;
	s30 =	sshrl.u32 s11, $0x2;
	s8 =	sadd.s32 s9, s8  }
0xe: {  	s29 =	ssub.s32 s25, s26;
	s14 =	sadd.s32 s30, s1;
	s8 =	sshrl.u32 s8, $0x3  }
0xf: {  	s9 =	sor.u32 $0x1C05, s31;
	s10 =	smul.u32 $0xA0, s2;
	s0 =	sadd.s32 s8, s0  }
0x10: {  	s11 =	smul.u32 $0x2800, s2;
	s25 =	simm.s32 $0x3;
	s0 =	sadd.s32 $0x58000, s0  }
0x11: {  	s13 =	smax.u32 s29, $0x1;
	s14 =	sshrl.u32 s14, $0x3;
	[dreg:$0x4] =	wrdreg s0  }
.LBB2_1:
0x12: {  	s0 =	rddreg [dreg:$0x3]  }
0x13: {  	[spmem:s14], [sflag:s9] =	dma.local [hbm:s0], $0x2780  }
0x14: {  	_ =	swait.ge [sflag:s15], $0x2780  }
0x15: {  	[sflag:s15] =	ssyncset.done $0x0  }
0x16: {  	[sflag:s15] =	ssyncadd.s32 $0xFFFFD880  }
0x17: {  	s26 =	simm.s32 $0x0;
	[bflag:$0x0] =	sbarrier.arrive $0xFFFF  }
.LBB2_2:
0x18: {  	s0 =	smul.u32 $0x28, s26;
	_ =	sdelay $0x1  }
0x19: {  	s0 =	sadd.s32 s10, s0  }
0x1a: {  	s0 =	sshll.u32 s0, $0x4  }
0x1b: {  	s2 =	sadd.s32 s6, s0  }
0x1c: {  	[tilespmem:s28], [sflag:$0x5] =	stream.linear.gather [hbm4b:s2+s28], $0x1400, $0x38;
	[tilespmem:$0x1E400] =	vst v63  }
0x1d: {  	_ =	swait.ge [sflag:s15], $0x1400  }
0x1e: {  	[sflag:s15] =	ssyncset.done $0x0  }
0x1f: {  	s12 =	smul.u32 $0xA00, s26;
	s0 =	sadd.s32 s7, s0;
	[sflag:s15] =	ssyncadd.s32 $0xFFFFEC00  }
0x20: {  	[tilespmem:s16], [sflag:$0x5] =	stream.linear.gather [hbm4b:s0+s28], $0x1400, $0x38;
	[tilespmem:$0x1E400] =	vst v63  }
0x21: {  	s31 =	sadd.s32 s11, s12;
	_ =	swait.ge [sflag:s15], $0x1400  }
0x22: {  	s0 =	sshll.u32 s31, $0x4;
	[sflag:s15] =	ssyncset.done $0x0  }
0x23: {  	s30 =	simm.s32 $0x0;
	s29 =	sadd.s32 s5, s0;
	[sflag:s15] =	ssyncadd.s32 $0xFFFFEC00  }
.LBB2_3:
0x24: {  	s0 =	sshll.u32 s30, $0xB  }
0x25: {  	s2 =	sshllo.u32 s30, $0x1;
	s0 =	sadd.s32 s0, s29  }
0x26: {  	[tilespmem:s17], [sflag:$0x2] =	stream.linear.gather [hbm4b:s0+s28], $0x2000, $0x38;
	[tilespmem:$0x1E400] =	vst v63  }
0x27: {  	s8 =	sshll.u32 s2, $0xA;
	s0 =	sshll.u32 s30, $0x8  }
0x28: {  	[tilespmem:s19], [sflag:$0x1] =	stream.indirect.gather [hbm4b:s4+s18], $0x80, s0, s18, $0xb8;
	[tilespmem:$0x1E400] =	vst v63  }
0x29: {  	s8 =	sadd.s32 s8, s29  }
0x2a: {  	[tilespmem:s20], [sflag:$0x4] =	stream.linear.gather [hbm4b:s8+s28], $0x2000, $0x38;
	[tilespmem:$0x1E400] =	vst v63  }
0x2b: {  	s31 =	sshll.u32 s2, $0x7  }
0x2c: {  	[tilespmem:s21], [sflag:$0x3] =	stream.indirect.gather [hbm4b:s4+s18], $0x80, s31, s18, $0xb8;
	[tilespmem:$0x1E400] =	vst v63  }
0x2d: {  	_ =	swait.ge [sflag:s22], $0x2000  }
0x2e: {  	[sflag:s22] =	ssyncset.done $0x0  }
0x2f: {  	[sflag:s22] =	ssyncadd.s32 $0xFFFFE000  }
0x30: {  	_ =	swait.ge [sflag:s23], $0x2000  }
0x31: {  	[sflag:s23] =	ssyncset.done $0x0  }
0x32: {  	s2 =	simm.s32 $0x0;
	[sflag:s23] =	ssyncadd.s32 $0xFFFFE000  }
0x33: {  	v6 =	vld [tilespmem:s2+$0x2800]  }
0x34: {  	v11 =	vld [tilespmem:s2+$0x2810]  }
0x35: {  	v5 =	vld [tilespmem:s2+$0x2820]  }
0x36: {  	v4 =	vld [tilespmem:s2+$0x2830]  }
0x37: {  	v3 =	vld [tilespmem:s2+$0x2840]  }
0x38: {  	v2 =	vld [tilespmem:s2+$0x2850]  }
0x39: {  	v1 =	vld [tilespmem:s2+$0x2860]  }
0x3a: {  	v0 =	vld [tilespmem:s2+$0x2870]  }
0x3b: {  	v12 =	vld [tilespmem:s2+$0x4800]  }
0x3c: {  	v13 =	vld [tilespmem:s2+$0x4810]  }
0x3d: {  	v10 =	vld [tilespmem:s2+$0x4820]  }
0x3e: {  	v9 =	vld [tilespmem:s2+$0x4830]  }
0x3f: {  	v8 =	vld [tilespmem:s2+$0x4840]  }
0x40: {  	v7 =	vld [tilespmem:s2+$0x4850];
	v12 =	vadd.f32 v6, v12  }
0x41: {  	s8 =	simm.s32 $0x200;
	v11 =	vadd.f32 v11, v13;
	v6 =	vld [tilespmem:s2+$0x4860]  }
.LBB2_4:
0x42: {  	s12 =	sshra.s32 s8, $0x2;
	p0 =	sne.s32 s8, $0x7E00;
	v12 =	vmax.f32 v12, $0.0e+00;
	v5 =	vadd.f32 v5, v10;
	v10 =	vld [tilespmem:s2+$0x4870]  }
0x43: {  	v13 =	vld [tilespmem:s12+$0x2800];
	[tilespmem:s2+$0x4800] =	vst v12;
	v11 =	vmax.f32 v11, $0.0e+00;
	v4 =	vadd.f32 v4, v9  }
0x44: {  	v14 =	vld [tilespmem:s12+$0x2810];
	[tilespmem:s2+$0x4810] =	vst v11;
	v9 =	vmax.f32 v5, $0.0e+00;
	v3 =	vadd.f32 v3, v8  }
0x45: {  	v5 =	vld [tilespmem:s12+$0x2820];
	[tilespmem:s2+$0x4820] =	vst v9;
	v8 =	vmax.f32 v4, $0.0e+00;
	v2 =	vadd.f32 v2, v7  }
0x46: {  	v4 =	vld [tilespmem:s12+$0x2830];
	[tilespmem:s2+$0x4830] =	vst v8;
	v7 =	vmax.f32 v3, $0.0e+00;
	v1 =	vadd.f32 v1, v6  }
0x47: {  	v3 =	vld [tilespmem:s12+$0x2840];
	[tilespmem:s2+$0x4840] =	vst v7;
	v6 =	vmax.f32 v2, $0.0e+00;
	v0 =	vadd.f32 v0, v10  }
0x48: {  	v2 =	vld [tilespmem:s12+$0x2850];
	[tilespmem:s2+$0x4850] =	vst v6;
	v6 =	vmax.f32 v1, $0.0e+00  }
0x49: {  	v1 =	vld [tilespmem:s12+$0x2860];
	[tilespmem:s2+$0x4860] =	vst v6;
	v6 =	vmax.f32 v0, $0.0e+00  }
0x4a: {  	v0 =	vld [tilespmem:s12+$0x2870];
	[tilespmem:s2+$0x4870] =	vst v6;
	s2 =	smov.u32 s12  }
0x4b: {  	v6 =	vld [tilespmem:s2+$0x4800]  }
0x4c: {  	v11 =	vld [tilespmem:s2+$0x4810]  }
.Ltmp0:
0x4d: {  	v10 =	vld [tilespmem:s2+$0x4820];
	(pc) =	sbr.rel @p0 .LBB2_4-.Ltmp0, $4  }
0x4e: {  	v9 =	vld [tilespmem:s2+$0x4830]  }
0x4f: {  	v8 =	vld [tilespmem:s2+$0x4840]  }
0x50: {  	v12 =	vadd.f32 v13, v6;
	v7 =	vld [tilespmem:s2+$0x4850]  }
0x51: {  	s8 =	sadd.s32 $0x200, s8;
	v11 =	vadd.f32 v14, v11;
	v6 =	vld [tilespmem:s2+$0x4860]  }
0x52: {  	v12 =	vmax.f32 v12, $0.0e+00;
	v5 =	vadd.f32 v5, v10;
	v10 =	vld [tilespmem:s2+$0x4870]  }
0x53: {  	[tilespmem:s2+$0x4800] =	vst v12;
	v11 =	vmax.f32 v11, $0.0e+00;
	v4 =	vadd.f32 v4, v9  }
0x54: {  	[tilespmem:s2+$0x4810] =	vst v11;
	v5 =	vmax.f32 v5, $0.0e+00;
	v3 =	vadd.f32 v3, v8  }
0x55: {  	[tilespmem:s2+$0x4820] =	vst v5;
	v4 =	vmax.f32 v4, $0.0e+00;
	v2 =	vadd.f32 v2, v7  }
0x56: {  	[tilespmem:s2+$0x4830] =	vst v4;
	v3 =	vmax.f32 v3, $0.0e+00;
	v1 =	vadd.f32 v1, v6  }
0x57: {  	[tilespmem:s2+$0x4840] =	vst v3;
	v2 =	vmax.f32 v2, $0.0e+00;
	v0 =	vadd.f32 v0, v10  }
0x58: {  	[tilespmem:s2+$0x4850] =	vst v2;
	v1 =	vmax.f32 v1, $0.0e+00  }
0x59: {  	[tilespmem:s2+$0x4860] =	vst v1;
	v0 =	vmax.f32 v0, $0.0e+00  }
0x5a: {  	s0 =	sadd.s32 $0x1400, s0;
	[tilespmem:s2+$0x4870] =	vst v0  }
0x5b: {  	[spmem:s1] =	stream.indirect.scatter.add.f32 [tilespmem:s17], [sflag:$0x5], $0x80, s0, s18, $0xb8;
	[tilespmem:$0x1E400] =	vst v63  }
0x5c: {  	_ =	swait.ge [sflag:s15], $0x2000  }
0x5d: {  	[sflag:s15] =	ssyncset.done $0x0  }
0x5e: {  	[sflag:s15] =	ssyncadd.s32 $0xFFFFE000  }
0x5f: {  	_ =	swait.ge [sflag:s24], $0x2000  }
0x60: {  	[sflag:s24] =	ssyncset.done $0x0  }
0x61: {  	[sflag:s24] =	ssyncadd.s32 $0xFFFFE000  }
0x62: {  	_ =	swait.ge [sflag:s25], $0x2000  }
0x63: {  	[sflag:s25] =	ssyncset.done $0x0  }
0x64: {  	s0 =	simm.s32 $0x0;
	[sflag:s25] =	ssyncadd.s32 $0xFFFFE000  }
0x65: {  	v6 =	vld [tilespmem:s0+$0x6800]  }
0x66: {  	v11 =	vld [tilespmem:s0+$0x6810]  }
0x67: {  	v5 =	vld [tilespmem:s0+$0x6820]  }
0x68: {  	v4 =	vld [tilespmem:s0+$0x6830]  }
0x69: {  	v3 =	vld [tilespmem:s0+$0x6840]  }
0x6a: {  	v2 =	vld [tilespmem:s0+$0x6850]  }
0x6b: {  	v1 =	vld [tilespmem:s0+$0x6860]  }
0x6c: {  	v0 =	vld [tilespmem:s0+$0x6870]  }
0x6d: {  	v12 =	vld [tilespmem:s0+$0x8800]  }
0x6e: {  	v13 =	vld [tilespmem:s0+$0x8810]  }
0x6f: {  	v10 =	vld [tilespmem:s0+$0x8820]  }
0x70: {  	v9 =	vld [tilespmem:s0+$0x8830]  }
0x71: {  	v8 =	vld [tilespmem:s0+$0x8840]  }
0x72: {  	v7 =	vld [tilespmem:s0+$0x8850];
	v12 =	vadd.f32 v6, v12  }
0x73: {  	s2 =	simm.s32 $0x200;
	v11 =	vadd.f32 v11, v13;
	v6 =	vld [tilespmem:s0+$0x8860]  }
.LBB2_6:
0x74: {  	s8 =	sshra.s32 s2, $0x2;
	p0 =	sne.s32 s2, $0x7E00;
	v12 =	vmax.f32 v12, $0.0e+00;
	v5 =	vadd.f32 v5, v10;
	v10 =	vld [tilespmem:s0+$0x8870]  }
0x75: {  	v13 =	vld [tilespmem:s8+$0x6800];
	[tilespmem:s0+$0x8800] =	vst v12;
	v11 =	vmax.f32 v11, $0.0e+00;
	v4 =	vadd.f32 v4, v9  }
0x76: {  	v14 =	vld [tilespmem:s8+$0x6810];
	[tilespmem:s0+$0x8810] =	vst v11;
	v9 =	vmax.f32 v5, $0.0e+00;
	v3 =	vadd.f32 v3, v8  }
0x77: {  	v5 =	vld [tilespmem:s8+$0x6820];
	[tilespmem:s0+$0x8820] =	vst v9;
	v8 =	vmax.f32 v4, $0.0e+00;
	v2 =	vadd.f32 v2, v7  }
0x78: {  	v4 =	vld [tilespmem:s8+$0x6830];
	[tilespmem:s0+$0x8830] =	vst v8;
	v7 =	vmax.f32 v3, $0.0e+00;
	v1 =	vadd.f32 v1, v6  }
0x79: {  	v3 =	vld [tilespmem:s8+$0x6840];
	[tilespmem:s0+$0x8840] =	vst v7;
	v6 =	vmax.f32 v2, $0.0e+00;
	v0 =	vadd.f32 v0, v10  }
0x7a: {  	v2 =	vld [tilespmem:s8+$0x6850];
	[tilespmem:s0+$0x8850] =	vst v6;
	v6 =	vmax.f32 v1, $0.0e+00  }
0x7b: {  	v1 =	vld [tilespmem:s8+$0x6860];
	[tilespmem:s0+$0x8860] =	vst v6;
	v6 =	vmax.f32 v0, $0.0e+00  }
0x7c: {  	v0 =	vld [tilespmem:s8+$0x6870];
	[tilespmem:s0+$0x8870] =	vst v6;
	s0 =	smov.u32 s8  }
0x7d: {  	v6 =	vld [tilespmem:s0+$0x8800]  }
0x7e: {  	v11 =	vld [tilespmem:s0+$0x8810]  }
.Ltmp1:
0x7f: {  	v10 =	vld [tilespmem:s0+$0x8820];
	(pc) =	sbr.rel @p0 .LBB2_6-.Ltmp1, $4  }
0x80: {  	v9 =	vld [tilespmem:s0+$0x8830]  }
0x81: {  	v8 =	vld [tilespmem:s0+$0x8840]  }
0x82: {  	v12 =	vadd.f32 v13, v6;
	v7 =	vld [tilespmem:s0+$0x8850]  }
0x83: {  	s2 =	sadd.s32 $0x200, s2;
	v11 =	vadd.f32 v14, v11;
	v6 =	vld [tilespmem:s0+$0x8860]  }
0x84: {  	v12 =	vmax.f32 v12, $0.0e+00;
	v5 =	vadd.f32 v5, v10;
	v63 =	vld [tilespmem:s0+$0x8870]  }
0x85: {  	[tilespmem:s0+$0x8800] =	vst v12;
	v11 =	vmax.f32 v11, $0.0e+00;
	v4 =	vadd.f32 v4, v9  }
0x86: {  	[tilespmem:s0+$0x8810] =	vst v11;
	v5 =	vmax.f32 v5, $0.0e+00;
	v3 =	vadd.f32 v3, v8  }
0x87: {  	[tilespmem:s0+$0x8820] =	vst v5;
	v4 =	vmax.f32 v4, $0.0e+00;
	v2 =	vadd.f32 v2, v7  }
0x88: {  	[tilespmem:s0+$0x8830] =	vst v4;
	v3 =	vmax.f32 v3, $0.0e+00;
	v1 =	vadd.f32 v1, v6  }
0x89: {  	[tilespmem:s0+$0x8840] =	vst v3;
	v2 =	vmax.f32 v2, $0.0e+00;
	v0 =	vadd.f32 v0, v63  }
0x8a: {  	s30 =	sadd.s32 $0x1, s30;
	[tilespmem:s0+$0x8850] =	vst v2;
	v1 =	vmax.f32 v1, $0.0e+00  }
0x8b: {  	p0 =	sne.s32 s30, $0x14;
	[tilespmem:s0+$0x8860] =	vst v1;
	v0 =	vmax.f32 v0, $0.0e+00  }
.Ltmp2:
0x8c: {  	s31 =	sadd.s32 $0x1400, s31;
	[tilespmem:s0+$0x8870] =	vst v0;
	(pc) =	sbr.rel @p0 .LBB2_3-.Ltmp2, $4  }
0x8d: {  	[spmem:s1] =	stream.indirect.scatter.add.f32 [tilespmem:s20], [sflag:$0x5], $0x80, s31, s18, $0xb8;
	[tilespmem:$0x1E400] =	vst v63  }
0x8e: {  	_ =	swait.ge [sflag:s15], $0x2000  }
0x8f: {  	[sflag:s15] =	ssyncset.done $0x0  }
0x90: {  	[sflag:s15] =	ssyncadd.s32 $0xFFFFE000  }
0x91: {  	s26 =	sadd.s32 $0x1, s26  }
0x92: {  	p0 =	sne.s32 s26, $0x4  }
.Ltmp3:
0x93: {  	_ = 	snop;
	(pc) =	sbr.rel @p0 .LBB2_2-.Ltmp3, $1  }
0x94: {  	_ =	sdelay $0x3  }
0x95: {  	s3 =	sadd.s32 $0x1, s3  }
0x96: {  	[bflag:$0x0] =	sbarrier.arrive $0xFFFF;
	p0 =	sne.s32 s3, s13  }
.Ltmp4:
0x97: {  	s0 =	rddreg [dreg:$0x4];
	(pc) =	sbr.rel @p0 .LBB2_1-.Ltmp4, $4  }
0x98: {  	[hbm:s0], [sflag:s9] =	dma.local [spmem:s14], $0x2780  }
0x99: {  	_ =	swait.ge [sflag:s15], $0x2780  }
0x9a: {  	[sflag:s15] =	ssyncset.done $0x0  }
0x9b: {  	[sflag:s15] =	ssyncadd.s32 $0xFFFFD880  }
0x9c: {  	_ =	sfence.sel $0x180000  }
0x9d: {  	[bflag:$0x0] =	sbarrier.arrive $0xFFFF  }
0x9e: {  	_ =	strace $0x90000047  }
0x9f: {  	s0 =	stileid.u32;
	[bflag:$0x2] =	sbarrier.arrive $0xFFFF  }
0xa0: {  	p0 =	sne.s32 s0, $0x0;
	s0 =	rddreg [dreg:$0x2]  }
0xa1: {  	s0 =	sadd.s32 @!p0 $0x100000, s0  }
0xa2: {  	[sflag:s0] =	ssyncadd.tile.s32 @!p0 $0x1;
	_ =	shalt  }
.Lfunc_end2:
_tile_overlayer_lowered:
.L_overlay_start_2:
0xa3: {  	(tag) =	ssettag $0x2  }
0xa4: {  	s0 =	rddreg [dreg:$0x0];
	s2 =	stileid.u32  }
0xa5: {  	s1 =	rddreg [dreg:$0x1];
	p0 =	sne.s32 s2, $0x0  }
0xa6: {  	s3 =	rddreg [dreg:$0x2];
	[bflag:$0x3] =	sbarrier.arrive $0xFFFF;
	s2 =	simm.s32 @!p0 $0x1C05  }
0xa7: {  	[timem:s3], [sflag:s2] =	dma.local @!p0 [hbm:s0], s1  }
0xa8: {  	s0 =	simm.s32 @!p0 $0x5  }
0xa9: {  	_ =	swait.ge @!p0 [sflag:s0], s1  }
0xaa: {  	s1 =	ssub.s32 @!p0 $0x0, s1;
	[sflag:s0] =	ssyncset.done @!p0 $0x0  }
0xab: {  	[sflag:s0] =	ssyncadd.s32 @!p0 s1  }
0xac: {  	[bflag:$0x3] =	sbarrier.arrive $0xFFFF  }
0xad: {  	_ =	shalt  }

// kernel: kernel.16.cloned.1.call-start
scs
__scs_entry_jumppad:
0x0: {  	(pc) =	sbr.rel $0x88, $3  }
0x1: {  	(tag) =	ssettag $0x0;
	lr =	simm.s32 $0x1  }
0x2: {  	[smem:$0x3F78] =	sst lr;
	_ =	strace $0xD0000000  }
0x3: {  	_ = 	snop  }
0x4: {  	_ = 	snop  }
0x5: {  	_ = 	snop  }
0x6: {  	_ = 	snop  }
0x7: {  	_ = 	snop  }
__scs_overlays_trampoline_lowered:
0x8: {  	[smem:$0x3F87] =	sst s0  }
0x9: {  	[smem:$0x3F88] =	sst s1  }
0xa: {  	[smem:$0x3F89] =	sst s2  }
0xb: {  	[smem:$0x3F8A] =	sst s3  }
0xc: {  	[smem:$0x3F8B] =	sst s4  }
0xd: {  	[smem:$0x3F8C] =	sst s5  }
0xe: {  	[smem:$0x3F8D] =	sst s6  }
0xf: {  	[smem:$0x3F8E] =	sst s7  }
0x10: {  	[smem:$0x3F8F] =	sst s8  }
0x11: {  	[smem:$0x3F90] =	sst s9;
	s0 =	simm.s32 @!p0 $0x0  }
0x12: {  	s1 =	sld [smem:$0x3F76];
	s0 =	simm.s32 @p0 $0x1  }
0x13: {  	[smem:$0x3F91] =	sst s0;
	s0 =	simm.s32 @!p1 $0x0  }
0x14: {  	s2 =	sld [smem:$0x3F75];
	s0 =	simm.s32 @p1 $0x1  }
0x15: {  	[smem:$0x3F92] =	sst s0;
	s0 =	simm.s32 @!p2 $0x0  }
0x16: {  	s3 =	sld [smem:$0x3FDB];
	s0 =	simm.s32 @p2 $0x1  }
0x17: {  	s4 =	simm.s32 $0x1BF5;
	[smem:$0x3F94] =	sst s0  }
0x18: {  	s0 =	sld [smem:$0x3F77];
	_ =	swait.ge [sflag:s4], $0x0  }
0x19: {  	s7 =	sld [smem:$0x3F78]  }
0x1a: {  	s8 =	sadd.s32 $0xFFFFE003, lr  }
0x1b: {  	s9 =	sadd.s32 $0xFFFFFEF7, lr;
	s5 =	simm.s32 $0xFFFFFFFF;
	p2 =	slt.u32 s8, $0xFFFFF086  }
0x1c: {  	p1 =	slt.u32 s9, $0xF7A;
	s5 =	simm.s32 @!p2 $0x0  }
0x1d: {  	s5 =	simm.s32 @p1 $0x1;
	p0 =	seq.s32 s7, s2  }
0x1e: {  	s7 =	smul.u32 @!p0 $0xF7A, s2;
	p2 =	seq.s32 @!p0 s5, $0x0  }
0x1f: {  	s9 =	smul.u32 $0xF7A, s1;
	s8 =	simm.s32 @!p0 $0x1BF5;
	p2 =	por !p2, p0  }
0x20: {  	[sflag:s8] =	ssyncset.s32 @!p0 $0xFFFFF086;
	s6 =	sadd.s32 @!p0 s3, s7;
	s7 =	simm.s32 @!p0 $0x108  }
0x21: {  	s3 =	sadd.s32 s3, s9;
	s6 =	sadd.s32 @!p0 $0x88, s6;
	s7 =	simm.s32 @p2 $0x1082  }
0x22: {  	[simem:s7], [sflag:s8] =	dma.local @!p0 [hbm:s6], $0xF7A  }
0x23: {  	s9 =	sor.u32 $0xD0000000, s2;
	s6 =	simm.s32 $0x108;
	_ =	swait.ge @!p0 [sflag:s8], $0x0  }
0x24: {  	s3 =	sadd.s32 $0x88, s3;
	s6 =	simm.s32 @!p1 $0x1082;
	[sflag:s4] =	ssyncset.s32 $0xFFFFF086  }
0x25: {  	[simem:s6], [sflag:s4] =	dma.local [hbm:s3], $0xF7A  }
0x26: {  	[smem:$0x3F78] =	sst s1;
	(tag) =	ssettag s2;
	_ =	strace s9  }
0x27: {  	s1 =	sld [smem:$0x3F88]  }
0x28: {  	s2 =	sld [smem:$0x3F89]  }
0x29: {  	s4 =	sld [smem:$0x3F8B]  }
0x2a: {  	p0 =	seq.s32 s5, $0x0;
	s5 =	sld [smem:$0x3F8C]  }
0x2b: {  	s6 =	sld [smem:$0x3F8D]  }
0x2c: {  	s7 =	sld [smem:$0x3F8E]  }
0x2d: {  	s3 =	simm.s32 $0x108;
	s8 =	sld [smem:$0x3F8F]  }
0x2e: {  	s3 =	simm.s32 @!p0 $0x1082;
	s9 =	sld [smem:$0x3F90]  }
0x2f: {  	lr =	sadd.s32 s0, s3;
	s0 =	sld [smem:$0x3F87]  }
0x30: {  	s3 =	sld [smem:$0x3F8A]  }
0x31: {  	[smem:$0x3F93] =	sst s10  }
0x32: {  	s10 =	sld [smem:$0x3F91];
	_ =	sdelay $0x3  }
0x33: {  	p0 =	seq.s32 s10, $0x1;
	s10 =	sld [smem:$0x3F93];
	_ =	sdelay $0x3  }
0x34: {  	[smem:$0x3F93] =	sst s10  }
0x35: {  	s10 =	sld [smem:$0x3F92];
	_ =	sdelay $0x3  }
0x36: {  	p1 =	seq.s32 s10, $0x1;
	s10 =	sld [smem:$0x3F93];
	_ =	sdelay $0x3  }
0x37: {  	[smem:$0x3F93] =	sst s10  }
0x38: {  	s10 =	sld [smem:$0x3F94]  }
0x39: {  	_ = 	snop;
	(pc) =	sbr.ind lr, $3  }
0x3a: {  	_ = 	snop  }
0x3b: {  	_ = 	snop  }
0x3c: {  	p2 =	seq.s32 s10, $0x1;
	s10 =	sld [smem:$0x3F93]  }
0x3d: {  	_ =	shalt  }
0x3e: {  	_ =	shalt  }
0x3f: {  	_ =	shalt  }
0x40: {  	_ =	shalt  }
0x41: {  	_ =	shalt  }
0x42: {  	_ =	shalt  }
0x43: {  	_ =	shalt  }
0x44: {  	_ =	shalt  }
0x45: {  	_ =	shalt  }
0x46: {  	_ =	shalt  }
0x47: {  	_ =	shalt  }
0x48: {  	_ =	shalt  }
0x49: {  	_ =	shalt  }
0x4a: {  	_ =	shalt  }
0x4b: {  	_ =	shalt  }
0x4c: {  	_ =	shalt  }
0x4d: {  	_ =	shalt  }
0x4e: {  	_ =	shalt  }
0x4f: {  	_ =	shalt  }
0x50: {  	_ =	shalt  }
0x51: {  	_ =	shalt  }
0x52: {  	_ =	shalt  }
0x53: {  	_ =	shalt  }
0x54: {  	_ =	shalt  }
0x55: {  	_ =	shalt  }
0x56: {  	_ =	shalt  }
0x57: {  	_ =	shalt  }
0x58: {  	_ =	shalt  }
0x59: {  	_ =	shalt  }
0x5a: {  	_ =	shalt  }
0x5b: {  	_ =	shalt  }
0x5c: {  	_ =	shalt  }
0x5d: {  	_ =	shalt  }
0x5e: {  	_ =	shalt  }
0x5f: {  	_ =	shalt  }
0x60: {  	_ =	shalt  }
0x61: {  	_ =	shalt  }
0x62: {  	_ =	shalt  }
0x63: {  	_ =	shalt  }
0x64: {  	_ =	shalt  }
0x65: {  	_ =	shalt  }
0x66: {  	_ =	shalt  }
0x67: {  	_ =	shalt  }
0x68: {  	_ =	shalt  }
0x69: {  	_ =	shalt  }
0x6a: {  	_ =	shalt  }
0x6b: {  	_ =	shalt  }
0x6c: {  	_ =	shalt  }
0x6d: {  	_ =	shalt  }
0x6e: {  	_ =	shalt  }
0x6f: {  	_ =	shalt  }
0x70: {  	_ =	shalt  }
0x71: {  	_ =	shalt  }
0x72: {  	_ =	shalt  }
0x73: {  	_ =	shalt  }
0x74: {  	_ =	shalt  }
0x75: {  	_ =	shalt  }
0x76: {  	_ =	shalt  }
0x77: {  	_ =	shalt  }
0x78: {  	_ =	shalt  }
0x79: {  	_ =	shalt  }
0x7a: {  	_ =	shalt  }
0x7b: {  	_ =	shalt  }
0x7c: {  	_ =	shalt  }
0x7d: {  	_ =	shalt  }
0x7e: {  	_ =	shalt  }
0x7f: {  	_ =	shalt  }
0x80: {  	_ =	shalt  }
0x81: {  	_ =	shalt  }
0x82: {  	_ =	shalt  }
0x83: {  	_ =	shalt  }
0x84: {  	_ =	shalt  }
0x85: {  	_ =	shalt  }
0x86: {  	_ =	shalt  }
0x87: {  	_ =	shalt  }
.Lfunc_end0:
.L_simem_size_0:
called_computation.1_lowered:
.L_overlay_start_0:
0x88: {  	s2 =	sld [smem:$0x3FD9]  }
0x89: {  	s3 =	sld [smem:$0x3FFE];
	_ =	sdelay $0x1  }
0x8a: {  	s1 =	srdreg.scid  }
0x8b: {  	s0 =	sand.u32 $0x1, s1  }
0x8c: {  	s16 =	sshll.u32 s0, $0xA;
	s2 =	sadd.s32 s3, s2  }
0x8d: {  	s2 =	sadd.s32 s2, s16  }
0x8e: {  	[smem:$0x3F9F] =	sst s2  }
0x8f: {  	_ = 	snop  }
0x90: {  	(tm) =	ssettm $0x1  }
0x91: {  	s17 =	sld [smem:$0x3FFB];
	_ =	sdelay $0x3  }
0x92: {  	_ =	strace s17  }
0x93: {  	s2 =	sld [smem:$0x3FFC];
	_ =	sdelay $0x3  }
0x94: {  	_ =	strace s2  }
0x95: {  	s2 =	sld [smem:$0x3FFD];
	_ =	sdelay $0x3  }
0x96: {  	_ =	strace s2  }
0x97: {  	_ =	strace $0x8FFFFFFF  }
0x98: {  	s18 =	sld [smem:$0x3FDB];
	_ =	sdelay $0x1  }
0x99: {  	s19 =	simm.s32 $_scs_section_size  }
0x9a: {  	s4 =	simm.s32 $_size__tile_overlayer_lowered;
	s5 =	simm.s32 $_tile_overlayer_lowered  }
0x9b: {  	s22 =	simm.s32 $0x1BFF;
	s21 =	sshll.u32 s5, $0x1;
	s2 =	sadd.s32 s19, s18  }
0x9c: {  	s6 =	simm.s32 $0x0;
	s20 =	sshll.u32 s4, $0x1;
	s4 =	sadd.s32 s21, s2  }
0x9d: {  	[timem:s6], [sflag:s22] =	dma.local [hbm:s4], s20  }
0x9e: {  	_ =	swait.ge [sflag:s22], s20  }
0x9f: {  	s3 =	ssub.s32 $0x0, s20;
	[sflag:s22] =	ssyncset.done $0x0  }
0xa0: {  	[sflag:s22] =	ssyncadd.s32 s3;
	_ =	sdelay $0x1  }
0xa1: {  	s23 =	simm.s32 $0x1B8B  }
0xa2: {  	_ =	swait.ge [sflag:s23], $0x1  }
0xa3: {  	[sflag:s23] =	ssyncset.done $0x0  }
0xa4: {  	s25 =	simm.s32 $0x1B8E;
	s24 =	sld [smem:$0x3FFE];
	[sflag:s23] =	ssyncadd.s32 $0xFFFFFFFF  }
0xa5: {  	s26 =	simm.s32 $execute0_lowered;
	[smem:$0x3FD2] =	sst s25  }
0xa6: {  	s4 =	sshll.u32 s26, $0x1;
	_ =	strace $0x80000049;
	[dreg:$0x1] =	wrdreg $0xFFFFFFFF  }
0xa7: {  	s28 =	simm.s32 $_size_execute0_lowered;
	s2 =	sadd.s32 s2, s4;
	[dreg:$0x0] =	wrdreg $0x0  }
0xa8: {  	s4 =	sshll.u32 s28, $0x1;
	[dreg:$0x2] =	wrdreg s2  }
0xa9: {  	[dreg:$0x3] =	wrdreg s4  }
0xaa: {  	[dreg:$0x4] =	wrdreg $0xC0  }
0xab: {  	_ =	task [dreg:s6], $0x5FFFF  }
0xac: {  	[dreg:$0x1] =	wrdreg $0xFFFFFFFF  }
0xad: {  	[dreg:$0x0] =	wrdreg $0x60  }
0xae: {  	[dreg:$0x2] =	wrdreg s24  }
0xaf: {  	[dreg:$0x3] =	wrdreg $0xA8000  }
0xb0: {  	[dreg:$0x4] =	wrdreg $0x9  }
0xb1: {  	_ =	task.clear_ibuf [dreg:s6], $0x5FFFF;
	_ =	strace $0x90000049  }
0xb2: {  	s29 =	simm.s32 $0x9;
	_ =	strace $0x8000004B  }
0xb3: {  	_ =	swait.ge [sflag:s29], $0x1  }
0xb4: {  	[sflag:s29] =	ssyncadd.s32 $0xFFFFFFFF  }
0xb5: {  	_ =	strace $0x9000004B  }
0xb6: {  	_ =	sfence  }
0xb7: {  	s30 =	sld [smem:$0x0];
	_ =	sdelay $0x2  }
0xb8: {  	s31 =	sshll.u32 s1, $0xD;
	s1 =	sshrl.u32 s1, $0x2  }
0xb9: {  	s3 =	sand.u32 $0x4000, s31;
	s1 =	sadd.s32 s1, s30  }
0xba: {  	s0 =	sor.u32 s3, s0;
	s1 =	sshll.u32 s1, $0x11  }
0xbb: {  	s0 =	sor.u32 s1, s0  }
0xbc: {  	s0 =	sadd.s32 $0x8F2B, s0  }
0xbd: {  	[sflag:s0] =	ssyncadd.remote.s32 $0x1  }
0xbe: {  	_ =	sfence.sel $0xFFFF  }
0xbf: {  	[dreg:$0x0] =	wrdreg $0xFFFFFFFF;
	(pc) =	sbr.abs _section_cstart, $3  }
0xc0: {  	[dreg:$0x1] =	wrdreg $0xFFFFFFFF  }
0xc1: {  	_ =	task.clear_ibuf [dreg:s6], $0x2FFFF;
	_ =	strace $0x9FFFFFFF  }
0xc2: {  	(tm) =	ssettm $0x7FFFFFFF  }
0xc3: {  	_ =	shalt  }
tec
execute0_lowered:
.L_overlay_start_1:
0x0: {  	(tag) =	ssettag $0x1  }
0x1: {  	s0 =	rddreg [dreg:$0x0]  }
0x2: {  	s1 =	rddreg [dreg:$0x1]  }
0x3: {  	s3 =	simm.s32 $0x0;
	s2 =	srdreg.scid;
	s12 =	stileid.u32  }
0x4: {  	s15 =	simm.s32 $0x5;
	s16 =	simm.s32 $0x1400;
	s17 =	simm.s32 $0x4800  }
0x5: {  	s18 =	simm.s32 $0x40;
	s19 =	simm.s32 $0x2800;
	s20 =	simm.s32 $0x8800  }
0x6: {  	s21 =	simm.s32 $0x6800;
	s22 =	simm.s32 $0x2;
	s23 =	simm.s32 $0x1  }
0x7: {  	s24 =	simm.s32 $0x4;
	s28 =	simm.s32 $0x0;
	[smem:$0x7FF] =	sst s3  }
0x8: {  	s2 =	sand.u32 $0x1, s2;
	s4 =	sadd.s32 $0x2E600, s0;
	s9 =	smul.u32 $0x13C00, s12  }
0x9: {  	s5 =	sadd.s32 $0xF10600, s0;
	s6 =	sadd.s32 $0x6600, s0;
	s7 =	sadd.s32 $0x1A600, s0  }
0xa: {  	s10 =	sadd.s32 $0x55800, s0;
	s11 =	smul.u32 $0x4F000, s12;
	s31 =	sshll.u32 s12, $0x6  }
0xb: {  	s8 =	smul.u32 $0x13C000, s2;
	_ =	strace $0x8000004A;
	s25 =	ssub.s32 $0x2, s2  }
0xc: {  	[dreg:$0x3] =	wrdreg s10;
	s2 =	sshll.u32 s2, $0x4;
	s26 =	sshrl.u32 s25, $0x1  }
0xd: {  	s2 =	sor.u32 s12, s2;
	s30 =	sshrl.u32 s11, $0x2;
	s8 =	sadd.s32 s9, s8  }
0xe: {  	s29 =	ssub.s32 s25, s26;
	s14 =	sadd.s32 s30, s1;
	s8 =	sshrl.u32 s8, $0x3  }
0xf: {  	s9 =	sor.u32 $0x1C05, s31;
	s10 =	smul.u32 $0xA0, s2;
	s0 =	sadd.s32 s8, s0  }
0x10: {  	s11 =	smul.u32 $0x2800, s2;
	s25 =	simm.s32 $0x3;
	s0 =	sadd.s32 $0x58000, s0  }
0x11: {  	s13 =	smax.u32 s29, $0x1;
	s14 =	sshrl.u32 s14, $0x3;
	[dreg:$0x4] =	wrdreg s0  }
.LBB2_1:
0x12: {  	s0 =	rddreg [dreg:$0x3]  }
0x13: {  	[spmem:s14], [sflag:s9] =	dma.local [hbm:s0], $0x2780  }
0x14: {  	_ =	swait.ge [sflag:s15], $0x2780  }
0x15: {  	[sflag:s15] =	ssyncset.done $0x0  }
0x16: {  	[sflag:s15] =	ssyncadd.s32 $0xFFFFD880  }
0x17: {  	s26 =	simm.s32 $0x0;
	[bflag:$0x0] =	sbarrier.arrive $0xFFFF  }
.LBB2_2:
0x18: {  	s0 =	smul.u32 $0x28, s26;
	_ =	sdelay $0x1  }
0x19: {  	s0 =	sadd.s32 s10, s0  }
0x1a: {  	s0 =	sshll.u32 s0, $0x4  }
0x1b: {  	s2 =	sadd.s32 s6, s0  }
0x1c: {  	[tilespmem:s28], [sflag:$0x5] =	stream.linear.gather [hbm4b:s2+s28], $0x1400, $0x38;
	[tilespmem:$0x1E400] =	vst v63  }
0x1d: {  	_ =	swait.ge [sflag:s15], $0x1400  }
0x1e: {  	[sflag:s15] =	ssyncset.done $0x0  }
0x1f: {  	s12 =	smul.u32 $0xA00, s26;
	s0 =	sadd.s32 s7, s0;
	[sflag:s15] =	ssyncadd.s32 $0xFFFFEC00  }
0x20: {  	[tilespmem:s16], [sflag:$0x5] =	stream.linear.gather [hbm4b:s0+s28], $0x1400, $0x38;
	[tilespmem:$0x1E400] =	vst v63  }
0x21: {  	s31 =	sadd.s32 s11, s12;
	_ =	swait.ge [sflag:s15], $0x1400  }
0x22: {  	s0 =	sshll.u32 s31, $0x4;
	[sflag:s15] =	ssyncset.done $0x0  }
0x23: {  	s30 =	simm.s32 $0x0;
	s29 =	sadd.s32 s5, s0;
	[sflag:s15] =	ssyncadd.s32 $0xFFFFEC00  }
.LBB2_3:
0x24: {  	s0 =	sshll.u32 s30, $0xB  }
0x25: {  	s2 =	sshllo.u32 s30, $0x1;
	s0 =	sadd.s32 s0, s29  }
0x26: {  	[tilespmem:s17], [sflag:$0x2] =	stream.linear.gather [hbm4b:s0+s28], $0x2000, $0x38;
	[tilespmem:$0x1E400] =	vst v63  }
0x27: {  	s8 =	sshll.u32 s2, $0xA;
	s0 =	sshll.u32 s30, $0x8  }
0x28: {  	[tilespmem:s19], [sflag:$0x1] =	stream.indirect.gather [hbm4b:s4+s18], $0x80, s0, s18, $0xb8;
	[tilespmem:$0x1E400] =	vst v63  }
0x29: {  	s8 =	sadd.s32 s8, s29  }
0x2a: {  	[tilespmem:s20], [sflag:$0x4] =	stream.linear.gather [hbm4b:s8+s28], $0x2000, $0x38;
	[tilespmem:$0x1E400] =	vst v63  }
0x2b: {  	s31 =	sshll.u32 s2, $0x7  }
0x2c: {  	[tilespmem:s21], [sflag:$0x3] =	stream.indirect.gather [hbm4b:s4+s18], $0x80, s31, s18, $0xb8;
	[tilespmem:$0x1E400] =	vst v63  }
0x2d: {  	_ =	swait.ge [sflag:s22], $0x2000  }
0x2e: {  	[sflag:s22] =	ssyncset.done $0x0  }
0x2f: {  	[sflag:s22] =	ssyncadd.s32 $0xFFFFE000  }
0x30: {  	_ =	swait.ge [sflag:s23], $0x2000  }
0x31: {  	[sflag:s23] =	ssyncset.done $0x0  }
0x32: {  	s2 =	simm.s32 $0x0;
	[sflag:s23] =	ssyncadd.s32 $0xFFFFE000  }
0x33: {  	v6 =	vld [tilespmem:s2+$0x2800]  }
0x34: {  	v11 =	vld [tilespmem:s2+$0x2810]  }
0x35: {  	v5 =	vld [tilespmem:s2+$0x2820]  }
0x36: {  	v4 =	vld [tilespmem:s2+$0x2830]  }
0x37: {  	v3 =	vld [tilespmem:s2+$0x2840]  }
0x38: {  	v2 =	vld [tilespmem:s2+$0x2850]  }
0x39: {  	v1 =	vld [tilespmem:s2+$0x2860]  }
0x3a: {  	v0 =	vld [tilespmem:s2+$0x2870]  }
0x3b: {  	v12 =	vld [tilespmem:s2+$0x4800]  }
0x3c: {  	v13 =	vld [tilespmem:s2+$0x4810]  }
0x3d: {  	v10 =	vld [tilespmem:s2+$0x4820]  }
0x3e: {  	v9 =	vld [tilespmem:s2+$0x4830]  }
0x3f: {  	v8 =	vld [tilespmem:s2+$0x4840]  }
0x40: {  	v7 =	vld [tilespmem:s2+$0x4850];
	v12 =	vadd.f32 v6, v12  }
0x41: {  	s8 =	simm.s32 $0x200;
	v11 =	vadd.f32 v11, v13;
	v6 =	vld [tilespmem:s2+$0x4860]  }
.LBB2_4:
0x42: {  	s12 =	sshra.s32 s8, $0x2;
	p0 =	sne.s32 s8, $0x7E00;
	v12 =	vmax.f32 v12, $0.0e+00;
	v5 =	vadd.f32 v5, v10;
	v10 =	vld [tilespmem:s2+$0x4870]  }
0x43: {  	v13 =	vld [tilespmem:s12+$0x2800];
	[tilespmem:s2+$0x4800] =	vst v12;
	v11 =	vmax.f32 v11, $0.0e+00;
	v4 =	vadd.f32 v4, v9  }
0x44: {  	v14 =	vld [tilespmem:s12+$0x2810];
	[tilespmem:s2+$0x4810] =	vst v11;
	v9 =	vmax.f32 v5, $0.0e+00;
	v3 =	vadd.f32 v3, v8  }
0x45: {  	v5 =	vld [tilespmem:s12+$0x2820];
	[tilespmem:s2+$0x4820] =	vst v9;
	v8 =	vmax.f32 v4, $0.0e+00;
	v2 =	vadd.f32 v2, v7  }
0x46: {  	v4 =	vld [tilespmem:s12+$0x2830];
	[tilespmem:s2+$0x4830] =	vst v8;
	v7 =	vmax.f32 v3, $0.0e+00;
	v1 =	vadd.f32 v1, v6  }
0x47: {  	v3 =	vld [tilespmem:s12+$0x2840];
	[tilespmem:s2+$0x4840] =	vst v7;
	v6 =	vmax.f32 v2, $0.0e+00;
	v0 =	vadd.f32 v0, v10  }
0x48: {  	v2 =	vld [tilespmem:s12+$0x2850];
	[tilespmem:s2+$0x4850] =	vst v6;
	v6 =	vmax.f32 v1, $0.0e+00  }
0x49: {  	v1 =	vld [tilespmem:s12+$0x2860];
	[tilespmem:s2+$0x4860] =	vst v6;
	v6 =	vmax.f32 v0, $0.0e+00  }
0x4a: {  	v0 =	vld [tilespmem:s12+$0x2870];
	[tilespmem:s2+$0x4870] =	vst v6;
	s2 =	smov.u32 s12  }
0x4b: {  	v6 =	vld [tilespmem:s2+$0x4800]  }
0x4c: {  	v11 =	vld [tilespmem:s2+$0x4810]  }
.Ltmp0:
0x4d: {  	v10 =	vld [tilespmem:s2+$0x4820];
	(pc) =	sbr.rel @p0 .LBB2_4-.Ltmp0, $4  }
0x4e: {  	v9 =	vld [tilespmem:s2+$0x4830]  }
0x4f: {  	v8 =	vld [tilespmem:s2+$0x4840]  }
0x50: {  	v12 =	vadd.f32 v13, v6;
	v7 =	vld [tilespmem:s2+$0x4850]  }
0x51: {  	s8 =	sadd.s32 $0x200, s8;
	v11 =	vadd.f32 v14, v11;
	v6 =	vld [tilespmem:s2+$0x4860]  }
0x52: {  	v12 =	vmax.f32 v12, $0.0e+00;
	v5 =	vadd.f32 v5, v10;
	v10 =	vld [tilespmem:s2+$0x4870]  }
0x53: {  	[tilespmem:s2+$0x4800] =	vst v12;
	v11 =	vmax.f32 v11, $0.0e+00;
	v4 =	vadd.f32 v4, v9  }
0x54: {  	[tilespmem:s2+$0x4810] =	vst v11;
	v5 =	vmax.f32 v5, $0.0e+00;
	v3 =	vadd.f32 v3, v8  }
0x55: {  	[tilespmem:s2+$0x4820] =	vst v5;
	v4 =	vmax.f32 v4, $0.0e+00;
	v2 =	vadd.f32 v2, v7  }
0x56: {  	[tilespmem:s2+$0x4830] =	vst v4;
	v3 =	vmax.f32 v3, $0.0e+00;
	v1 =	vadd.f32 v1, v6  }
0x57: {  	[tilespmem:s2+$0x4840] =	vst v3;
	v2 =	vmax.f32 v2, $0.0e+00;
	v0 =	vadd.f32 v0, v10  }
0x58: {  	[tilespmem:s2+$0x4850] =	vst v2;
	v1 =	vmax.f32 v1, $0.0e+00  }
0x59: {  	[tilespmem:s2+$0x4860] =	vst v1;
	v0 =	vmax.f32 v0, $0.0e+00  }
0x5a: {  	s0 =	sadd.s32 $0x1400, s0;
	[tilespmem:s2+$0x4870] =	vst v0  }
0x5b: {  	[spmem:s1] =	stream.indirect.scatter.add.f32 [tilespmem:s17], [sflag:$0x5], $0x80, s0, s18, $0xb8;
	[tilespmem:$0x1E400] =	vst v63  }
0x5c: {  	_ =	swait.ge [sflag:s15], $0x2000  }
0x5d: {  	[sflag:s15] =	ssyncset.done $0x0  }
0x5e: {  	[sflag:s15] =	ssyncadd.s32 $0xFFFFE000  }
0x5f: {  	_ =	swait.ge [sflag:s24], $0x2000  }
0x60: {  	[sflag:s24] =	ssyncset.done $0x0  }
0x61: {  	[sflag:s24] =	ssyncadd.s32 $0xFFFFE000  }
0x62: {  	_ =	swait.ge [sflag:s25], $0x2000  }
0x63: {  	[sflag:s25] =	ssyncset.done $0x0  }
0x64: {  	s0 =	simm.s32 $0x0;
	[sflag:s25] =	ssyncadd.s32 $0xFFFFE000  }
0x65: {  	v6 =	vld [tilespmem:s0+$0x6800]  }
0x66: {  	v11 =	vld [tilespmem:s0+$0x6810]  }
0x67: {  	v5 =	vld [tilespmem:s0+$0x6820]  }
0x68: {  	v4 =	vld [tilespmem:s0+$0x6830]  }
0x69: {  	v3 =	vld [tilespmem:s0+$0x6840]  }
0x6a: {  	v2 =	vld [tilespmem:s0+$0x6850]  }
0x6b: {  	v1 =	vld [tilespmem:s0+$0x6860]  }
0x6c: {  	v0 =	vld [tilespmem:s0+$0x6870]  }
0x6d: {  	v12 =	vld [tilespmem:s0+$0x8800]  }
0x6e: {  	v13 =	vld [tilespmem:s0+$0x8810]  }
0x6f: {  	v10 =	vld [tilespmem:s0+$0x8820]  }
0x70: {  	v9 =	vld [tilespmem:s0+$0x8830]  }
0x71: {  	v8 =	vld [tilespmem:s0+$0x8840]  }
0x72: {  	v7 =	vld [tilespmem:s0+$0x8850];
	v12 =	vadd.f32 v6, v12  }
0x73: {  	s2 =	simm.s32 $0x200;
	v11 =	vadd.f32 v11, v13;
	v6 =	vld [tilespmem:s0+$0x8860]  }
.LBB2_6:
0x74: {  	s8 =	sshra.s32 s2, $0x2;
	p0 =	sne.s32 s2, $0x7E00;
	v12 =	vmax.f32 v12, $0.0e+00;
	v5 =	vadd.f32 v5, v10;
	v10 =	vld [tilespmem:s0+$0x8870]  }
0x75: {  	v13 =	vld [tilespmem:s8+$0x6800];
	[tilespmem:s0+$0x8800] =	vst v12;
	v11 =	vmax.f32 v11, $0.0e+00;
	v4 =	vadd.f32 v4, v9  }
0x76: {  	v14 =	vld [tilespmem:s8+$0x6810];
	[tilespmem:s0+$0x8810] =	vst v11;
	v9 =	vmax.f32 v5, $0.0e+00;
	v3 =	vadd.f32 v3, v8  }
0x77: {  	v5 =	vld [tilespmem:s8+$0x6820];
	[tilespmem:s0+$0x8820] =	vst v9;
	v8 =	vmax.f32 v4, $0.0e+00;
	v2 =	vadd.f32 v2, v7  }
0x78: {  	v4 =	vld [tilespmem:s8+$0x6830];
	[tilespmem:s0+$0x8830] =	vst v8;
	v7 =	vmax.f32 v3, $0.0e+00;
	v1 =	vadd.f32 v1, v6  }
0x79: {  	v3 =	vld [tilespmem:s8+$0x6840];
	[tilespmem:s0+$0x8840] =	vst v7;
	v6 =	vmax.f32 v2, $0.0e+00;
	v0 =	vadd.f32 v0, v10  }
0x7a: {  	v2 =	vld [tilespmem:s8+$0x6850];
	[tilespmem:s0+$0x8850] =	vst v6;
	v6 =	vmax.f32 v1, $0.0e+00  }
0x7b: {  	v1 =	vld [tilespmem:s8+$0x6860];
	[tilespmem:s0+$0x8860] =	vst v6;
	v6 =	vmax.f32 v0, $0.0e+00  }
0x7c: {  	v0 =	vld [tilespmem:s8+$0x6870];
	[tilespmem:s0+$0x8870] =	vst v6;
	s0 =	smov.u32 s8  }
0x7d: {  	v6 =	vld [tilespmem:s0+$0x8800]  }
0x7e: {  	v11 =	vld [tilespmem:s0+$0x8810]  }
.Ltmp1:
0x7f: {  	v10 =	vld [tilespmem:s0+$0x8820];
	(pc) =	sbr.rel @p0 .LBB2_6-.Ltmp1, $4  }
0x80: {  	v9 =	vld [tilespmem:s0+$0x8830]  }
0x81: {  	v8 =	vld [tilespmem:s0+$0x8840]  }
0x82: {  	v12 =	vadd.f32 v13, v6;
	v7 =	vld [tilespmem:s0+$0x8850]  }
0x83: {  	s2 =	sadd.s32 $0x200, s2;
	v11 =	vadd.f32 v14, v11;
	v6 =	vld [tilespmem:s0+$0x8860]  }
0x84: {  	v12 =	vmax.f32 v12, $0.0e+00;
	v5 =	vadd.f32 v5, v10;
	v63 =	vld [tilespmem:s0+$0x8870]  }
0x85: {  	[tilespmem:s0+$0x8800] =	vst v12;
	v11 =	vmax.f32 v11, $0.0e+00;
	v4 =	vadd.f32 v4, v9  }
0x86: {  	[tilespmem:s0+$0x8810] =	vst v11;
	v5 =	vmax.f32 v5, $0.0e+00;
	v3 =	vadd.f32 v3, v8  }
0x87: {  	[tilespmem:s0+$0x8820] =	vst v5;
	v4 =	vmax.f32 v4, $0.0e+00;
	v2 =	vadd.f32 v2, v7  }
0x88: {  	[tilespmem:s0+$0x8830] =	vst v4;
	v3 =	vmax.f32 v3, $0.0e+00;
	v1 =	vadd.f32 v1, v6  }
0x89: {  	[tilespmem:s0+$0x8840] =	vst v3;
	v2 =	vmax.f32 v2, $0.0e+00;
	v0 =	vadd.f32 v0, v63  }
0x8a: {  	s30 =	sadd.s32 $0x1, s30;
	[tilespmem:s0+$0x8850] =	vst v2;
	v1 =	vmax.f32 v1, $0.0e+00  }
0x8b: {  	p0 =	sne.s32 s30, $0x14;
	[tilespmem:s0+$0x8860] =	vst v1;
	v0 =	vmax.f32 v0, $0.0e+00  }
.Ltmp2:
0x8c: {  	s31 =	sadd.s32 $0x1400, s31;
	[tilespmem:s0+$0x8870] =	vst v0;
	(pc) =	sbr.rel @p0 .LBB2_3-.Ltmp2, $4  }
0x8d: {  	[spmem:s1] =	stream.indirect.scatter.add.f32 [tilespmem:s20], [sflag:$0x5], $0x80, s31, s18, $0xb8;
	[tilespmem:$0x1E400] =	vst v63  }
0x8e: {  	_ =	swait.ge [sflag:s15], $0x2000  }
0x8f: {  	[sflag:s15] =	ssyncset.done $0x0  }
0x90: {  	[sflag:s15] =	ssyncadd.s32 $0xFFFFE000  }
0x91: {  	s26 =	sadd.s32 $0x1, s26  }
0x92: {  	p0 =	sne.s32 s26, $0x4  }
.Ltmp3:
0x93: {  	_ = 	snop;
	(pc) =	sbr.rel @p0 .LBB2_2-.Ltmp3, $1  }
0x94: {  	_ =	sdelay $0x3  }
0x95: {  	s3 =	sadd.s32 $0x1, s3  }
0x96: {  	[bflag:$0x0] =	sbarrier.arrive $0xFFFF;
	p0 =	sne.s32 s3, s13  }
.Ltmp4:
0x97: {  	s0 =	rddreg [dreg:$0x4];
	(pc) =	sbr.rel @p0 .LBB2_1-.Ltmp4, $4  }
0x98: {  	[hbm:s0], [sflag:s9] =	dma.local [spmem:s14], $0x2780  }
0x99: {  	_ =	swait.ge [sflag:s15], $0x2780  }
0x9a: {  	[sflag:s15] =	ssyncset.done $0x0  }
0x9b: {  	[sflag:s15] =	ssyncadd.s32 $0xFFFFD880  }
0x9c: {  	_ =	sfence.sel $0x180000  }
0x9d: {  	[bflag:$0x0] =	sbarrier.arrive $0xFFFF  }
0x9e: {  	_ =	strace $0x9000004A  }
0x9f: {  	s0 =	stileid.u32;
	[bflag:$0x2] =	sbarrier.arrive $0xFFFF  }
0xa0: {  	p0 =	sne.s32 s0, $0x0;
	s0 =	rddreg [dreg:$0x2]  }
0xa1: {  	s0 =	sadd.s32 @!p0 $0x100000, s0  }
0xa2: {  	[sflag:s0] =	ssyncadd.tile.s32 @!p0 $0x1;
	_ =	shalt  }
.Lfunc_end2:
_tile_overlayer_lowered:
.L_overlay_start_2:
0xa3: {  	(tag) =	ssettag $0x2  }
0xa4: {  	s0 =	rddreg [dreg:$0x0];
	s2 =	stileid.u32  }
0xa5: {  	s1 =	rddreg [dreg:$0x1];
	p0 =	sne.s32 s2, $0x0  }
0xa6: {  	s3 =	rddreg [dreg:$0x2];
	[bflag:$0x3] =	sbarrier.arrive $0xFFFF;
	s2 =	simm.s32 @!p0 $0x1C05  }
0xa7: {  	[timem:s3], [sflag:s2] =	dma.local @!p0 [hbm:s0], s1  }
0xa8: {  	s0 =	simm.s32 @!p0 $0x5  }
0xa9: {  	_ =	swait.ge @!p0 [sflag:s0], s1  }
0xaa: {  	s1 =	ssub.s32 @!p0 $0x0, s1;
	[sflag:s0] =	ssyncset.done @!p0 $0x0  }
0xab: {  	[sflag:s0] =	ssyncadd.s32 @!p0 s1  }
0xac: {  	[bflag:$0x3] =	sbarrier.arrive $0xFFFF  }
0xad: {  	_ =	shalt  }

// kernel: kernel.19.cloned.1.call-start
scs
__scs_entry_jumppad:
0x0: {  	(pc) =	sbr.rel $0x88, $3  }
0x1: {  	(tag) =	ssettag $0x0;
	lr =	simm.s32 $0x1  }
0x2: {  	[smem:$0x3F78] =	sst lr;
	_ =	strace $0xD0000000  }
0x3: {  	_ = 	snop  }
0x4: {  	_ = 	snop  }
0x5: {  	_ = 	snop  }
0x6: {  	_ = 	snop  }
0x7: {  	_ = 	snop  }
__scs_overlays_trampoline_lowered:
0x8: {  	[smem:$0x3F87] =	sst s0  }
0x9: {  	[smem:$0x3F88] =	sst s1  }
0xa: {  	[smem:$0x3F89] =	sst s2  }
0xb: {  	[smem:$0x3F8A] =	sst s3  }
0xc: {  	[smem:$0x3F8B] =	sst s4  }
0xd: {  	[smem:$0x3F8C] =	sst s5  }
0xe: {  	[smem:$0x3F8D] =	sst s6  }
0xf: {  	[smem:$0x3F8E] =	sst s7  }
0x10: {  	[smem:$0x3F8F] =	sst s8  }
0x11: {  	[smem:$0x3F90] =	sst s9;
	s0 =	simm.s32 @!p0 $0x0  }
0x12: {  	s1 =	sld [smem:$0x3F76];
	s0 =	simm.s32 @p0 $0x1  }
0x13: {  	[smem:$0x3F91] =	sst s0;
	s0 =	simm.s32 @!p1 $0x0  }
0x14: {  	s2 =	sld [smem:$0x3F75];
	s0 =	simm.s32 @p1 $0x1  }
0x15: {  	[smem:$0x3F92] =	sst s0;
	s0 =	simm.s32 @!p2 $0x0  }
0x16: {  	s3 =	sld [smem:$0x3FDB];
	s0 =	simm.s32 @p2 $0x1  }
0x17: {  	s4 =	simm.s32 $0x1BF5;
	[smem:$0x3F94] =	sst s0  }
0x18: {  	s0 =	sld [smem:$0x3F77];
	_ =	swait.ge [sflag:s4], $0x0  }
0x19: {  	s7 =	sld [smem:$0x3F78]  }
0x1a: {  	s8 =	sadd.s32 $0xFFFFE003, lr  }
0x1b: {  	s9 =	sadd.s32 $0xFFFFFEF7, lr;
	s5 =	simm.s32 $0xFFFFFFFF;
	p2 =	slt.u32 s8, $0xFFFFF086  }
0x1c: {  	p1 =	slt.u32 s9, $0xF7A;
	s5 =	simm.s32 @!p2 $0x0  }
0x1d: {  	s5 =	simm.s32 @p1 $0x1;
	p0 =	seq.s32 s7, s2  }
0x1e: {  	s7 =	smul.u32 @!p0 $0xF7A, s2;
	p2 =	seq.s32 @!p0 s5, $0x0  }
0x1f: {  	s9 =	smul.u32 $0xF7A, s1;
	s8 =	simm.s32 @!p0 $0x1BF5;
	p2 =	por !p2, p0  }
0x20: {  	[sflag:s8] =	ssyncset.s32 @!p0 $0xFFFFF086;
	s6 =	sadd.s32 @!p0 s3, s7;
	s7 =	simm.s32 @!p0 $0x108  }
0x21: {  	s3 =	sadd.s32 s3, s9;
	s6 =	sadd.s32 @!p0 $0x88, s6;
	s7 =	simm.s32 @p2 $0x1082  }
0x22: {  	[simem:s7], [sflag:s8] =	dma.local @!p0 [hbm:s6], $0xF7A  }
0x23: {  	s9 =	sor.u32 $0xD0000000, s2;
	s6 =	simm.s32 $0x108;
	_ =	swait.ge @!p0 [sflag:s8], $0x0  }
0x24: {  	s3 =	sadd.s32 $0x88, s3;
	s6 =	simm.s32 @!p1 $0x1082;
	[sflag:s4] =	ssyncset.s32 $0xFFFFF086  }
0x25: {  	[simem:s6], [sflag:s4] =	dma.local [hbm:s3], $0xF7A  }
0x26: {  	[smem:$0x3F78] =	sst s1;
	(tag) =	ssettag s2;
	_ =	strace s9  }
0x27: {  	s1 =	sld [smem:$0x3F88]  }
0x28: {  	s2 =	sld [smem:$0x3F89]  }
0x29: {  	s4 =	sld [smem:$0x3F8B]  }
0x2a: {  	p0 =	seq.s32 s5, $0x0;
	s5 =	sld [smem:$0x3F8C]  }
0x2b: {  	s6 =	sld [smem:$0x3F8D]  }
0x2c: {  	s7 =	sld [smem:$0x3F8E]  }
0x2d: {  	s3 =	simm.s32 $0x108;
	s8 =	sld [smem:$0x3F8F]  }
0x2e: {  	s3 =	simm.s32 @!p0 $0x1082;
	s9 =	sld [smem:$0x3F90]  }
0x2f: {  	lr =	sadd.s32 s0, s3;
	s0 =	sld [smem:$0x3F87]  }
0x30: {  	s3 =	sld [smem:$0x3F8A]  }
0x31: {  	[smem:$0x3F93] =	sst s10  }
0x32: {  	s10 =	sld [smem:$0x3F91];
	_ =	sdelay $0x3  }
0x33: {  	p0 =	seq.s32 s10, $0x1;
	s10 =	sld [smem:$0x3F93];
	_ =	sdelay $0x3  }
0x34: {  	[smem:$0x3F93] =	sst s10  }
0x35: {  	s10 =	sld [smem:$0x3F92];
	_ =	sdelay $0x3  }
0x36: {  	p1 =	seq.s32 s10, $0x1;
	s10 =	sld [smem:$0x3F93];
	_ =	sdelay $0x3  }
0x37: {  	[smem:$0x3F93] =	sst s10  }
0x38: {  	s10 =	sld [smem:$0x3F94]  }
0x39: {  	_ = 	snop;
	(pc) =	sbr.ind lr, $3  }
0x3a: {  	_ = 	snop  }
0x3b: {  	_ = 	snop  }
0x3c: {  	p2 =	seq.s32 s10, $0x1;
	s10 =	sld [smem:$0x3F93]  }
0x3d: {  	_ =	shalt  }
0x3e: {  	_ =	shalt  }
0x3f: {  	_ =	shalt  }
0x40: {  	_ =	shalt  }
0x41: {  	_ =	shalt  }
0x42: {  	_ =	shalt  }
0x43: {  	_ =	shalt  }
0x44: {  	_ =	shalt  }
0x45: {  	_ =	shalt  }
0x46: {  	_ =	shalt  }
0x47: {  	_ =	shalt  }
0x48: {  	_ =	shalt  }
0x49: {  	_ =	shalt  }
0x4a: {  	_ =	shalt  }
0x4b: {  	_ =	shalt  }
0x4c: {  	_ =	shalt  }
0x4d: {  	_ =	shalt  }
0x4e: {  	_ =	shalt  }
0x4f: {  	_ =	shalt  }
0x50: {  	_ =	shalt  }
0x51: {  	_ =	shalt  }
0x52: {  	_ =	shalt  }
0x53: {  	_ =	shalt  }
0x54: {  	_ =	shalt  }
0x55: {  	_ =	shalt  }
0x56: {  	_ =	shalt  }
0x57: {  	_ =	shalt  }
0x58: {  	_ =	shalt  }
0x59: {  	_ =	shalt  }
0x5a: {  	_ =	shalt  }
0x5b: {  	_ =	shalt  }
0x5c: {  	_ =	shalt  }
0x5d: {  	_ =	shalt  }
0x5e: {  	_ =	shalt  }
0x5f: {  	_ =	shalt  }
0x60: {  	_ =	shalt  }
0x61: {  	_ =	shalt  }
0x62: {  	_ =	shalt  }
0x63: {  	_ =	shalt  }
0x64: {  	_ =	shalt  }
0x65: {  	_ =	shalt  }
0x66: {  	_ =	shalt  }
0x67: {  	_ =	shalt  }
0x68: {  	_ =	shalt  }
0x69: {  	_ =	shalt  }
0x6a: {  	_ =	shalt  }
0x6b: {  	_ =	shalt  }
0x6c: {  	_ =	shalt  }
0x6d: {  	_ =	shalt  }
0x6e: {  	_ =	shalt  }
0x6f: {  	_ =	shalt  }
0x70: {  	_ =	shalt  }
0x71: {  	_ =	shalt  }
0x72: {  	_ =	shalt  }
0x73: {  	_ =	shalt  }
0x74: {  	_ =	shalt  }
0x75: {  	_ =	shalt  }
0x76: {  	_ =	shalt  }
0x77: {  	_ =	shalt  }
0x78: {  	_ =	shalt  }
0x79: {  	_ =	shalt  }
0x7a: {  	_ =	shalt  }
0x7b: {  	_ =	shalt  }
0x7c: {  	_ =	shalt  }
0x7d: {  	_ =	shalt  }
0x7e: {  	_ =	shalt  }
0x7f: {  	_ =	shalt  }
0x80: {  	_ =	shalt  }
0x81: {  	_ =	shalt  }
0x82: {  	_ =	shalt  }
0x83: {  	_ =	shalt  }
0x84: {  	_ =	shalt  }
0x85: {  	_ =	shalt  }
0x86: {  	_ =	shalt  }
0x87: {  	_ =	shalt  }
.Lfunc_end0:
.L_simem_size_0:
called_computation.2_lowered:
.L_overlay_start_0:
0x88: {  	s2 =	sld [smem:$0x3FD9]  }
0x89: {  	s3 =	sld [smem:$0x3FFE];
	_ =	sdelay $0x1  }
0x8a: {  	s1 =	srdreg.scid  }
0x8b: {  	s0 =	sand.u32 $0x1, s1  }
0x8c: {  	s16 =	sshll.u32 s0, $0xA;
	s2 =	sadd.s32 s3, s2  }
0x8d: {  	s2 =	sadd.s32 s2, s16  }
0x8e: {  	[smem:$0x3F9F] =	sst s2  }
0x8f: {  	_ = 	snop  }
0x90: {  	(tm) =	ssettm $0x1  }
0x91: {  	s17 =	sld [smem:$0x3FFB];
	_ =	sdelay $0x3  }
0x92: {  	_ =	strace s17  }
0x93: {  	s2 =	sld [smem:$0x3FFC];
	_ =	sdelay $0x3  }
0x94: {  	_ =	strace s2  }
0x95: {  	s2 =	sld [smem:$0x3FFD];
	_ =	sdelay $0x3  }
0x96: {  	_ =	strace s2  }
0x97: {  	_ =	strace $0x8FFFFFFF  }
0x98: {  	s18 =	sld [smem:$0x3FDB];
	_ =	sdelay $0x1  }
0x99: {  	s19 =	simm.s32 $_scs_section_size  }
0x9a: {  	s4 =	simm.s32 $_size__tile_overlayer_lowered;
	s5 =	simm.s32 $_tile_overlayer_lowered  }
0x9b: {  	s22 =	simm.s32 $0x1BFF;
	s21 =	sshll.u32 s5, $0x1;
	s2 =	sadd.s32 s19, s18  }
0x9c: {  	s6 =	simm.s32 $0x0;
	s20 =	sshll.u32 s4, $0x1;
	s4 =	sadd.s32 s21, s2  }
0x9d: {  	[timem:s6], [sflag:s22] =	dma.local [hbm:s4], s20  }
0x9e: {  	_ =	swait.ge [sflag:s22], s20  }
0x9f: {  	s3 =	ssub.s32 $0x0, s20;
	[sflag:s22] =	ssyncset.done $0x0  }
0xa0: {  	[sflag:s22] =	ssyncadd.s32 s3;
	_ =	sdelay $0x1  }
0xa1: {  	s23 =	simm.s32 $0x1B8B  }
0xa2: {  	_ =	swait.ge [sflag:s23], $0x1  }
0xa3: {  	[sflag:s23] =	ssyncset.done $0x0  }
0xa4: {  	s25 =	simm.s32 $0x1B8E;
	s24 =	sld [smem:$0x3FFE];
	[sflag:s23] =	ssyncadd.s32 $0xFFFFFFFF  }
0xa5: {  	s26 =	simm.s32 $execute0_lowered;
	[smem:$0x3FD2] =	sst s25  }
0xa6: {  	s4 =	sshll.u32 s26, $0x1;
	_ =	strace $0x8000004C;
	[dreg:$0x1] =	wrdreg $0xFFFFFFFF  }
0xa7: {  	s28 =	simm.s32 $_size_execute0_lowered;
	s2 =	sadd.s32 s2, s4;
	[dreg:$0x0] =	wrdreg $0x0  }
0xa8: {  	s4 =	sshll.u32 s28, $0x1;
	[dreg:$0x2] =	wrdreg s2  }
0xa9: {  	[dreg:$0x3] =	wrdreg s4  }
0xaa: {  	[dreg:$0x4] =	wrdreg $0xC0  }
0xab: {  	_ =	task [dreg:s6], $0x5FFFF  }
0xac: {  	[dreg:$0x1] =	wrdreg $0xFFFFFFFF  }
0xad: {  	[dreg:$0x0] =	wrdreg $0x60  }
0xae: {  	[dreg:$0x2] =	wrdreg s24  }
0xaf: {  	[dreg:$0x3] =	wrdreg $0xA8000  }
0xb0: {  	[dreg:$0x4] =	wrdreg $0x9  }
0xb1: {  	_ =	task.clear_ibuf [dreg:s6], $0x5FFFF;
	_ =	strace $0x9000004C  }
0xb2: {  	s29 =	simm.s32 $0x9;
	_ =	strace $0x8000004E  }
0xb3: {  	_ =	swait.ge [sflag:s29], $0x1  }
0xb4: {  	[sflag:s29] =	ssyncadd.s32 $0xFFFFFFFF  }
0xb5: {  	_ =	strace $0x9000004E  }
0xb6: {  	_ =	sfence  }
0xb7: {  	s30 =	sld [smem:$0x0];
	_ =	sdelay $0x2  }
0xb8: {  	s31 =	sshll.u32 s1, $0xD;
	s1 =	sshrl.u32 s1, $0x2  }
0xb9: {  	s3 =	sand.u32 $0x4000, s31;
	s1 =	sadd.s32 s1, s30  }
0xba: {  	s0 =	sor.u32 s3, s0;
	s1 =	sshll.u32 s1, $0x11  }
0xbb: {  	s0 =	sor.u32 s1, s0  }
0xbc: {  	s0 =	sadd.s32 $0x8F2B, s0  }
0xbd: {  	[sflag:s0] =	ssyncadd.remote.s32 $0x1  }
0xbe: {  	_ =	sfence.sel $0xFFFF  }
0xbf: {  	[dreg:$0x0] =	wrdreg $0xFFFFFFFF;
	(pc) =	sbr.abs _section_cstart, $3  }
0xc0: {  	[dreg:$0x1] =	wrdreg $0xFFFFFFFF  }
0xc1: {  	_ =	task.clear_ibuf [dreg:s6], $0x2FFFF;
	_ =	strace $0x9FFFFFFF  }
0xc2: {  	(tm) =	ssettm $0x7FFFFFFF  }
0xc3: {  	_ =	shalt  }
tec
execute0_lowered:
.L_overlay_start_1:
0x0: {  	(tag) =	ssettag $0x1  }
0x1: {  	s0 =	rddreg [dreg:$0x0]  }
0x2: {  	s1 =	rddreg [dreg:$0x1]  }
0x3: {  	s3 =	simm.s32 $0x0;
	s2 =	srdreg.scid;
	s12 =	stileid.u32  }
0x4: {  	s15 =	simm.s32 $0x5;
	s16 =	simm.s32 $0x1400;
	s17 =	simm.s32 $0x4800  }
0x5: {  	s18 =	simm.s32 $0x40;
	s19 =	simm.s32 $0x2800;
	s20 =	simm.s32 $0x8800  }
0x6: {  	s21 =	simm.s32 $0x6800;
	s22 =	simm.s32 $0x2;
	s23 =	simm.s32 $0x1  }
0x7: {  	s24 =	simm.s32 $0x4;
	s28 =	simm.s32 $0x0;
	[smem:$0x7FF] =	sst s3  }
0x8: {  	s2 =	sand.u32 $0x1, s2;
	s4 =	sadd.s32 $0x2E600, s0;
	s9 =	smul.u32 $0x13C00, s12  }
0x9: {  	s5 =	sadd.s32 $0xA10600, s0;
	s6 =	sadd.s32 $0x6600, s0;
	s7 =	sadd.s32 $0x1A600, s0  }
0xa: {  	s10 =	sadd.s32 $0x55800, s0;
	s11 =	smul.u32 $0x4F000, s12;
	s31 =	sshll.u32 s12, $0x6  }
0xb: {  	s8 =	smul.u32 $0x13C000, s2;
	_ =	strace $0x8000004D;
	s25 =	ssub.s32 $0x2, s2  }
0xc: {  	[dreg:$0x3] =	wrdreg s10;
	s2 =	sshll.u32 s2, $0x4;
	s26 =	sshrl.u32 s25, $0x1  }
0xd: {  	s2 =	sor.u32 s12, s2;
	s30 =	sshrl.u32 s11, $0x2;
	s8 =	sadd.s32 s9, s8  }
0xe: {  	s29 =	ssub.s32 s25, s26;
	s14 =	sadd.s32 s30, s1;
	s8 =	sshrl.u32 s8, $0x3  }
0xf: {  	s9 =	sor.u32 $0x1C05, s31;
	s10 =	smul.u32 $0xA0, s2;
	s0 =	sadd.s32 s8, s0  }
0x10: {  	s11 =	smul.u32 $0x2800, s2;
	s25 =	simm.s32 $0x3;
	s0 =	sadd.s32 $0x58000, s0  }
0x11: {  	s13 =	smax.u32 s29, $0x1;
	s14 =	sshrl.u32 s14, $0x3;
	[dreg:$0x4] =	wrdreg s0  }
.LBB2_1:
0x12: {  	s0 =	rddreg [dreg:$0x3]  }
0x13: {  	[spmem:s14], [sflag:s9] =	dma.local [hbm:s0], $0x2780  }
0x14: {  	_ =	swait.ge [sflag:s15], $0x2780  }
0x15: {  	[sflag:s15] =	ssyncset.done $0x0  }
0x16: {  	[sflag:s15] =	ssyncadd.s32 $0xFFFFD880  }
0x17: {  	s26 =	simm.s32 $0x0;
	[bflag:$0x0] =	sbarrier.arrive $0xFFFF  }
.LBB2_2:
0x18: {  	s0 =	smul.u32 $0x28, s26;
	_ =	sdelay $0x1  }
0x19: {  	s0 =	sadd.s32 s10, s0  }
0x1a: {  	s0 =	sshll.u32 s0, $0x4  }
0x1b: {  	s2 =	sadd.s32 s6, s0  }
0x1c: {  	[tilespmem:s28], [sflag:$0x5] =	stream.linear.gather [hbm4b:s2+s28], $0x1400, $0x38;
	[tilespmem:$0x1E400] =	vst v63  }
0x1d: {  	_ =	swait.ge [sflag:s15], $0x1400  }
0x1e: {  	[sflag:s15] =	ssyncset.done $0x0  }
0x1f: {  	s12 =	smul.u32 $0xA00, s26;
	s0 =	sadd.s32 s7, s0;
	[sflag:s15] =	ssyncadd.s32 $0xFFFFEC00  }
0x20: {  	[tilespmem:s16], [sflag:$0x5] =	stream.linear.gather [hbm4b:s0+s28], $0x1400, $0x38;
	[tilespmem:$0x1E400] =	vst v63  }
0x21: {  	s31 =	sadd.s32 s11, s12;
	_ =	swait.ge [sflag:s15], $0x1400  }
0x22: {  	s0 =	sshll.u32 s31, $0x4;
	[sflag:s15] =	ssyncset.done $0x0  }
0x23: {  	s30 =	simm.s32 $0x0;
	s29 =	sadd.s32 s5, s0;
	[sflag:s15] =	ssyncadd.s32 $0xFFFFEC00  }
.LBB2_3:
0x24: {  	s0 =	sshll.u32 s30, $0xB  }
0x25: {  	s2 =	sshllo.u32 s30, $0x1;
	s0 =	sadd.s32 s0, s29  }
0x26: {  	[tilespmem:s17], [sflag:$0x2] =	stream.linear.gather [hbm4b:s0+s28], $0x2000, $0x38;
	[tilespmem:$0x1E400] =	vst v63  }
0x27: {  	s8 =	sshll.u32 s2, $0xA;
	s0 =	sshll.u32 s30, $0x8  }
0x28: {  	[tilespmem:s19], [sflag:$0x1] =	stream.indirect.gather [hbm4b:s4+s18], $0x80, s0, s18, $0xb8;
	[tilespmem:$0x1E400] =	vst v63  }
0x29: {  	s8 =	sadd.s32 s8, s29  }
0x2a: {  	[tilespmem:s20], [sflag:$0x4] =	stream.linear.gather [hbm4b:s8+s28], $0x2000, $0x38;
	[tilespmem:$0x1E400] =	vst v63  }
0x2b: {  	s31 =	sshll.u32 s2, $0x7  }
0x2c: {  	[tilespmem:s21], [sflag:$0x3] =	stream.indirect.gather [hbm4b:s4+s18], $0x80, s31, s18, $0xb8;
	[tilespmem:$0x1E400] =	vst v63  }
0x2d: {  	_ =	swait.ge [sflag:s22], $0x2000  }
0x2e: {  	[sflag:s22] =	ssyncset.done $0x0  }
0x2f: {  	[sflag:s22] =	ssyncadd.s32 $0xFFFFE000  }
0x30: {  	_ =	swait.ge [sflag:s23], $0x2000  }
0x31: {  	[sflag:s23] =	ssyncset.done $0x0  }
0x32: {  	s2 =	simm.s32 $0x0;
	[sflag:s23] =	ssyncadd.s32 $0xFFFFE000  }
0x33: {  	v6 =	vld [tilespmem:s2+$0x2800]  }
0x34: {  	v11 =	vld [tilespmem:s2+$0x2810]  }
0x35: {  	v5 =	vld [tilespmem:s2+$0x2820]  }
0x36: {  	v4 =	vld [tilespmem:s2+$0x2830]  }
0x37: {  	v3 =	vld [tilespmem:s2+$0x2840]  }
0x38: {  	v2 =	vld [tilespmem:s2+$0x2850]  }
0x39: {  	v1 =	vld [tilespmem:s2+$0x2860]  }
0x3a: {  	v0 =	vld [tilespmem:s2+$0x2870]  }
0x3b: {  	v12 =	vld [tilespmem:s2+$0x4800]  }
0x3c: {  	v13 =	vld [tilespmem:s2+$0x4810]  }
0x3d: {  	v10 =	vld [tilespmem:s2+$0x4820]  }
0x3e: {  	v9 =	vld [tilespmem:s2+$0x4830]  }
0x3f: {  	v8 =	vld [tilespmem:s2+$0x4840]  }
0x40: {  	v7 =	vld [tilespmem:s2+$0x4850];
	v12 =	vadd.f32 v6, v12  }
0x41: {  	s8 =	simm.s32 $0x200;
	v11 =	vadd.f32 v11, v13;
	v6 =	vld [tilespmem:s2+$0x4860]  }
.LBB2_4:
0x42: {  	s12 =	sshra.s32 s8, $0x2;
	p0 =	sne.s32 s8, $0x7E00;
	v12 =	vmax.f32 v12, $0.0e+00;
	v5 =	vadd.f32 v5, v10;
	v10 =	vld [tilespmem:s2+$0x4870]  }
0x43: {  	v13 =	vld [tilespmem:s12+$0x2800];
	[tilespmem:s2+$0x4800] =	vst v12;
	v11 =	vmax.f32 v11, $0.0e+00;
	v4 =	vadd.f32 v4, v9  }
0x44: {  	v14 =	vld [tilespmem:s12+$0x2810];
	[tilespmem:s2+$0x4810] =	vst v11;
	v9 =	vmax.f32 v5, $0.0e+00;
	v3 =	vadd.f32 v3, v8  }
0x45: {  	v5 =	vld [tilespmem:s12+$0x2820];
	[tilespmem:s2+$0x4820] =	vst v9;
	v8 =	vmax.f32 v4, $0.0e+00;
	v2 =	vadd.f32 v2, v7  }
0x46: {  	v4 =	vld [tilespmem:s12+$0x2830];
	[tilespmem:s2+$0x4830] =	vst v8;
	v7 =	vmax.f32 v3, $0.0e+00;
	v1 =	vadd.f32 v1, v6  }
0x47: {  	v3 =	vld [tilespmem:s12+$0x2840];
	[tilespmem:s2+$0x4840] =	vst v7;
	v6 =	vmax.f32 v2, $0.0e+00;
	v0 =	vadd.f32 v0, v10  }
0x48: {  	v2 =	vld [tilespmem:s12+$0x2850];
	[tilespmem:s2+$0x4850] =	vst v6;
	v6 =	vmax.f32 v1, $0.0e+00  }
0x49: {  	v1 =	vld [tilespmem:s12+$0x2860];
	[tilespmem:s2+$0x4860] =	vst v6;
	v6 =	vmax.f32 v0, $0.0e+00  }
0x4a: {  	v0 =	vld [tilespmem:s12+$0x2870];
	[tilespmem:s2+$0x4870] =	vst v6;
	s2 =	smov.u32 s12  }
0x4b: {  	v6 =	vld [tilespmem:s2+$0x4800]  }
0x4c: {  	v11 =	vld [tilespmem:s2+$0x4810]  }
.Ltmp0:
0x4d: {  	v10 =	vld [tilespmem:s2+$0x4820];
	(pc) =	sbr.rel @p0 .LBB2_4-.Ltmp0, $4  }
0x4e: {  	v9 =	vld [tilespmem:s2+$0x4830]  }
0x4f: {  	v8 =	vld [tilespmem:s2+$0x4840]  }
0x50: {  	v12 =	vadd.f32 v13, v6;
	v7 =	vld [tilespmem:s2+$0x4850]  }
0x51: {  	s8 =	sadd.s32 $0x200, s8;
	v11 =	vadd.f32 v14, v11;
	v6 =	vld [tilespmem:s2+$0x4860]  }
0x52: {  	v12 =	vmax.f32 v12, $0.0e+00;
	v5 =	vadd.f32 v5, v10;
	v10 =	vld [tilespmem:s2+$0x4870]  }
0x53: {  	[tilespmem:s2+$0x4800] =	vst v12;
	v11 =	vmax.f32 v11, $0.0e+00;
	v4 =	vadd.f32 v4, v9  }
0x54: {  	[tilespmem:s2+$0x4810] =	vst v11;
	v5 =	vmax.f32 v5, $0.0e+00;
	v3 =	vadd.f32 v3, v8  }
0x55: {  	[tilespmem:s2+$0x4820] =	vst v5;
	v4 =	vmax.f32 v4, $0.0e+00;
	v2 =	vadd.f32 v2, v7  }
0x56: {  	[tilespmem:s2+$0x4830] =	vst v4;
	v3 =	vmax.f32 v3, $0.0e+00;
	v1 =	vadd.f32 v1, v6  }
0x57: {  	[tilespmem:s2+$0x4840] =	vst v3;
	v2 =	vmax.f32 v2, $0.0e+00;
	v0 =	vadd.f32 v0, v10  }
0x58: {  	[tilespmem:s2+$0x4850] =	vst v2;
	v1 =	vmax.f32 v1, $0.0e+00  }
0x59: {  	[tilespmem:s2+$0x4860] =	vst v1;
	v0 =	vmax.f32 v0, $0.0e+00  }
0x5a: {  	s0 =	sadd.s32 $0x1400, s0;
	[tilespmem:s2+$0x4870] =	vst v0  }
0x5b: {  	[spmem:s1] =	stream.indirect.scatter.add.f32 [tilespmem:s17], [sflag:$0x5], $0x80, s0, s18, $0xb8;
	[tilespmem:$0x1E400] =	vst v63  }
0x5c: {  	_ =	swait.ge [sflag:s15], $0x2000  }
0x5d: {  	[sflag:s15] =	ssyncset.done $0x0  }
0x5e: {  	[sflag:s15] =	ssyncadd.s32 $0xFFFFE000  }
0x5f: {  	_ =	swait.ge [sflag:s24], $0x2000  }
0x60: {  	[sflag:s24] =	ssyncset.done $0x0  }
0x61: {  	[sflag:s24] =	ssyncadd.s32 $0xFFFFE000  }
0x62: {  	_ =	swait.ge [sflag:s25], $0x2000  }
0x63: {  	[sflag:s25] =	ssyncset.done $0x0  }
0x64: {  	s0 =	simm.s32 $0x0;
	[sflag:s25] =	ssyncadd.s32 $0xFFFFE000  }
0x65: {  	v6 =	vld [tilespmem:s0+$0x6800]  }
0x66: {  	v11 =	vld [tilespmem:s0+$0x6810]  }
0x67: {  	v5 =	vld [tilespmem:s0+$0x6820]  }
0x68: {  	v4 =	vld [tilespmem:s0+$0x6830]  }
0x69: {  	v3 =	vld [tilespmem:s0+$0x6840]  }
0x6a: {  	v2 =	vld [tilespmem:s0+$0x6850]  }
0x6b: {  	v1 =	vld [tilespmem:s0+$0x6860]  }
0x6c: {  	v0 =	vld [tilespmem:s0+$0x6870]  }
0x6d: {  	v12 =	vld [tilespmem:s0+$0x8800]  }
0x6e: {  	v13 =	vld [tilespmem:s0+$0x8810]  }
0x6f: {  	v10 =	vld [tilespmem:s0+$0x8820]  }
0x70: {  	v9 =	vld [tilespmem:s0+$0x8830]  }
0x71: {  	v8 =	vld [tilespmem:s0+$0x8840]  }
0x72: {  	v7 =	vld [tilespmem:s0+$0x8850];
	v12 =	vadd.f32 v6, v12  }
0x73: {  	s2 =	simm.s32 $0x200;
	v11 =	vadd.f32 v11, v13;
	v6 =	vld [tilespmem:s0+$0x8860]  }
.LBB2_6:
0x74: {  	s8 =	sshra.s32 s2, $0x2;
	p0 =	sne.s32 s2, $0x7E00;
	v12 =	vmax.f32 v12, $0.0e+00;
	v5 =	vadd.f32 v5, v10;
	v10 =	vld [tilespmem:s0+$0x8870]  }
0x75: {  	v13 =	vld [tilespmem:s8+$0x6800];
	[tilespmem:s0+$0x8800] =	vst v12;
	v11 =	vmax.f32 v11, $0.0e+00;
	v4 =	vadd.f32 v4, v9  }
0x76: {  	v14 =	vld [tilespmem:s8+$0x6810];
	[tilespmem:s0+$0x8810] =	vst v11;
	v9 =	vmax.f32 v5, $0.0e+00;
	v3 =	vadd.f32 v3, v8  }
0x77: {  	v5 =	vld [tilespmem:s8+$0x6820];
	[tilespmem:s0+$0x8820] =	vst v9;
	v8 =	vmax.f32 v4, $0.0e+00;
	v2 =	vadd.f32 v2, v7  }
0x78: {  	v4 =	vld [tilespmem:s8+$0x6830];
	[tilespmem:s0+$0x8830] =	vst v8;
	v7 =	vmax.f32 v3, $0.0e+00;
	v1 =	vadd.f32 v1, v6  }
0x79: {  	v3 =	vld [tilespmem:s8+$0x6840];
	[tilespmem:s0+$0x8840] =	vst v7;
	v6 =	vmax.f32 v2, $0.0e+00;
	v0 =	vadd.f32 v0, v10  }
0x7a: {  	v2 =	vld [tilespmem:s8+$0x6850];
	[tilespmem:s0+$0x8850] =	vst v6;
	v6 =	vmax.f32 v1, $0.0e+00  }
0x7b: {  	v1 =	vld [tilespmem:s8+$0x6860];
	[tilespmem:s0+$0x8860] =	vst v6;
	v6 =	vmax.f32 v0, $0.0e+00  }
0x7c: {  	v0 =	vld [tilespmem:s8+$0x6870];
	[tilespmem:s0+$0x8870] =	vst v6;
	s0 =	smov.u32 s8  }
0x7d: {  	v6 =	vld [tilespmem:s0+$0x8800]  }
0x7e: {  	v11 =	vld [tilespmem:s0+$0x8810]  }
.Ltmp1:
0x7f: {  	v10 =	vld [tilespmem:s0+$0x8820];
	(pc) =	sbr.rel @p0 .LBB2_6-.Ltmp1, $4  }
0x80: {  	v9 =	vld [tilespmem:s0+$0x8830]  }
0x81: {  	v8 =	vld [tilespmem:s0+$0x8840]  }
0x82: {  	v12 =	vadd.f32 v13, v6;
	v7 =	vld [tilespmem:s0+$0x8850]  }
0x83: {  	s2 =	sadd.s32 $0x200, s2;
	v11 =	vadd.f32 v14, v11;
	v6 =	vld [tilespmem:s0+$0x8860]  }
0x84: {  	v12 =	vmax.f32 v12, $0.0e+00;
	v5 =	vadd.f32 v5, v10;
	v63 =	vld [tilespmem:s0+$0x8870]  }
0x85: {  	[tilespmem:s0+$0x8800] =	vst v12;
	v11 =	vmax.f32 v11, $0.0e+00;
	v4 =	vadd.f32 v4, v9  }
0x86: {  	[tilespmem:s0+$0x8810] =	vst v11;
	v5 =	vmax.f32 v5, $0.0e+00;
	v3 =	vadd.f32 v3, v8  }
0x87: {  	[tilespmem:s0+$0x8820] =	vst v5;
	v4 =	vmax.f32 v4, $0.0e+00;
	v2 =	vadd.f32 v2, v7  }
0x88: {  	[tilespmem:s0+$0x8830] =	vst v4;
	v3 =	vmax.f32 v3, $0.0e+00;
	v1 =	vadd.f32 v1, v6  }
0x89: {  	[tilespmem:s0+$0x8840] =	vst v3;
	v2 =	vmax.f32 v2, $0.0e+00;
	v0 =	vadd.f32 v0, v63  }
0x8a: {  	s30 =	sadd.s32 $0x1, s30;
	[tilespmem:s0+$0x8850] =	vst v2;
	v1 =	vmax.f32 v1, $0.0e+00  }
0x8b: {  	p0 =	sne.s32 s30, $0x14;
	[tilespmem:s0+$0x8860] =	vst v1;
	v0 =	vmax.f32 v0, $0.0e+00  }
.Ltmp2:
0x8c: {  	s31 =	sadd.s32 $0x1400, s31;
	[tilespmem:s0+$0x8870] =	vst v0;
	(pc) =	sbr.rel @p0 .LBB2_3-.Ltmp2, $4  }
0x8d: {  	[spmem:s1] =	stream.indirect.scatter.add.f32 [tilespmem:s20], [sflag:$0x5], $0x80, s31, s18, $0xb8;
	[tilespmem:$0x1E400] =	vst v63  }
0x8e: {  	_ =	swait.ge [sflag:s15], $0x2000  }
0x8f: {  	[sflag:s15] =	ssyncset.done $0x0  }
0x90: {  	[sflag:s15] =	ssyncadd.s32 $0xFFFFE000  }
0x91: {  	s26 =	sadd.s32 $0x1, s26  }
0x92: {  	p0 =	sne.s32 s26, $0x4  }
.Ltmp3:
0x93: {  	_ = 	snop;
	(pc) =	sbr.rel @p0 .LBB2_2-.Ltmp3, $1  }
0x94: {  	_ =	sdelay $0x3  }
0x95: {  	s3 =	sadd.s32 $0x1, s3  }
0x96: {  	[bflag:$0x0] =	sbarrier.arrive $0xFFFF;
	p0 =	sne.s32 s3, s13  }
.Ltmp4:
0x97: {  	s0 =	rddreg [dreg:$0x4];
	(pc) =	sbr.rel @p0 .LBB2_1-.Ltmp4, $4  }
0x98: {  	[hbm:s0], [sflag:s9] =	dma.local [spmem:s14], $0x2780  }
0x99: {  	_ =	swait.ge [sflag:s15], $0x2780  }
0x9a: {  	[sflag:s15] =	ssyncset.done $0x0  }
0x9b: {  	[sflag:s15] =	ssyncadd.s32 $0xFFFFD880  }
0x9c: {  	_ =	sfence.sel $0x180000  }
0x9d: {  	[bflag:$0x0] =	sbarrier.arrive $0xFFFF  }
0x9e: {  	_ =	strace $0x9000004D  }
0x9f: {  	s0 =	stileid.u32;
	[bflag:$0x2] =	sbarrier.arrive $0xFFFF  }
0xa0: {  	p0 =	sne.s32 s0, $0x0;
	s0 =	rddreg [dreg:$0x2]  }
0xa1: {  	s0 =	sadd.s32 @!p0 $0x100000, s0  }
0xa2: {  	[sflag:s0] =	ssyncadd.tile.s32 @!p0 $0x1;
	_ =	shalt  }
.Lfunc_end2:
_tile_overlayer_lowered:
.L_overlay_start_2:
0xa3: {  	(tag) =	ssettag $0x2  }
0xa4: {  	s0 =	rddreg [dreg:$0x0];
	s2 =	stileid.u32  }
0xa5: {  	s1 =	rddreg [dreg:$0x1];
	p0 =	sne.s32 s2, $0x0  }
0xa6: {  	s3 =	rddreg [dreg:$0x2];
	[bflag:$0x3] =	sbarrier.arrive $0xFFFF;
	s2 =	simm.s32 @!p0 $0x1C05  }
0xa7: {  	[timem:s3], [sflag:s2] =	dma.local @!p0 [hbm:s0], s1  }
0xa8: {  	s0 =	simm.s32 @!p0 $0x5  }
0xa9: {  	_ =	swait.ge @!p0 [sflag:s0], s1  }
0xaa: {  	s1 =	ssub.s32 @!p0 $0x0, s1;
	[sflag:s0] =	ssyncset.done @!p0 $0x0  }
0xab: {  	[sflag:s0] =	ssyncadd.s32 @!p0 s1  }
0xac: {  	[bflag:$0x3] =	sbarrier.arrive $0xFFFF  }
0xad: {  	_ =	shalt  }

</sc_bundles>
